<compile_context>
chip_gen: v7x
topology: tpu7x:2x2x1
jax: 0.10.2.dev20260603
libtpu: 0.0.44.dev20260713+nightly
codegen_flags: <defaults>
</compile_context>

<pallas_src>
import jax
import jax.numpy as jnp
import numpy as np
from jax import lax
from jax.experimental import pallas as pl
from jax.experimental.pallas import tpu as pltpu
from jax.experimental.pallas import tpu_sc as plsc

B = 4
N = 5000
TOPK = 5
L = 16
NPAD = 5120
NSH = 8
SEG = NPAD // NSH
LCH = SEG // L
NCORES = 2
NSUB = 16
RECW = NSUB * L
OUTW = 128
SUP = 64
NO = 80
UNROLL = 4
CONF = np.float32(0.2)
IOU = np.float32(0.4)
NEG = np.float32(-1e30)
NEGHALF = np.float32(-5e29)
EPS = np.float32(1e-9)
BIGI = np.int32(2**30)
ONE = np.float32(1.0)
ZERO = np.float32(0.0)


def _nms_body(bt_hbm, sp_hbm, out_hbm,
              x1_v, y1_v, x2_v, y2_v, ws_v, area_v, out_v,
              rec_v, all_v, shared, si, sf):
    cid = lax.axis_index("c")
    sid = lax.axis_index("s")
    grp = sid // NSH
    lid = sid % NSH
    b = cid * 2 + grp
    base = lid * SEG
    gbase = grp * NSH

    pltpu.sync_copy(bt_hbm.at[b, 0, pl.ds(base, SEG)],
                    x1_v.at[pl.ds(0, SEG)])
    pltpu.sync_copy(bt_hbm.at[b, 1, pl.ds(base, SEG)],
                    y1_v.at[pl.ds(0, SEG)])
    pltpu.sync_copy(bt_hbm.at[b, 2, pl.ds(base, SEG)],
                    x2_v.at[pl.ds(0, SEG)])
    pltpu.sync_copy(bt_hbm.at[b, 3, pl.ds(base, SEG)],
                    y2_v.at[pl.ds(0, SEG)])
    pltpu.sync_copy(sp_hbm.at[b, pl.ds(base, SEG)], ws_v)

    iota = lax.iota(jnp.int32, L)
    zero16 = jnp.zeros((L,), jnp.float32)

    @pl.when(lid == 0)
    def _():
        def pz(r, _):
            out_v[pl.ds(r * L, L)] = zero16
            return 0
        lax.fori_loop(0, OUTW // L, pz, 0)

    si[0] = np.int32(0)
    si[1] = np.int32(1)
    si[2] = np.int32(-1)
    si[4] = np.int32(0)

    def share(rec):
        par = si[4] & np.int32(1)
        off = par * RECW
        rec_v[pl.ds(0, L)] = rec
        pltpu.sync_copy(rec_v, shared.at[pl.ds(off + sid * L, L)])
        plsc.subcore_barrier()
        pltpu.sync_copy(shared.at[pl.ds(off, RECW)], all_v)
        si[4] = si[4] + np.int32(1)

    def nms_round(first):
        if first:
            prev_idx = np.int32(-1)
            nch = np.int32(LCH)
        else:
            prev_idx = si[2]
            px1 = sf[0]
            py1 = sf[1]
            px2 = sf[2]
            py2 = sf[3]
            par = sf[4]
            nch = jnp.where(si[1] == 1, np.int32(LCH), np.int32(0))

        @plsc.parallel_loop(
            0, nch, step=1, unroll=UNROLL,
            carry=(jnp.full((L,), NEG, jnp.float32),
                   jnp.full((L,), BIGI)))
        def final(i, carry):
            bv, bi = carry
            sl = pl.ds(i * L, L)
            ws = ws_v[sl]
            idxv = iota + (base + i * L)
            if first:
                area_v[sl] = (x2_v[sl] - x1_v[sl]) * (y2_v[sl] - y1_v[sl])
                wsn = ws
            else:
                x1 = x1_v[sl]
                y1 = y1_v[sl]
                x2 = x2_v[sl]
                y2 = y2_v[sl]
                ar = area_v[sl]
                ix1 = jnp.maximum(px1, x1)
                iy1 = jnp.maximum(py1, y1)
                ix2 = jnp.minimum(px2, x2)
                iy2 = jnp.minimum(py2, y2)
                inter = (jnp.maximum(ix2 - ix1, 0.0)
                         * jnp.maximum(iy2 - iy1, 0.0))
                iou = inter / (par + ar - inter + EPS)
                sup = (iou > IOU) | (idxv == prev_idx)
                wsn = jnp.where(sup, NEG, ws)
                ws_v[sl] = wsn
            better = (wsn > bv) | ((wsn == bv) & (idxv < bi))
            bv = jnp.where(better, wsn, bv)
            bi = jnp.where(better, idxv, bi)
            return bv, bi

        bv, bi = final
        for s in (8, 4, 2, 1):
            gv = bv[iota ^ s]
            gi = bi[iota ^ s]
            better = (gv > bv) | ((gv == bv) & (gi < bi))
            bv = jnp.where(better, gv, bv)
            bi = jnp.where(better, gi, bi)
        lm = bv[0]
        lsel = bi[0]
        loff = jnp.where(lm > NEGHALF, lsel - base, np.int32(0))
        lx1 = x1_v[pl.ds(loff, L)][0]
        ly1 = y1_v[pl.ds(loff, L)][0]
        lx2 = x2_v[pl.ds(loff, L)][0]
        ly2 = y2_v[pl.ds(loff, L)][0]
        lar = area_v[pl.ds(loff, L)][0]
        contf = jnp.where(si[1] == 1, ONE, ZERO)

        rec = jnp.where(iota == 0, lm,
              jnp.where(iota == 1, lsel.astype(jnp.float32),
              jnp.where(iota == 2, lx1,
              jnp.where(iota == 3, ly1,
              jnp.where(iota == 4, lx2,
              jnp.where(iota == 5, ly2,
              jnp.where(iota == 6, lar,
              jnp.where(iota == 7, contf, ZERO))))))))
        share(rec)

        bm = NEG
        bidx = np.float32(2**30)
        brec = zero16
        for r in range(NSH):
            rr = all_v[pl.ds((gbase + r) * L, L)]
            rm = rr[0]
            ridx = rr[1]
            better = (rm > bm) | ((rm == bm) & (ridx < bidx))
            bm = jnp.where(better, rm, bm)
            bidx = jnp.where(better, ridx, bidx)
            mi = jnp.full((L,), jnp.where(better, np.int32(-1), np.int32(0)))
            rr_i = lax.bitcast_convert_type(rr, jnp.int32)
            br_i = lax.bitcast_convert_type(brec, jnp.int32)
            brec = lax.bitcast_convert_type((rr_i & mi) | (br_i & ~mi),
                                            jnp.float32)
        acc = zero16
        for r in range(NCORES * NSH):
            acc = jnp.maximum(acc, all_v[pl.ds(r * L, L)])
        anyc = acc[7]

        if first:
            thr = jnp.where(bm > CONF, CONF, ZERO)
            sf[5] = thr
        else:
            thr = sf[5]
        have = bm > thr
        cx1 = brec[2]
        cy1 = brec[3]
        cx2 = brec[4]
        cy2 = brec[5]
        nontiny = (cx2 - cx1 >= 1.0) & (cy2 - cy1 >= 1.0)
        emit = have & nontiny

        @pl.when(emit & (lid == 0))
        def _():
            perm = jnp.where(iota < 4, iota + 2,
                             jnp.where(iota == 4, 0, 7))
            out_v[pl.ds(si[0] * L, L)] = brec[perm]

        si[0] = si[0] + jnp.where(emit, np.int32(1), np.int32(0))
        si[1] = jnp.where(have & (si[0] < TOPK), np.int32(1), np.int32(0))
        si[2] = bidx.astype(jnp.int32)
        sf[0] = cx1
        sf[1] = cy1
        sf[2] = cx2
        sf[3] = cy2
        sf[4] = brec[6]

        si[3] = jnp.where(anyc > 0.5, np.int32(1), np.int32(0))

    nms_round(first=True)

    def outer(o, _):
        @pl.when(si[3] == np.int32(1))
        def _():
            def inner(k, __):
                @pl.when(si[3] == np.int32(1))
                def _():
                    nms_round(first=False)
                return 0
            lax.fori_loop(0, SUP, inner, 0)
        return 0
    lax.fori_loop(0, NO, outer, 0)

    @pl.when(lid == 0)
    def _():
        pltpu.sync_copy(out_v, out_hbm.at[b])


@jax.jit
def _nms_call(bt, sp):
    mesh = plsc.VectorSubcoreMesh(core_axis_name="c", subcore_axis_name="s")
    f = pl.kernel(
        _nms_body,
        out_type=jax.ShapeDtypeStruct((B, OUTW), jnp.float32),
        mesh=mesh,
        scratch_types=[
            pltpu.VMEM((SEG + L,), jnp.float32),
            pltpu.VMEM((SEG + L,), jnp.float32),
            pltpu.VMEM((SEG + L,), jnp.float32),
            pltpu.VMEM((SEG + L,), jnp.float32),
            pltpu.VMEM((SEG,), jnp.float32),
            pltpu.VMEM((SEG + L,), jnp.float32),
            pltpu.VMEM((OUTW,), jnp.float32),
            pltpu.VMEM((L,), jnp.float32),
            pltpu.VMEM((RECW,), jnp.float32),
            pltpu.VMEM_SHARED((2 * RECW,), jnp.float32),
            pltpu.SMEM((8,), jnp.int32),
            pltpu.SMEM((8,), jnp.float32),
        ],
    )
    return f(bt, sp)


def kernel(boxes, scores):
    bt = jnp.transpose(boxes, (0, 2, 1))
    bt = jnp.pad(bt, ((0, 0), (0, 0), (0, NPAD - N)))
    sp = jnp.pad(scores, ((0, 0), (0, NPAD - N)))
    out = _nms_call(bt, sp)
    return out[:, :TOPK * L].reshape(B, TOPK, L)[:, :, :TOPK]

# --- scband reference (transcript-rebuilt; emitter-appended) ---
"""Pipeline reference for scband-attention-84834194030913 (READ-ONLY COPY).

The authoritative reference and input builder live on the scoring server;
editing this copy changes nothing except your own understanding.
"""

import jax, jax.numpy as jnp
import numpy as np
from jax import lax

B, N, TOPK = 4, 5000, 5
CONF_THRES = 0.2
IOU_THRES = 0.4
NEG = -1e30


def setup_inputs(seed: int = 0) -> dict:
    key = jax.random.key(seed)
    k1, k2, k3 = jax.random.split(key, 3)
    xy = jax.random.uniform(k1, (B, N, 2), dtype=jnp.float32) * 600.0
    wh = jax.random.uniform(k2, (B, N, 2), dtype=jnp.float32) * 60.0 + 0.5
    boxes = jnp.concatenate([xy, xy + wh], axis=-1)
    scores = jax.random.uniform(k3, (B, N), dtype=jnp.float32)
    return {"boxes": boxes, "scores": scores}


def _pairwise_iou(b):
    x1 = jnp.maximum(b[:, None, 0], b[None, :, 0])
    y1 = jnp.maximum(b[:, None, 1], b[None, :, 1])
    x2 = jnp.minimum(b[:, None, 2], b[None, :, 2])
    y2 = jnp.minimum(b[:, None, 3], b[None, :, 3])
    inter = jnp.clip(x2 - x1, 0.0) * jnp.clip(y2 - y1, 0.0)
    area = (b[:, 2] - b[:, 0]) * (b[:, 3] - b[:, 1])
    union = area[:, None] + area[None, :] - inter
    return inter / (union + 1e-9)


def _nms_single(bx, sc):
    # sort by confidence descending (greedy NMS order)
    order = jnp.argsort(-sc)
    bxs = jnp.take(bx, order, axis=0)
    scs = jnp.take(sc, order)
    # torch code: if no boxes above conf_thres, fall back to conf_thres=0.0
    thr = jnp.where(jnp.any(scs > CONF_THRES), CONF_THRES, 0.0)
    valid = scs > thr
    iou = _pairwise_iou(bxs)
    idxs = jnp.arange(N)

    def body(i, keep):
        row = jnp.take(iou, i, axis=0)
        ki = jnp.take(keep, i)
        sup = (row > IOU_THRES) & ki & (idxs > i)
        return keep & (~sup)

    keep = lax.fori_loop(0, N, body, valid)
    # tiny_filter: drop degenerate boxes (w < 1 or h < 1)
    wv = bxs[:, 2] - bxs[:, 0]
    hv = bxs[:, 3] - bxs[:, 1]
    keep = keep & (wv >= 1.0) & (hv >= 1.0)
    # boxes[:topk] of the survivors
    kscore = jnp.where(keep, scs, NEG)
    topv, topi = lax.top_k(kscore, TOPK)
    sel_b = jnp.take(bxs, topi, axis=0)
    sel_s = jnp.take(scs, topi)
    valid_sel = (topv > NEG / 2).astype(jnp.float32)
    out = jnp.concatenate([sel_b, sel_s[:, None]], axis=1) * valid_sel[:, None]
    return out


def reference(boxes, scores):
    # python loop over batch to bound peak memory (each IoU matrix is N*N)
    outs = [_nms_single(boxes[i], scores[i]) for i in range(B)]
    return jnp.stack(outs, axis=0)


if False:  # reference __main__ guard neutralized (emitter)
    inp = setup_inputs()
    out = reference(**inp)
    print(out.shape, out.dtype)

if __name__ == "__main__":
    import jax
    _d = setup_inputs()
    print(jax.jit(kernel)(*tuple(_d.values())))

</pallas_src>

<mosaic_0001>
#map = affine_map<(d0, d1) -> (0, 0, 0)>
#map1 = affine_map<(d0, d1) -> (0, 0)>
module attributes {stable_mosaic.version = 14 : i64} {
  func.func @_nms_body(%arg0: i32, %arg1: i32, %arg2: memref<4x4x5120xf32, #tpu.memory_space<hbm>>, %arg3: memref<4x5120xf32, #tpu.memory_space<hbm>>, %arg4: memref<4x128xf32, #tpu.memory_space<hbm>>, %arg5: memref<656xf32, #tpu.memory_space<vmem>>, %arg6: memref<656xf32, #tpu.memory_space<vmem>>, %arg7: memref<656xf32, #tpu.memory_space<vmem>>, %arg8: memref<656xf32, #tpu.memory_space<vmem>>, %arg9: memref<640xf32, #tpu.memory_space<vmem>>, %arg10: memref<656xf32, #tpu.memory_space<vmem>>, %arg11: memref<128xf32, #tpu.memory_space<vmem>>, %arg12: memref<16xf32, #tpu.memory_space<vmem>>, %arg13: memref<256xf32, #tpu.memory_space<vmem>>, %arg14: memref<512xf32, #tpu.memory_space<vmem_shared>>, %arg15: memref<8xi32, #tpu.memory_space<smem>>, %arg16: memref<8xf32, #tpu.memory_space<smem>>) attributes {dimension_semantics = [#tpu.dimension_semantics<core_parallel>, #tpu.dimension_semantics<subcore_parallel>], iteration_bounds = array<i64: 2, 16>, scalar_prefetch = 0 : i64, scratch_operands = 12 : i64, tpu.core_type = #tpu.core_type<sc_vector_subcore>, window_params = [{transform_indices = #map}, {transform_indices = #map1}, {transform_indices = #map1}]} {
    %jit3A = arith.constant 8 : i32
    %div3A = arith.divsi %arg1, %jit3A : i32
    %sign3A = arith.constant 0 : i32
    %sign3A_0 = arith.cmpi sgt, %arg1, %sign3A : i32
    %sign3A_1 = arith.extui %sign3A_0 : i1 to i32
    %sign3A_2 = arith.constant 0 : i32
    %sign3A_3 = arith.cmpi slt, %arg1, %sign3A_2 : i32
    %sign3A_4 = arith.extui %sign3A_3 : i1 to i32
    %sign3A_5 = arith.subi %sign3A_1, %sign3A_4 : i32
    %sign3A_6 = arith.constant 0 : i32
    %sign3A_7 = arith.cmpi sgt, %jit3A, %sign3A_6 : i32
    %sign3A_8 = arith.extui %sign3A_7 : i1 to i32
    %sign3A_9 = arith.constant 0 : i32
    %sign3A_10 = arith.cmpi slt, %jit3A, %sign3A_9 : i32
    %sign3A_11 = arith.extui %sign3A_10 : i1 to i32
    %sign3A_12 = arith.subi %sign3A_8, %sign3A_11 : i32
    %ne3A = arith.cmpi ne, %sign3A_5, %sign3A_12 : i32
    %rem3A = arith.remsi %arg1, %jit3A : i32
    %ne3A_13 = arith.constant 0 : i32
    %ne3A_14 = arith.cmpi ne, %rem3A, %ne3A_13 : i32
    %and3A = arith.andi %ne3A, %ne3A_14 : i1
    %sub3A = arith.constant 1 : i32
    %sub3A_15 = arith.subi %div3A, %sub3A : i32
    %select_n3A = arith.select %and3A, %sub3A_15, %div3A : i32
    %jit3A_16 = arith.constant 8 : i32
    %eq3A = arith.constant 0 : i32
    %eq3A_17 = arith.cmpi eq, %jit3A_16, %eq3A : i32
    %jit3A_18 = arith.constant 1 : i32
    %select_n3A_19 = arith.select %eq3A_17, %jit3A_18, %jit3A_16 : i32
    %rem3A_20 = arith.remsi %arg1, %select_n3A_19 : i32
    %ne3A_21 = arith.constant 0 : i32
    %ne3A_22 = arith.cmpi ne, %rem3A_20, %ne3A_21 : i32
    %lt3A = arith.constant 0 : i32
    %lt3A_23 = arith.cmpi slt, %rem3A_20, %lt3A : i32
    %lt3A_24 = arith.constant 0 : i32
    %lt3A_25 = arith.cmpi slt, %select_n3A_19, %lt3A_24 : i32
    %ne3A_26 = arith.xori %lt3A_23, %lt3A_25 : i1
    %and3A_27 = arith.andi %ne3A_26, %ne3A_22 : i1
    %add3A = arith.addi %rem3A_20, %select_n3A_19 : i32
    %select_n3A_28 = arith.select %and3A_27, %add3A, %rem3A_20 : i32
    %mul3A = arith.constant 2 : i32
    %mul3A_29 = arith.muli %arg0, %mul3A : i32
    %add3A_30 = arith.addi %mul3A_29, %select_n3A : i32
    %mul3A_31 = arith.constant 640 : i32
    %mul3A_32 = arith.muli %select_n3A_28, %mul3A_31 : i32
    %mul3A_33 = arith.constant 8 : i32
    %mul3A_34 = arith.muli %select_n3A, %mul3A_33 : i32
    %run_scoped3A = arith.constant 0 : i32
    "tpu.region"() ({
      %run_scoped3A_696 = tpu.sem_alloc : memref<!tpu.dma_semaphore, #tpu.memory_space<semaphore_mem>>
      %dma_start3A = arith.constant 0 : i32
      %dma_start3A_697 = tpu.memref_slice %arg5[%dma_start3A] : memref<656xf32, #tpu.memory_space<vmem>> -> memref<640xf32, #tpu.memory_space<vmem>>
      %dma_start3A_698 = tpu.memref_slice %arg2[%add3A_30, %run_scoped3A, %mul3A_32] : memref<4x4x5120xf32, #tpu.memory_space<hbm>> -> memref<1x1x640xf32, #tpu.memory_space<hbm>>
      %dma_start3A_699 = tpu.memref_squeeze %dma_start3A_698 : memref<1x1x640xf32, #tpu.memory_space<hbm>> -> memref<640xf32, #tpu.memory_space<hbm>>
      %dma_start3A_700 = arith.constant 0 : i32
      %dma_start3A_701 = tpu.memref_slice %arg5[%dma_start3A_700] : memref<656xf32, #tpu.memory_space<vmem>> -> memref<640xf32, #tpu.memory_space<vmem>>
      %dma_start3A_702 = tpu.memref_slice %arg2[%add3A_30, %run_scoped3A, %mul3A_32] : memref<4x4x5120xf32, #tpu.memory_space<hbm>> -> memref<1x1x640xf32, #tpu.memory_space<hbm>>
      %dma_start3A_703 = tpu.memref_squeeze %dma_start3A_702 : memref<1x1x640xf32, #tpu.memory_space<hbm>> -> memref<640xf32, #tpu.memory_space<hbm>>
      tpu.enqueue_dma source(%dma_start3A_703 : memref<640xf32, #tpu.memory_space<hbm>>) target(%dma_start3A_701 : memref<640xf32, #tpu.memory_space<vmem>>) target_semaphore(%run_scoped3A_696 : memref<!tpu.dma_semaphore, #tpu.memory_space<semaphore_mem>>)
      %dma_wait3A = arith.constant 0 : i32
      %dma_wait3A_704 = tpu.memref_slice %arg5[%dma_wait3A] : memref<656xf32, #tpu.memory_space<vmem>> -> memref<640xf32, #tpu.memory_space<vmem>>
      %dma_wait3A_705 = tpu.memref_slice %arg2[%add3A_30, %run_scoped3A, %mul3A_32] : memref<4x4x5120xf32, #tpu.memory_space<hbm>> -> memref<1x1x640xf32, #tpu.memory_space<hbm>>
      %dma_wait3A_706 = tpu.memref_squeeze %dma_wait3A_705 : memref<1x1x640xf32, #tpu.memory_space<hbm>> -> memref<640xf32, #tpu.memory_space<hbm>>
      %dma_wait3A_707 = arith.constant 0 : i32
      %dma_wait3A_708 = tpu.memref_slice %arg5[%dma_wait3A_707] : memref<656xf32, #tpu.memory_space<vmem>> -> memref<640xf32, #tpu.memory_space<vmem>>
      %dma_wait3A_709 = tpu.memref_slice %arg2[%add3A_30, %run_scoped3A, %mul3A_32] : memref<4x4x5120xf32, #tpu.memory_space<hbm>> -> memref<1x1x640xf32, #tpu.memory_space<hbm>>
      %dma_wait3A_710 = tpu.memref_squeeze %dma_wait3A_709 : memref<1x1x640xf32, #tpu.memory_space<hbm>> -> memref<640xf32, #tpu.memory_space<hbm>>
      tpu.wait_dma2 semaphore(%run_scoped3A_696 : memref<!tpu.dma_semaphore, #tpu.memory_space<semaphore_mem>>) src(%dma_wait3A_710 : memref<640xf32, #tpu.memory_space<hbm>>) dst(%dma_wait3A_708 : memref<640xf32, #tpu.memory_space<vmem>>)
      tpu.yield
    }) : () -> ()
    %run_scoped3A_35 = arith.constant 1 : i32
    "tpu.region"() ({
      %run_scoped3A_696 = tpu.sem_alloc : memref<!tpu.dma_semaphore, #tpu.memory_space<semaphore_mem>>
      %dma_start3A = arith.constant 0 : i32
      %dma_start3A_697 = tpu.memref_slice %arg6[%dma_start3A] : memref<656xf32, #tpu.memory_space<vmem>> -> memref<640xf32, #tpu.memory_space<vmem>>
      %dma_start3A_698 = tpu.memref_slice %arg2[%add3A_30, %run_scoped3A_35, %mul3A_32] : memref<4x4x5120xf32, #tpu.memory_space<hbm>> -> memref<1x1x640xf32, #tpu.memory_space<hbm>>
      %dma_start3A_699 = tpu.memref_squeeze %dma_start3A_698 : memref<1x1x640xf32, #tpu.memory_space<hbm>> -> memref<640xf32, #tpu.memory_space<hbm>>
      %dma_start3A_700 = arith.constant 0 : i32
      %dma_start3A_701 = tpu.memref_slice %arg6[%dma_start3A_700] : memref<656xf32, #tpu.memory_space<vmem>> -> memref<640xf32, #tpu.memory_space<vmem>>
      %dma_start3A_702 = tpu.memref_slice %arg2[%add3A_30, %run_scoped3A_35, %mul3A_32] : memref<4x4x5120xf32, #tpu.memory_space<hbm>> -> memref<1x1x640xf32, #tpu.memory_space<hbm>>
      %dma_start3A_703 = tpu.memref_squeeze %dma_start3A_702 : memref<1x1x640xf32, #tpu.memory_space<hbm>> -> memref<640xf32, #tpu.memory_space<hbm>>
      tpu.enqueue_dma source(%dma_start3A_703 : memref<640xf32, #tpu.memory_space<hbm>>) target(%dma_start3A_701 : memref<640xf32, #tpu.memory_space<vmem>>) target_semaphore(%run_scoped3A_696 : memref<!tpu.dma_semaphore, #tpu.memory_space<semaphore_mem>>)
      %dma_wait3A = arith.constant 0 : i32
      %dma_wait3A_704 = tpu.memref_slice %arg6[%dma_wait3A] : memref<656xf32, #tpu.memory_space<vmem>> -> memref<640xf32, #tpu.memory_space<vmem>>
      %dma_wait3A_705 = tpu.memref_slice %arg2[%add3A_30, %run_scoped3A_35, %mul3A_32] : memref<4x4x5120xf32, #tpu.memory_space<hbm>> -> memref<1x1x640xf32, #tpu.memory_space<hbm>>
      %dma_wait3A_706 = tpu.memref_squeeze %dma_wait3A_705 : memref<1x1x640xf32, #tpu.memory_space<hbm>> -> memref<640xf32, #tpu.memory_space<hbm>>
      %dma_wait3A_707 = arith.constant 0 : i32
      %dma_wait3A_708 = tpu.memref_slice %arg6[%dma_wait3A_707] : memref<656xf32, #tpu.memory_space<vmem>> -> memref<640xf32, #tpu.memory_space<vmem>>
      %dma_wait3A_709 = tpu.memref_slice %arg2[%add3A_30, %run_scoped3A_35, %mul3A_32] : memref<4x4x5120xf32, #tpu.memory_space<hbm>> -> memref<1x1x640xf32, #tpu.memory_space<hbm>>
      %dma_wait3A_710 = tpu.memref_squeeze %dma_wait3A_709 : memref<1x1x640xf32, #tpu.memory_space<hbm>> -> memref<640xf32, #tpu.memory_space<hbm>>
      tpu.wait_dma2 semaphore(%run_scoped3A_696 : memref<!tpu.dma_semaphore, #tpu.memory_space<semaphore_mem>>) src(%dma_wait3A_710 : memref<640xf32, #tpu.memory_space<hbm>>) dst(%dma_wait3A_708 : memref<640xf32, #tpu.memory_space<vmem>>)
      tpu.yield
    }) : () -> ()
    %run_scoped3A_36 = arith.constant 2 : i32
    "tpu.region"() ({
      %run_scoped3A_696 = tpu.sem_alloc : memref<!tpu.dma_semaphore, #tpu.memory_space<semaphore_mem>>
      %dma_start3A = arith.constant 0 : i32
      %dma_start3A_697 = tpu.memref_slice %arg7[%dma_start3A] : memref<656xf32, #tpu.memory_space<vmem>> -> memref<640xf32, #tpu.memory_space<vmem>>
      %dma_start3A_698 = tpu.memref_slice %arg2[%add3A_30, %run_scoped3A_36, %mul3A_32] : memref<4x4x5120xf32, #tpu.memory_space<hbm>> -> memref<1x1x640xf32, #tpu.memory_space<hbm>>
      %dma_start3A_699 = tpu.memref_squeeze %dma_start3A_698 : memref<1x1x640xf32, #tpu.memory_space<hbm>> -> memref<640xf32, #tpu.memory_space<hbm>>
      %dma_start3A_700 = arith.constant 0 : i32
      %dma_start3A_701 = tpu.memref_slice %arg7[%dma_start3A_700] : memref<656xf32, #tpu.memory_space<vmem>> -> memref<640xf32, #tpu.memory_space<vmem>>
      %dma_start3A_702 = tpu.memref_slice %arg2[%add3A_30, %run_scoped3A_36, %mul3A_32] : memref<4x4x5120xf32, #tpu.memory_space<hbm>> -> memref<1x1x640xf32, #tpu.memory_space<hbm>>
      %dma_start3A_703 = tpu.memref_squeeze %dma_start3A_702 : memref<1x1x640xf32, #tpu.memory_space<hbm>> -> memref<640xf32, #tpu.memory_space<hbm>>
      tpu.enqueue_dma source(%dma_start3A_703 : memref<640xf32, #tpu.memory_space<hbm>>) target(%dma_start3A_701 : memref<640xf32, #tpu.memory_space<vmem>>) target_semaphore(%run_scoped3A_696 : memref<!tpu.dma_semaphore, #tpu.memory_space<semaphore_mem>>)
      %dma_wait3A = arith.constant 0 : i32
      %dma_wait3A_704 = tpu.memref_slice %arg7[%dma_wait3A] : memref<656xf32, #tpu.memory_space<vmem>> -> memref<640xf32, #tpu.memory_space<vmem>>
      %dma_wait3A_705 = tpu.memref_slice %arg2[%add3A_30, %run_scoped3A_36, %mul3A_32] : memref<4x4x5120xf32, #tpu.memory_space<hbm>> -> memref<1x1x640xf32, #tpu.memory_space<hbm>>
      %dma_wait3A_706 = tpu.memref_squeeze %dma_wait3A_705 : memref<1x1x640xf32, #tpu.memory_space<hbm>> -> memref<640xf32, #tpu.memory_space<hbm>>
      %dma_wait3A_707 = arith.constant 0 : i32
      %dma_wait3A_708 = tpu.memref_slice %arg7[%dma_wait3A_707] : memref<656xf32, #tpu.memory_space<vmem>> -> memref<640xf32, #tpu.memory_space<vmem>>
      %dma_wait3A_709 = tpu.memref_slice %arg2[%add3A_30, %run_scoped3A_36, %mul3A_32] : memref<4x4x5120xf32, #tpu.memory_space<hbm>> -> memref<1x1x640xf32, #tpu.memory_space<hbm>>
      %dma_wait3A_710 = tpu.memref_squeeze %dma_wait3A_709 : memref<1x1x640xf32, #tpu.memory_space<hbm>> -> memref<640xf32, #tpu.memory_space<hbm>>
      tpu.wait_dma2 semaphore(%run_scoped3A_696 : memref<!tpu.dma_semaphore, #tpu.memory_space<semaphore_mem>>) src(%dma_wait3A_710 : memref<640xf32, #tpu.memory_space<hbm>>) dst(%dma_wait3A_708 : memref<640xf32, #tpu.memory_space<vmem>>)
      tpu.yield
    }) : () -> ()
    %run_scoped3A_37 = arith.constant 3 : i32
    "tpu.region"() ({
      %run_scoped3A_696 = tpu.sem_alloc : memref<!tpu.dma_semaphore, #tpu.memory_space<semaphore_mem>>
      %dma_start3A = arith.constant 0 : i32
      %dma_start3A_697 = tpu.memref_slice %arg8[%dma_start3A] : memref<656xf32, #tpu.memory_space<vmem>> -> memref<640xf32, #tpu.memory_space<vmem>>
      %dma_start3A_698 = tpu.memref_slice %arg2[%add3A_30, %run_scoped3A_37, %mul3A_32] : memref<4x4x5120xf32, #tpu.memory_space<hbm>> -> memref<1x1x640xf32, #tpu.memory_space<hbm>>
      %dma_start3A_699 = tpu.memref_squeeze %dma_start3A_698 : memref<1x1x640xf32, #tpu.memory_space<hbm>> -> memref<640xf32, #tpu.memory_space<hbm>>
      %dma_start3A_700 = arith.constant 0 : i32
      %dma_start3A_701 = tpu.memref_slice %arg8[%dma_start3A_700] : memref<656xf32, #tpu.memory_space<vmem>> -> memref<640xf32, #tpu.memory_space<vmem>>
      %dma_start3A_702 = tpu.memref_slice %arg2[%add3A_30, %run_scoped3A_37, %mul3A_32] : memref<4x4x5120xf32, #tpu.memory_space<hbm>> -> memref<1x1x640xf32, #tpu.memory_space<hbm>>
      %dma_start3A_703 = tpu.memref_squeeze %dma_start3A_702 : memref<1x1x640xf32, #tpu.memory_space<hbm>> -> memref<640xf32, #tpu.memory_space<hbm>>
      tpu.enqueue_dma source(%dma_start3A_703 : memref<640xf32, #tpu.memory_space<hbm>>) target(%dma_start3A_701 : memref<640xf32, #tpu.memory_space<vmem>>) target_semaphore(%run_scoped3A_696 : memref<!tpu.dma_semaphore, #tpu.memory_space<semaphore_mem>>)
      %dma_wait3A = arith.constant 0 : i32
      %dma_wait3A_704 = tpu.memref_slice %arg8[%dma_wait3A] : memref<656xf32, #tpu.memory_space<vmem>> -> memref<640xf32, #tpu.memory_space<vmem>>
      %dma_wait3A_705 = tpu.memref_slice %arg2[%add3A_30, %run_scoped3A_37, %mul3A_32] : memref<4x4x5120xf32, #tpu.memory_space<hbm>> -> memref<1x1x640xf32, #tpu.memory_space<hbm>>
      %dma_wait3A_706 = tpu.memref_squeeze %dma_wait3A_705 : memref<1x1x640xf32, #tpu.memory_space<hbm>> -> memref<640xf32, #tpu.memory_space<hbm>>
      %dma_wait3A_707 = arith.constant 0 : i32
      %dma_wait3A_708 = tpu.memref_slice %arg8[%dma_wait3A_707] : memref<656xf32, #tpu.memory_space<vmem>> -> memref<640xf32, #tpu.memory_space<vmem>>
      %dma_wait3A_709 = tpu.memref_slice %arg2[%add3A_30, %run_scoped3A_37, %mul3A_32] : memref<4x4x5120xf32, #tpu.memory_space<hbm>> -> memref<1x1x640xf32, #tpu.memory_space<hbm>>
      %dma_wait3A_710 = tpu.memref_squeeze %dma_wait3A_709 : memref<1x1x640xf32, #tpu.memory_space<hbm>> -> memref<640xf32, #tpu.memory_space<hbm>>
      tpu.wait_dma2 semaphore(%run_scoped3A_696 : memref<!tpu.dma_semaphore, #tpu.memory_space<semaphore_mem>>) src(%dma_wait3A_710 : memref<640xf32, #tpu.memory_space<hbm>>) dst(%dma_wait3A_708 : memref<640xf32, #tpu.memory_space<vmem>>)
      tpu.yield
    }) : () -> ()
    "tpu.region"() ({
      %run_scoped3A_696 = tpu.sem_alloc : memref<!tpu.dma_semaphore, #tpu.memory_space<semaphore_mem>>
      %dma_start3A = tpu.memref_slice %arg3[%add3A_30, %mul3A_32] : memref<4x5120xf32, #tpu.memory_space<hbm>> -> memref<1x640xf32, #tpu.memory_space<hbm>>
      %dma_start3A_697 = tpu.memref_squeeze %dma_start3A : memref<1x640xf32, #tpu.memory_space<hbm>> -> memref<640xf32, #tpu.memory_space<hbm>>
      %dma_start3A_698 = tpu.memref_slice %arg3[%add3A_30, %mul3A_32] : memref<4x5120xf32, #tpu.memory_space<hbm>> -> memref<1x640xf32, #tpu.memory_space<hbm>>
      %dma_start3A_699 = tpu.memref_squeeze %dma_start3A_698 : memref<1x640xf32, #tpu.memory_space<hbm>> -> memref<640xf32, #tpu.memory_space<hbm>>
      tpu.enqueue_dma source(%dma_start3A_699 : memref<640xf32, #tpu.memory_space<hbm>>) target(%arg9 : memref<640xf32, #tpu.memory_space<vmem>>) target_semaphore(%run_scoped3A_696 : memref<!tpu.dma_semaphore, #tpu.memory_space<semaphore_mem>>)
      %dma_wait3A = tpu.memref_slice %arg3[%add3A_30, %mul3A_32] : memref<4x5120xf32, #tpu.memory_space<hbm>> -> memref<1x640xf32, #tpu.memory_space<hbm>>
      %dma_wait3A_700 = tpu.memref_squeeze %dma_wait3A : memref<1x640xf32, #tpu.memory_space<hbm>> -> memref<640xf32, #tpu.memory_space<hbm>>
      %dma_wait3A_701 = tpu.memref_slice %arg3[%add3A_30, %mul3A_32] : memref<4x5120xf32, #tpu.memory_space<hbm>> -> memref<1x640xf32, #tpu.memory_space<hbm>>
      %dma_wait3A_702 = tpu.memref_squeeze %dma_wait3A_701 : memref<1x640xf32, #tpu.memory_space<hbm>> -> memref<640xf32, #tpu.memory_space<hbm>>
      tpu.wait_dma2 semaphore(%run_scoped3A_696 : memref<!tpu.dma_semaphore, #tpu.memory_space<semaphore_mem>>) src(%dma_wait3A_702 : memref<640xf32, #tpu.memory_space<hbm>>) dst(%arg9 : memref<640xf32, #tpu.memory_space<vmem>>)
      tpu.yield
    }) : () -> ()
    %iota3A = tpu.iota {dimensions = array<i32: 0>} : vector<16xi32>
    %broadcast_in_dim3A = arith.constant 0.000000e+00 : f32
    %broadcast_in_dim3A_38 = vector.broadcast %broadcast_in_dim3A : f32 to vector<16xf32>
    %eq3A_39 = arith.constant 0 : i32
    %eq3A_40 = arith.cmpi eq, %select_n3A_28, %eq3A_39 : i32
    %convert_element_type3A = arith.extui %eq3A_40 : i1 to i32
    %cond3A = arith.constant 0 : i32
    %cond3A_41 = arith.cmpi ne, %convert_element_type3A, %cond3A : i32
    scf.if %cond3A_41 {
      %scan3A_696 = arith.constant 0 : i32
      %scan3A_697 = arith.constant 0 : i32
      %scan3A_698 = arith.constant 8 : i32
      %scan3A_699 = arith.addi %scan3A_697, %scan3A_698 : i32
      %scan3A_700 = arith.constant 1 : i32
      %scan3A_701 = scf.for %scan3A_703 = %scan3A_697 to %scan3A_699 step %scan3A_700 iter_args(%scan3A_704 = %scan3A_696) -> (i32)  : i32 {
        %mul3A_705 = arith.constant 16 : i32
        %mul3A_706 = arith.muli %scan3A_703, %mul3A_705 : i32
        %swap3A_707 = arith.index_cast %mul3A_706 : i32 to index
        %swap3A_708 = tpu.vector_load %arg11[%swap3A_707] {strides = array<i32>} : memref<128xf32, #tpu.memory_space<vmem>>, vector<16xf32>,
        %swap3A_709 = vector.shape_cast %swap3A_708 : vector<16xf32> to vector<16xf32>
        %swap3A_710 = vector.shape_cast %broadcast_in_dim3A_38 : vector<16xf32> to vector<16xf32>
        tpu.vector_store %arg11[%swap3A_707], %swap3A_710 {strides = array<i32>} : memref<128xf32, #tpu.memory_space<vmem>>, vector<16xf32>,
        %scan3A_711 = arith.constant 0 : i32
        scf.yield %scan3A_711 : i32
      }
      %scan3A_702 = arith.constant 8 : i32
    } else {
    }
    %swap3A = arith.constant 0 : i32
    %swap3A_42 = arith.constant 0 : i32
    %swap3A_43 = arith.index_cast %swap3A_42 : i32 to index
    %swap3A_44 = memref.load %arg15[%swap3A_43] : memref<8xi32, #tpu.memory_space<smem>>
    memref.store %swap3A, %arg15[%swap3A_43] : memref<8xi32, #tpu.memory_space<smem>>
    %swap3A_45 = arith.constant 1 : i32
    %swap3A_46 = arith.constant 1 : i32
    %swap3A_47 = arith.index_cast %swap3A_46 : i32 to index
    %swap3A_48 = memref.load %arg15[%swap3A_47] : memref<8xi32, #tpu.memory_space<smem>>
    memref.store %swap3A_45, %arg15[%swap3A_47] : memref<8xi32, #tpu.memory_space<smem>>
    %swap3A_49 = arith.constant -1 : i32
    %swap3A_50 = arith.constant 2 : i32
    %swap3A_51 = arith.index_cast %swap3A_50 : i32 to index
    %swap3A_52 = memref.load %arg15[%swap3A_51] : memref<8xi32, #tpu.memory_space<smem>>
    memref.store %swap3A_49, %arg15[%swap3A_51] : memref<8xi32, #tpu.memory_space<smem>>
    %swap3A_53 = arith.constant 0 : i32
    %swap3A_54 = arith.constant 4 : i32
    %swap3A_55 = arith.index_cast %swap3A_54 : i32 to index
    %swap3A_56 = memref.load %arg15[%swap3A_55] : memref<8xi32, #tpu.memory_space<smem>>
    memref.store %swap3A_53, %arg15[%swap3A_55] : memref<8xi32, #tpu.memory_space<smem>>
    %broadcast_in_dim3A_57 = arith.constant -1.000000e+30 : f32
    %broadcast_in_dim3A_58 = vector.broadcast %broadcast_in_dim3A_57 : f32 to vector<16xf32>
    %broadcast_in_dim3A_59 = arith.constant 1073741824 : i32
    %broadcast_in_dim3A_60 = vector.broadcast %broadcast_in_dim3A_59 : i32 to vector<16xi32>
    %parallel_loop3A = arith.constant 0 : i32
    %parallel_loop3A_61 = arith.constant 40 : i32
    %parallel_loop3A_62 = arith.constant 1 : i32
    %parallel_loop3A_63:2 = scf.for %parallel_loop3A_696 = %parallel_loop3A to %parallel_loop3A_61 step %parallel_loop3A_62 iter_args(%parallel_loop3A_697 = %broadcast_in_dim3A_58, %parallel_loop3A_698 = %broadcast_in_dim3A_60) -> (vector<16xf32>, vector<16xi32>)  : i32 {
      %parallel_loop3A_699 = arith.constant 16 : i32
      %parallel_loop3A_700 = arith.muli %parallel_loop3A_696, %parallel_loop3A_699 : i32
      %parallel_loop3A_701 = arith.index_cast %parallel_loop3A_700 : i32 to index
      %parallel_loop3A_702 = tpu.vector_load %arg9[%parallel_loop3A_701] {strides = array<i32>} : memref<640xf32, #tpu.memory_space<vmem>>, vector<16xf32>,
      %parallel_loop3A_703 = vector.shape_cast %parallel_loop3A_702 : vector<16xf32> to vector<16xf32>
      %parallel_loop3A_704 = arith.constant 16 : i32
      %parallel_loop3A_705 = arith.muli %parallel_loop3A_696, %parallel_loop3A_704 : i32
      %parallel_loop3A_706 = arith.addi %mul3A_32, %parallel_loop3A_705 : i32
      %parallel_loop3A_707 = vector.broadcast %parallel_loop3A_706 : i32 to vector<16xi32>
      %parallel_loop3A_708 = arith.addi %iota3A, %parallel_loop3A_707 : vector<16xi32>
      %parallel_loop3A_709 = arith.index_cast %parallel_loop3A_700 : i32 to index
      %parallel_loop3A_710 = tpu.vector_load %arg7[%parallel_loop3A_709] {strides = array<i32>} : memref<656xf32, #tpu.memory_space<vmem>>, vector<16xf32>,
      %parallel_loop3A_711 = vector.shape_cast %parallel_loop3A_710 : vector<16xf32> to vector<16xf32>
      %parallel_loop3A_712 = arith.index_cast %parallel_loop3A_700 : i32 to index
      %parallel_loop3A_713 = tpu.vector_load %arg5[%parallel_loop3A_712] {strides = array<i32>} : memref<656xf32, #tpu.memory_space<vmem>>, vector<16xf32>,
      %parallel_loop3A_714 = vector.shape_cast %parallel_loop3A_713 : vector<16xf32> to vector<16xf32>
      %parallel_loop3A_715 = arith.subf %parallel_loop3A_711, %parallel_loop3A_714 : vector<16xf32>
      %parallel_loop3A_716 = arith.index_cast %parallel_loop3A_700 : i32 to index
      %parallel_loop3A_717 = tpu.vector_load %arg8[%parallel_loop3A_716] {strides = array<i32>} : memref<656xf32, #tpu.memory_space<vmem>>, vector<16xf32>,
      %parallel_loop3A_718 = vector.shape_cast %parallel_loop3A_717 : vector<16xf32> to vector<16xf32>
      %parallel_loop3A_719 = arith.index_cast %parallel_loop3A_700 : i32 to index
      %parallel_loop3A_720 = tpu.vector_load %arg6[%parallel_loop3A_719] {strides = array<i32>} : memref<656xf32, #tpu.memory_space<vmem>>, vector<16xf32>,
      %parallel_loop3A_721 = vector.shape_cast %parallel_loop3A_720 : vector<16xf32> to vector<16xf32>
      %parallel_loop3A_722 = arith.subf %parallel_loop3A_718, %parallel_loop3A_721 : vector<16xf32>
      %parallel_loop3A_723 = arith.mulf %parallel_loop3A_715, %parallel_loop3A_722 : vector<16xf32>
      %parallel_loop3A_724 = arith.index_cast %parallel_loop3A_700 : i32 to index
      %parallel_loop3A_725 = tpu.vector_load %arg10[%parallel_loop3A_724] {strides = array<i32>} : memref<656xf32, #tpu.memory_space<vmem>>, vector<16xf32>,
      %parallel_loop3A_726 = vector.shape_cast %parallel_loop3A_725 : vector<16xf32> to vector<16xf32>
      %parallel_loop3A_727 = vector.shape_cast %parallel_loop3A_723 : vector<16xf32> to vector<16xf32>
      tpu.vector_store %arg10[%parallel_loop3A_724], %parallel_loop3A_727 {strides = array<i32>} : memref<656xf32, #tpu.memory_space<vmem>>, vector<16xf32>,
      %parallel_loop3A_728 = arith.cmpf ogt, %parallel_loop3A_703, %parallel_loop3A_697 : vector<16xf32>
      %parallel_loop3A_729 = arith.cmpf oeq, %parallel_loop3A_703, %parallel_loop3A_697 : vector<16xf32>
      %parallel_loop3A_730 = arith.cmpi slt, %parallel_loop3A_708, %parallel_loop3A_698 : vector<16xi32>
      %parallel_loop3A_731 = arith.andi %parallel_loop3A_729, %parallel_loop3A_730 : vector<16xi1>
      %parallel_loop3A_732 = arith.ori %parallel_loop3A_728, %parallel_loop3A_731 : vector<16xi1>
      %parallel_loop3A_733 = arith.select %parallel_loop3A_732, %parallel_loop3A_703, %parallel_loop3A_697 : vector<16xi1>, vector<16xf32>
      %parallel_loop3A_734 = arith.select %parallel_loop3A_732, %parallel_loop3A_708, %parallel_loop3A_698 : vector<16xi1>, vector<16xi32>
      scf.yield %parallel_loop3A_733, %parallel_loop3A_734 : vector<16xf32>, vector<16xi32>
    } {sc.loop_unroll_factor = 4 : i64, sc.parallel_access}
    %xor3A = arith.constant 8 : i32
    %xor3A_64 = vector.broadcast %xor3A : i32 to vector<16xi32>
    %xor3A_65 = arith.xori %iota3A, %xor3A_64 : vector<16xi32>
    %lt3A_66 = arith.constant 0 : i32
    %lt3A_67 = vector.broadcast %lt3A_66 : i32 to vector<16xi32>
    %lt3A_68 = arith.cmpi slt, %xor3A_65, %lt3A_67 : vector<16xi32>
    %add3A_69 = arith.constant 16 : i32
    %add3A_70 = vector.broadcast %add3A_69 : i32 to vector<16xi32>
    %add3A_71 = arith.addi %xor3A_65, %add3A_70 : vector<16xi32>
    %select_n3A_72 = arith.select %lt3A_68, %add3A_71, %xor3A_65 : vector<16xi1>, vector<16xi32>
    %broadcast_in_dim3A_73 = vector.shape_cast %select_n3A_72 : vector<16xi32> to vector<16x1xi32>
    %gather3A = vector.shape_cast %broadcast_in_dim3A_73 : vector<16x1xi32> to vector<16xi32>
    %gather3A_74 = tpu.dynamic_gather %parallel_loop3A_63#0[%gather3A] in [0] : vector<16xf32>, vector<16xi32> -> vector<16xf32>
    %xor3A_75 = arith.constant 8 : i32
    %xor3A_76 = vector.broadcast %xor3A_75 : i32 to vector<16xi32>
    %xor3A_77 = arith.xori %iota3A, %xor3A_76 : vector<16xi32>
    %lt3A_78 = arith.constant 0 : i32
    %lt3A_79 = vector.broadcast %lt3A_78 : i32 to vector<16xi32>
    %lt3A_80 = arith.cmpi slt, %xor3A_77, %lt3A_79 : vector<16xi32>
    %add3A_81 = arith.constant 16 : i32
    %add3A_82 = vector.broadcast %add3A_81 : i32 to vector<16xi32>
    %add3A_83 = arith.addi %xor3A_77, %add3A_82 : vector<16xi32>
    %select_n3A_84 = arith.select %lt3A_80, %add3A_83, %xor3A_77 : vector<16xi1>, vector<16xi32>
    %broadcast_in_dim3A_85 = vector.shape_cast %select_n3A_84 : vector<16xi32> to vector<16x1xi32>
    %gather3A_86 = vector.shape_cast %broadcast_in_dim3A_85 : vector<16x1xi32> to vector<16xi32>
    %gather3A_87 = tpu.dynamic_gather %parallel_loop3A_63#1[%gather3A_86] in [0] : vector<16xi32>, vector<16xi32> -> vector<16xi32>
    %gt3A = arith.cmpf ogt, %gather3A_74, %parallel_loop3A_63#0 : vector<16xf32>
    %eq3A_88 = arith.cmpf oeq, %gather3A_74, %parallel_loop3A_63#0 : vector<16xf32>
    %lt3A_89 = arith.cmpi slt, %gather3A_87, %parallel_loop3A_63#1 : vector<16xi32>
    %and3A_90 = arith.andi %eq3A_88, %lt3A_89 : vector<16xi1>
    %or3A = arith.ori %gt3A, %and3A_90 : vector<16xi1>
    %select_n3A_91 = arith.select %or3A, %gather3A_74, %parallel_loop3A_63#0 : vector<16xi1>, vector<16xf32>
    %select_n3A_92 = arith.select %or3A, %gather3A_87, %parallel_loop3A_63#1 : vector<16xi1>, vector<16xi32>
    %xor3A_93 = arith.constant 4 : i32
    %xor3A_94 = vector.broadcast %xor3A_93 : i32 to vector<16xi32>
    %xor3A_95 = arith.xori %iota3A, %xor3A_94 : vector<16xi32>
    %lt3A_96 = arith.constant 0 : i32
    %lt3A_97 = vector.broadcast %lt3A_96 : i32 to vector<16xi32>
    %lt3A_98 = arith.cmpi slt, %xor3A_95, %lt3A_97 : vector<16xi32>
    %add3A_99 = arith.constant 16 : i32
    %add3A_100 = vector.broadcast %add3A_99 : i32 to vector<16xi32>
    %add3A_101 = arith.addi %xor3A_95, %add3A_100 : vector<16xi32>
    %select_n3A_102 = arith.select %lt3A_98, %add3A_101, %xor3A_95 : vector<16xi1>, vector<16xi32>
    %broadcast_in_dim3A_103 = vector.shape_cast %select_n3A_102 : vector<16xi32> to vector<16x1xi32>
    %gather3A_104 = vector.shape_cast %broadcast_in_dim3A_103 : vector<16x1xi32> to vector<16xi32>
    %gather3A_105 = tpu.dynamic_gather %select_n3A_91[%gather3A_104] in [0] : vector<16xf32>, vector<16xi32> -> vector<16xf32>
    %xor3A_106 = arith.constant 4 : i32
    %xor3A_107 = vector.broadcast %xor3A_106 : i32 to vector<16xi32>
    %xor3A_108 = arith.xori %iota3A, %xor3A_107 : vector<16xi32>
    %lt3A_109 = arith.constant 0 : i32
    %lt3A_110 = vector.broadcast %lt3A_109 : i32 to vector<16xi32>
    %lt3A_111 = arith.cmpi slt, %xor3A_108, %lt3A_110 : vector<16xi32>
    %add3A_112 = arith.constant 16 : i32
    %add3A_113 = vector.broadcast %add3A_112 : i32 to vector<16xi32>
    %add3A_114 = arith.addi %xor3A_108, %add3A_113 : vector<16xi32>
    %select_n3A_115 = arith.select %lt3A_111, %add3A_114, %xor3A_108 : vector<16xi1>, vector<16xi32>
    %broadcast_in_dim3A_116 = vector.shape_cast %select_n3A_115 : vector<16xi32> to vector<16x1xi32>
    %gather3A_117 = vector.shape_cast %broadcast_in_dim3A_116 : vector<16x1xi32> to vector<16xi32>
    %gather3A_118 = tpu.dynamic_gather %select_n3A_92[%gather3A_117] in [0] : vector<16xi32>, vector<16xi32> -> vector<16xi32>
    %gt3A_119 = arith.cmpf ogt, %gather3A_105, %select_n3A_91 : vector<16xf32>
    %eq3A_120 = arith.cmpf oeq, %gather3A_105, %select_n3A_91 : vector<16xf32>
    %lt3A_121 = arith.cmpi slt, %gather3A_118, %select_n3A_92 : vector<16xi32>
    %and3A_122 = arith.andi %eq3A_120, %lt3A_121 : vector<16xi1>
    %or3A_123 = arith.ori %gt3A_119, %and3A_122 : vector<16xi1>
    %select_n3A_124 = arith.select %or3A_123, %gather3A_105, %select_n3A_91 : vector<16xi1>, vector<16xf32>
    %select_n3A_125 = arith.select %or3A_123, %gather3A_118, %select_n3A_92 : vector<16xi1>, vector<16xi32>
    %xor3A_126 = arith.constant 2 : i32
    %xor3A_127 = vector.broadcast %xor3A_126 : i32 to vector<16xi32>
    %xor3A_128 = arith.xori %iota3A, %xor3A_127 : vector<16xi32>
    %lt3A_129 = arith.constant 0 : i32
    %lt3A_130 = vector.broadcast %lt3A_129 : i32 to vector<16xi32>
    %lt3A_131 = arith.cmpi slt, %xor3A_128, %lt3A_130 : vector<16xi32>
    %add3A_132 = arith.constant 16 : i32
    %add3A_133 = vector.broadcast %add3A_132 : i32 to vector<16xi32>
    %add3A_134 = arith.addi %xor3A_128, %add3A_133 : vector<16xi32>
    %select_n3A_135 = arith.select %lt3A_131, %add3A_134, %xor3A_128 : vector<16xi1>, vector<16xi32>
    %broadcast_in_dim3A_136 = vector.shape_cast %select_n3A_135 : vector<16xi32> to vector<16x1xi32>
    %gather3A_137 = vector.shape_cast %broadcast_in_dim3A_136 : vector<16x1xi32> to vector<16xi32>
    %gather3A_138 = tpu.dynamic_gather %select_n3A_124[%gather3A_137] in [0] : vector<16xf32>, vector<16xi32> -> vector<16xf32>
    %xor3A_139 = arith.constant 2 : i32
    %xor3A_140 = vector.broadcast %xor3A_139 : i32 to vector<16xi32>
    %xor3A_141 = arith.xori %iota3A, %xor3A_140 : vector<16xi32>
    %lt3A_142 = arith.constant 0 : i32
    %lt3A_143 = vector.broadcast %lt3A_142 : i32 to vector<16xi32>
    %lt3A_144 = arith.cmpi slt, %xor3A_141, %lt3A_143 : vector<16xi32>
    %add3A_145 = arith.constant 16 : i32
    %add3A_146 = vector.broadcast %add3A_145 : i32 to vector<16xi32>
    %add3A_147 = arith.addi %xor3A_141, %add3A_146 : vector<16xi32>
    %select_n3A_148 = arith.select %lt3A_144, %add3A_147, %xor3A_141 : vector<16xi1>, vector<16xi32>
    %broadcast_in_dim3A_149 = vector.shape_cast %select_n3A_148 : vector<16xi32> to vector<16x1xi32>
    %gather3A_150 = vector.shape_cast %broadcast_in_dim3A_149 : vector<16x1xi32> to vector<16xi32>
    %gather3A_151 = tpu.dynamic_gather %select_n3A_125[%gather3A_150] in [0] : vector<16xi32>, vector<16xi32> -> vector<16xi32>
    %gt3A_152 = arith.cmpf ogt, %gather3A_138, %select_n3A_124 : vector<16xf32>
    %eq3A_153 = arith.cmpf oeq, %gather3A_138, %select_n3A_124 : vector<16xf32>
    %lt3A_154 = arith.cmpi slt, %gather3A_151, %select_n3A_125 : vector<16xi32>
    %and3A_155 = arith.andi %eq3A_153, %lt3A_154 : vector<16xi1>
    %or3A_156 = arith.ori %gt3A_152, %and3A_155 : vector<16xi1>
    %select_n3A_157 = arith.select %or3A_156, %gather3A_138, %select_n3A_124 : vector<16xi1>, vector<16xf32>
    %select_n3A_158 = arith.select %or3A_156, %gather3A_151, %select_n3A_125 : vector<16xi1>, vector<16xi32>
    %xor3A_159 = arith.constant 1 : i32
    %xor3A_160 = vector.broadcast %xor3A_159 : i32 to vector<16xi32>
    %xor3A_161 = arith.xori %iota3A, %xor3A_160 : vector<16xi32>
    %lt3A_162 = arith.constant 0 : i32
    %lt3A_163 = vector.broadcast %lt3A_162 : i32 to vector<16xi32>
    %lt3A_164 = arith.cmpi slt, %xor3A_161, %lt3A_163 : vector<16xi32>
    %add3A_165 = arith.constant 16 : i32
    %add3A_166 = vector.broadcast %add3A_165 : i32 to vector<16xi32>
    %add3A_167 = arith.addi %xor3A_161, %add3A_166 : vector<16xi32>
    %select_n3A_168 = arith.select %lt3A_164, %add3A_167, %xor3A_161 : vector<16xi1>, vector<16xi32>
    %broadcast_in_dim3A_169 = vector.shape_cast %select_n3A_168 : vector<16xi32> to vector<16x1xi32>
    %gather3A_170 = vector.shape_cast %broadcast_in_dim3A_169 : vector<16x1xi32> to vector<16xi32>
    %gather3A_171 = tpu.dynamic_gather %select_n3A_157[%gather3A_170] in [0] : vector<16xf32>, vector<16xi32> -> vector<16xf32>
    %xor3A_172 = arith.constant 1 : i32
    %xor3A_173 = vector.broadcast %xor3A_172 : i32 to vector<16xi32>
    %xor3A_174 = arith.xori %iota3A, %xor3A_173 : vector<16xi32>
    %lt3A_175 = arith.constant 0 : i32
    %lt3A_176 = vector.broadcast %lt3A_175 : i32 to vector<16xi32>
    %lt3A_177 = arith.cmpi slt, %xor3A_174, %lt3A_176 : vector<16xi32>
    %add3A_178 = arith.constant 16 : i32
    %add3A_179 = vector.broadcast %add3A_178 : i32 to vector<16xi32>
    %add3A_180 = arith.addi %xor3A_174, %add3A_179 : vector<16xi32>
    %select_n3A_181 = arith.select %lt3A_177, %add3A_180, %xor3A_174 : vector<16xi1>, vector<16xi32>
    %broadcast_in_dim3A_182 = vector.shape_cast %select_n3A_181 : vector<16xi32> to vector<16x1xi32>
    %gather3A_183 = vector.shape_cast %broadcast_in_dim3A_182 : vector<16x1xi32> to vector<16xi32>
    %gather3A_184 = tpu.dynamic_gather %select_n3A_158[%gather3A_183] in [0] : vector<16xi32>, vector<16xi32> -> vector<16xi32>
    %gt3A_185 = arith.cmpf ogt, %gather3A_171, %select_n3A_157 : vector<16xf32>
    %eq3A_186 = arith.cmpf oeq, %gather3A_171, %select_n3A_157 : vector<16xf32>
    %lt3A_187 = arith.cmpi slt, %gather3A_184, %select_n3A_158 : vector<16xi32>
    %and3A_188 = arith.andi %eq3A_186, %lt3A_187 : vector<16xi1>
    %or3A_189 = arith.ori %gt3A_185, %and3A_188 : vector<16xi1>
    %select_n3A_190 = arith.select %or3A_189, %gather3A_171, %select_n3A_157 : vector<16xi1>, vector<16xf32>
    %select_n3A_191 = arith.select %or3A_189, %gather3A_184, %select_n3A_158 : vector<16xi1>, vector<16xi32>
    %slice3A = vector.extract_strided_slice %select_n3A_190 {offsets = [0], sizes = [1], strides = [1]} : vector<16xf32> to vector<1xf32>
    %squeeze3A = vector.extract %slice3A[0] : f32 from vector<1xf32>
    %slice3A_192 = vector.extract_strided_slice %select_n3A_191 {offsets = [0], sizes = [1], strides = [1]} : vector<16xi32> to vector<1xi32>
    %squeeze3A_193 = vector.extract %slice3A_192[0] : i32 from vector<1xi32>
    %gt3A_194 = arith.constant -5.000000e+29 : f32
    %gt3A_195 = arith.cmpf ogt, %squeeze3A, %gt3A_194 : f32
    %sub3A_196 = arith.subi %squeeze3A_193, %mul3A_32 : i32
    %jit3A_197 = arith.constant 0 : i32
    %select_n3A_198 = arith.select %gt3A_195, %sub3A_196, %jit3A_197 : i32
    %get3A = arith.index_cast %select_n3A_198 : i32 to index
    %get3A_199 = tpu.vector_load %arg5[%get3A] {strides = array<i32>} : memref<656xf32, #tpu.memory_space<vmem>>, vector<16xf32>,
    %get3A_200 = vector.shape_cast %get3A_199 : vector<16xf32> to vector<16xf32>
    %slice3A_201 = vector.extract_strided_slice %get3A_200 {offsets = [0], sizes = [1], strides = [1]} : vector<16xf32> to vector<1xf32>
    %squeeze3A_202 = vector.extract %slice3A_201[0] : f32 from vector<1xf32>
    %get3A_203 = arith.index_cast %select_n3A_198 : i32 to index
    %get3A_204 = tpu.vector_load %arg6[%get3A_203] {strides = array<i32>} : memref<656xf32, #tpu.memory_space<vmem>>, vector<16xf32>,
    %get3A_205 = vector.shape_cast %get3A_204 : vector<16xf32> to vector<16xf32>
    %slice3A_206 = vector.extract_strided_slice %get3A_205 {offsets = [0], sizes = [1], strides = [1]} : vector<16xf32> to vector<1xf32>
    %squeeze3A_207 = vector.extract %slice3A_206[0] : f32 from vector<1xf32>
    %get3A_208 = arith.index_cast %select_n3A_198 : i32 to index
    %get3A_209 = tpu.vector_load %arg7[%get3A_208] {strides = array<i32>} : memref<656xf32, #tpu.memory_space<vmem>>, vector<16xf32>,
    %get3A_210 = vector.shape_cast %get3A_209 : vector<16xf32> to vector<16xf32>
    %slice3A_211 = vector.extract_strided_slice %get3A_210 {offsets = [0], sizes = [1], strides = [1]} : vector<16xf32> to vector<1xf32>
    %squeeze3A_212 = vector.extract %slice3A_211[0] : f32 from vector<1xf32>
    %get3A_213 = arith.index_cast %select_n3A_198 : i32 to index
    %get3A_214 = tpu.vector_load %arg8[%get3A_213] {strides = array<i32>} : memref<656xf32, #tpu.memory_space<vmem>>, vector<16xf32>,
    %get3A_215 = vector.shape_cast %get3A_214 : vector<16xf32> to vector<16xf32>
    %slice3A_216 = vector.extract_strided_slice %get3A_215 {offsets = [0], sizes = [1], strides = [1]} : vector<16xf32> to vector<1xf32>
    %squeeze3A_217 = vector.extract %slice3A_216[0] : f32 from vector<1xf32>
    %get3A_218 = arith.index_cast %select_n3A_198 : i32 to index
    %get3A_219 = tpu.vector_load %arg10[%get3A_218] {strides = array<i32>} : memref<656xf32, #tpu.memory_space<vmem>>, vector<16xf32>,
    %get3A_220 = vector.shape_cast %get3A_219 : vector<16xf32> to vector<16xf32>
    %slice3A_221 = vector.extract_strided_slice %get3A_220 {offsets = [0], sizes = [1], strides = [1]} : vector<16xf32> to vector<1xf32>
    %squeeze3A_222 = vector.extract %slice3A_221[0] : f32 from vector<1xf32>
    %get3A_223 = arith.constant 1 : i32
    %get3A_224 = arith.index_cast %get3A_223 : i32 to index
    %get3A_225 = memref.load %arg15[%get3A_224] : memref<8xi32, #tpu.memory_space<smem>>
    %eq3A_226 = arith.constant 1 : i32
    %eq3A_227 = arith.cmpi eq, %get3A_225, %eq3A_226 : i32
    %jit3A_228 = arith.constant 1.000000e+00 : f32
    %jit3A_229 = arith.constant 0.000000e+00 : f32
    %select_n3A_230 = arith.select %eq3A_227, %jit3A_228, %jit3A_229 : f32
    %eq3A_231 = arith.constant 0 : i32
    %eq3A_232 = vector.broadcast %eq3A_231 : i32 to vector<16xi32>
    %eq3A_233 = arith.cmpi eq, %iota3A, %eq3A_232 : vector<16xi32>
    %eq3A_234 = arith.constant 1 : i32
    %eq3A_235 = vector.broadcast %eq3A_234 : i32 to vector<16xi32>
    %eq3A_236 = arith.cmpi eq, %iota3A, %eq3A_235 : vector<16xi32>
    %convert_element_type3A_237 = arith.sitofp %squeeze3A_193 : i32 to f32
    %eq3A_238 = arith.constant 2 : i32
    %eq3A_239 = vector.broadcast %eq3A_238 : i32 to vector<16xi32>
    %eq3A_240 = arith.cmpi eq, %iota3A, %eq3A_239 : vector<16xi32>
    %eq3A_241 = arith.constant 3 : i32
    %eq3A_242 = vector.broadcast %eq3A_241 : i32 to vector<16xi32>
    %eq3A_243 = arith.cmpi eq, %iota3A, %eq3A_242 : vector<16xi32>
    %eq3A_244 = arith.constant 4 : i32
    %eq3A_245 = vector.broadcast %eq3A_244 : i32 to vector<16xi32>
    %eq3A_246 = arith.cmpi eq, %iota3A, %eq3A_245 : vector<16xi32>
    %eq3A_247 = arith.constant 5 : i32
    %eq3A_248 = vector.broadcast %eq3A_247 : i32 to vector<16xi32>
    %eq3A_249 = arith.cmpi eq, %iota3A, %eq3A_248 : vector<16xi32>
    %eq3A_250 = arith.constant 6 : i32
    %eq3A_251 = vector.broadcast %eq3A_250 : i32 to vector<16xi32>
    %eq3A_252 = arith.cmpi eq, %iota3A, %eq3A_251 : vector<16xi32>
    %eq3A_253 = arith.constant 7 : i32
    %eq3A_254 = vector.broadcast %eq3A_253 : i32 to vector<16xi32>
    %eq3A_255 = arith.cmpi eq, %iota3A, %eq3A_254 : vector<16xi32>
    %jit3A_256 = arith.constant 0.000000e+00 : f32
    %broadcast_in_dim3A_257 = vector.broadcast %select_n3A_230 : f32 to vector<16xf32>
    %broadcast_in_dim3A_258 = vector.broadcast %jit3A_256 : f32 to vector<16xf32>
    %select_n3A_259 = arith.select %eq3A_255, %broadcast_in_dim3A_257, %broadcast_in_dim3A_258 : vector<16xi1>, vector<16xf32>
    %broadcast_in_dim3A_260 = vector.broadcast %squeeze3A_222 : f32 to vector<16xf32>
    %select_n3A_261 = arith.select %eq3A_252, %broadcast_in_dim3A_260, %select_n3A_259 : vector<16xi1>, vector<16xf32>
    %broadcast_in_dim3A_262 = vector.broadcast %squeeze3A_217 : f32 to vector<16xf32>
    %select_n3A_263 = arith.select %eq3A_249, %broadcast_in_dim3A_262, %select_n3A_261 : vector<16xi1>, vector<16xf32>
    %broadcast_in_dim3A_264 = vector.broadcast %squeeze3A_212 : f32 to vector<16xf32>
    %select_n3A_265 = arith.select %eq3A_246, %broadcast_in_dim3A_264, %select_n3A_263 : vector<16xi1>, vector<16xf32>
    %broadcast_in_dim3A_266 = vector.broadcast %squeeze3A_207 : f32 to vector<16xf32>
    %select_n3A_267 = arith.select %eq3A_243, %broadcast_in_dim3A_266, %select_n3A_265 : vector<16xi1>, vector<16xf32>
    %broadcast_in_dim3A_268 = vector.broadcast %squeeze3A_202 : f32 to vector<16xf32>
    %select_n3A_269 = arith.select %eq3A_240, %broadcast_in_dim3A_268, %select_n3A_267 : vector<16xi1>, vector<16xf32>
    %broadcast_in_dim3A_270 = vector.broadcast %convert_element_type3A_237 : f32 to vector<16xf32>
    %select_n3A_271 = arith.select %eq3A_236, %broadcast_in_dim3A_270, %select_n3A_269 : vector<16xi1>, vector<16xf32>
    %broadcast_in_dim3A_272 = vector.broadcast %squeeze3A : f32 to vector<16xf32>
    %select_n3A_273 = arith.select %eq3A_233, %broadcast_in_dim3A_272, %select_n3A_271 : vector<16xi1>, vector<16xf32>
    %get3A_274 = arith.constant 4 : i32
    %get3A_275 = arith.index_cast %get3A_274 : i32 to index
    %get3A_276 = memref.load %arg15[%get3A_275] : memref<8xi32, #tpu.memory_space<smem>>
    %and3A_277 = arith.constant 1 : i32
    %and3A_278 = arith.andi %get3A_276, %and3A_277 : i32
    %mul3A_279 = arith.constant 256 : i32
    %mul3A_280 = arith.muli %and3A_278, %mul3A_279 : i32
    %swap3A_281 = arith.constant 0 : index
    %swap3A_282 = tpu.vector_load %arg12[%swap3A_281] {strides = array<i32>} : memref<16xf32, #tpu.memory_space<vmem>>, vector<16xf32>,
    %swap3A_283 = vector.shape_cast %swap3A_282 : vector<16xf32> to vector<16xf32>
    %swap3A_284 = vector.shape_cast %select_n3A_273 : vector<16xf32> to vector<16xf32>
    tpu.vector_store %arg12[%swap3A_281], %swap3A_284 {strides = array<i32>} : memref<16xf32, #tpu.memory_space<vmem>>, vector<16xf32>,
    %mul3A_285 = arith.constant 16 : i32
    %mul3A_286 = arith.muli %arg1, %mul3A_285 : i32
    %add3A_287 = arith.addi %mul3A_280, %mul3A_286 : i32
    "tpu.region"() ({
      %run_scoped3A_696 = tpu.sem_alloc : memref<!tpu.dma_semaphore, #tpu.memory_space<semaphore_mem>>
      %dma_start3A = tpu.memref_slice %arg14[%add3A_287] : memref<512xf32, #tpu.memory_space<vmem_shared>> -> memref<16xf32, #tpu.memory_space<vmem_shared>>
      %dma_start3A_697 = tpu.memref_slice %arg14[%add3A_287] : memref<512xf32, #tpu.memory_space<vmem_shared>> -> memref<16xf32, #tpu.memory_space<vmem_shared>>
      tpu.enqueue_dma source(%arg12 : memref<16xf32, #tpu.memory_space<vmem>>) target(%dma_start3A_697 : memref<16xf32, #tpu.memory_space<vmem_shared>>) target_semaphore(%run_scoped3A_696 : memref<!tpu.dma_semaphore, #tpu.memory_space<semaphore_mem>>)
      %dma_wait3A = tpu.memref_slice %arg14[%add3A_287] : memref<512xf32, #tpu.memory_space<vmem_shared>> -> memref<16xf32, #tpu.memory_space<vmem_shared>>
      %dma_wait3A_698 = tpu.memref_slice %arg14[%add3A_287] : memref<512xf32, #tpu.memory_space<vmem_shared>> -> memref<16xf32, #tpu.memory_space<vmem_shared>>
      tpu.wait_dma2 semaphore(%run_scoped3A_696 : memref<!tpu.dma_semaphore, #tpu.memory_space<semaphore_mem>>) src(%arg12 : memref<16xf32, #tpu.memory_space<vmem>>) dst(%dma_wait3A_698 : memref<16xf32, #tpu.memory_space<vmem_shared>>)
      tpu.yield
    }) : () -> ()
    %barrier3A = arith.constant 0 : index
    tpu.barrier barrier_id(%barrier3A)
    "tpu.region"() ({
      %run_scoped3A_696 = tpu.sem_alloc : memref<!tpu.dma_semaphore, #tpu.memory_space<semaphore_mem>>
      %dma_start3A = tpu.memref_slice %arg14[%mul3A_280] : memref<512xf32, #tpu.memory_space<vmem_shared>> -> memref<256xf32, #tpu.memory_space<vmem_shared>>
      %dma_start3A_697 = tpu.memref_slice %arg14[%mul3A_280] : memref<512xf32, #tpu.memory_space<vmem_shared>> -> memref<256xf32, #tpu.memory_space<vmem_shared>>
      tpu.enqueue_dma source(%dma_start3A_697 : memref<256xf32, #tpu.memory_space<vmem_shared>>) target(%arg13 : memref<256xf32, #tpu.memory_space<vmem>>) target_semaphore(%run_scoped3A_696 : memref<!tpu.dma_semaphore, #tpu.memory_space<semaphore_mem>>)
      %dma_wait3A = tpu.memref_slice %arg14[%mul3A_280] : memref<512xf32, #tpu.memory_space<vmem_shared>> -> memref<256xf32, #tpu.memory_space<vmem_shared>>
      %dma_wait3A_698 = tpu.memref_slice %arg14[%mul3A_280] : memref<512xf32, #tpu.memory_space<vmem_shared>> -> memref<256xf32, #tpu.memory_space<vmem_shared>>
      tpu.wait_dma2 semaphore(%run_scoped3A_696 : memref<!tpu.dma_semaphore, #tpu.memory_space<semaphore_mem>>) src(%dma_wait3A_698 : memref<256xf32, #tpu.memory_space<vmem_shared>>) dst(%arg13 : memref<256xf32, #tpu.memory_space<vmem>>)
      tpu.yield
    }) : () -> ()
    %get3A_288 = arith.constant 4 : i32
    %get3A_289 = arith.index_cast %get3A_288 : i32 to index
    %get3A_290 = memref.load %arg15[%get3A_289] : memref<8xi32, #tpu.memory_space<smem>>
    %add3A_291 = arith.constant 1 : i32
    %add3A_292 = arith.addi %get3A_290, %add3A_291 : i32
    %swap3A_293 = arith.constant 4 : i32
    %swap3A_294 = arith.index_cast %swap3A_293 : i32 to index
    %swap3A_295 = memref.load %arg15[%swap3A_294] : memref<8xi32, #tpu.memory_space<smem>>
    memref.store %add3A_292, %arg15[%swap3A_294] : memref<8xi32, #tpu.memory_space<smem>>
    %add3A_296 = arith.constant 0 : i32
    %add3A_297 = arith.addi %mul3A_34, %add3A_296 : i32
    %mul3A_298 = arith.constant 16 : i32
    %mul3A_299 = arith.muli %add3A_297, %mul3A_298 : i32
    %get3A_300 = arith.index_cast %mul3A_299 : i32 to index
    %get3A_301 = tpu.vector_load %arg13[%get3A_300] {strides = array<i32>} : memref<256xf32, #tpu.memory_space<vmem>>, vector<16xf32>,
    %get3A_302 = vector.shape_cast %get3A_301 : vector<16xf32> to vector<16xf32>
    %slice3A_303 = vector.extract_strided_slice %get3A_302 {offsets = [0], sizes = [1], strides = [1]} : vector<16xf32> to vector<1xf32>
    %squeeze3A_304 = vector.extract %slice3A_303[0] : f32 from vector<1xf32>
    %slice3A_305 = vector.extract_strided_slice %get3A_302 {offsets = [1], sizes = [1], strides = [1]} : vector<16xf32> to vector<1xf32>
    %squeeze3A_306 = vector.extract %slice3A_305[0] : f32 from vector<1xf32>
    %gt3A_307 = arith.constant -1.000000e+30 : f32
    %gt3A_308 = arith.cmpf ogt, %squeeze3A_304, %gt3A_307 : f32
    %eq3A_309 = arith.constant -1.000000e+30 : f32
    %eq3A_310 = arith.cmpf oeq, %squeeze3A_304, %eq3A_309 : f32
    %lt3A_311 = arith.constant 1.07374182E+9 : f32
    %lt3A_312 = arith.cmpf olt, %squeeze3A_306, %lt3A_311 : f32
    %and3A_313 = arith.andi %eq3A_310, %lt3A_312 : i1
    %or3A_314 = arith.ori %gt3A_308, %and3A_313 : i1
    %jit3A_315 = arith.constant -1.000000e+30 : f32
    %select_n3A_316 = arith.select %or3A_314, %squeeze3A_304, %jit3A_315 : f32
    %jit3A_317 = arith.constant 1.07374182E+9 : f32
    %select_n3A_318 = arith.select %or3A_314, %squeeze3A_306, %jit3A_317 : f32
    %jit3A_319 = arith.constant -1 : i32
    %jit3A_320 = arith.constant 0 : i32
    %select_n3A_321 = arith.select %or3A_314, %jit3A_319, %jit3A_320 : i32
    %broadcast_in_dim3A_322 = vector.broadcast %select_n3A_321 : i32 to vector<16xi32>
    %bitcast_convert_type3A = tpu.bitcast %get3A_302 : vector<16xf32> -> vector<16xi32>
    %bitcast_convert_type3A_323 = tpu.bitcast %broadcast_in_dim3A_38 : vector<16xf32> -> vector<16xi32>
    %and3A_324 = arith.andi %bitcast_convert_type3A, %broadcast_in_dim3A_322 : vector<16xi32>
    %not3A = arith.constant dense<-1> : vector<16xi32>
    %not3A_325 = arith.xori %broadcast_in_dim3A_322, %not3A : vector<16xi32>
    %and3A_326 = arith.andi %bitcast_convert_type3A_323, %not3A_325 : vector<16xi32>
    %or3A_327 = arith.ori %and3A_324, %and3A_326 : vector<16xi32>
    %bitcast_convert_type3A_328 = tpu.bitcast %or3A_327 : vector<16xi32> -> vector<16xf32>
    %add3A_329 = arith.constant 1 : i32
    %add3A_330 = arith.addi %mul3A_34, %add3A_329 : i32
    %mul3A_331 = arith.constant 16 : i32
    %mul3A_332 = arith.muli %add3A_330, %mul3A_331 : i32
    %get3A_333 = arith.index_cast %mul3A_332 : i32 to index
    %get3A_334 = tpu.vector_load %arg13[%get3A_333] {strides = array<i32>} : memref<256xf32, #tpu.memory_space<vmem>>, vector<16xf32>,
    %get3A_335 = vector.shape_cast %get3A_334 : vector<16xf32> to vector<16xf32>
    %slice3A_336 = vector.extract_strided_slice %get3A_335 {offsets = [0], sizes = [1], strides = [1]} : vector<16xf32> to vector<1xf32>
    %squeeze3A_337 = vector.extract %slice3A_336[0] : f32 from vector<1xf32>
    %slice3A_338 = vector.extract_strided_slice %get3A_335 {offsets = [1], sizes = [1], strides = [1]} : vector<16xf32> to vector<1xf32>
    %squeeze3A_339 = vector.extract %slice3A_338[0] : f32 from vector<1xf32>
    %gt3A_340 = arith.cmpf ogt, %squeeze3A_337, %select_n3A_316 : f32
    %eq3A_341 = arith.cmpf oeq, %squeeze3A_337, %select_n3A_316 : f32
    %lt3A_342 = arith.cmpf olt, %squeeze3A_339, %select_n3A_318 : f32
    %and3A_343 = arith.andi %eq3A_341, %lt3A_342 : i1
    %or3A_344 = arith.ori %gt3A_340, %and3A_343 : i1
    %select_n3A_345 = arith.select %or3A_344, %squeeze3A_337, %select_n3A_316 : f32
    %select_n3A_346 = arith.select %or3A_344, %squeeze3A_339, %select_n3A_318 : f32
    %jit3A_347 = arith.constant -1 : i32
    %jit3A_348 = arith.constant 0 : i32
    %select_n3A_349 = arith.select %or3A_344, %jit3A_347, %jit3A_348 : i32
    %broadcast_in_dim3A_350 = vector.broadcast %select_n3A_349 : i32 to vector<16xi32>
    %bitcast_convert_type3A_351 = tpu.bitcast %get3A_335 : vector<16xf32> -> vector<16xi32>
    %bitcast_convert_type3A_352 = tpu.bitcast %bitcast_convert_type3A_328 : vector<16xf32> -> vector<16xi32>
    %and3A_353 = arith.andi %bitcast_convert_type3A_351, %broadcast_in_dim3A_350 : vector<16xi32>
    %not3A_354 = arith.constant dense<-1> : vector<16xi32>
    %not3A_355 = arith.xori %broadcast_in_dim3A_350, %not3A_354 : vector<16xi32>
    %and3A_356 = arith.andi %bitcast_convert_type3A_352, %not3A_355 : vector<16xi32>
    %or3A_357 = arith.ori %and3A_353, %and3A_356 : vector<16xi32>
    %bitcast_convert_type3A_358 = tpu.bitcast %or3A_357 : vector<16xi32> -> vector<16xf32>
    %add3A_359 = arith.constant 2 : i32
    %add3A_360 = arith.addi %mul3A_34, %add3A_359 : i32
    %mul3A_361 = arith.constant 16 : i32
    %mul3A_362 = arith.muli %add3A_360, %mul3A_361 : i32
    %get3A_363 = arith.index_cast %mul3A_362 : i32 to index
    %get3A_364 = tpu.vector_load %arg13[%get3A_363] {strides = array<i32>} : memref<256xf32, #tpu.memory_space<vmem>>, vector<16xf32>,
    %get3A_365 = vector.shape_cast %get3A_364 : vector<16xf32> to vector<16xf32>
    %slice3A_366 = vector.extract_strided_slice %get3A_365 {offsets = [0], sizes = [1], strides = [1]} : vector<16xf32> to vector<1xf32>
    %squeeze3A_367 = vector.extract %slice3A_366[0] : f32 from vector<1xf32>
    %slice3A_368 = vector.extract_strided_slice %get3A_365 {offsets = [1], sizes = [1], strides = [1]} : vector<16xf32> to vector<1xf32>
    %squeeze3A_369 = vector.extract %slice3A_368[0] : f32 from vector<1xf32>
    %gt3A_370 = arith.cmpf ogt, %squeeze3A_367, %select_n3A_345 : f32
    %eq3A_371 = arith.cmpf oeq, %squeeze3A_367, %select_n3A_345 : f32
    %lt3A_372 = arith.cmpf olt, %squeeze3A_369, %select_n3A_346 : f32
    %and3A_373 = arith.andi %eq3A_371, %lt3A_372 : i1
    %or3A_374 = arith.ori %gt3A_370, %and3A_373 : i1
    %select_n3A_375 = arith.select %or3A_374, %squeeze3A_367, %select_n3A_345 : f32
    %select_n3A_376 = arith.select %or3A_374, %squeeze3A_369, %select_n3A_346 : f32
    %jit3A_377 = arith.constant -1 : i32
    %jit3A_378 = arith.constant 0 : i32
    %select_n3A_379 = arith.select %or3A_374, %jit3A_377, %jit3A_378 : i32
    %broadcast_in_dim3A_380 = vector.broadcast %select_n3A_379 : i32 to vector<16xi32>
    %bitcast_convert_type3A_381 = tpu.bitcast %get3A_365 : vector<16xf32> -> vector<16xi32>
    %bitcast_convert_type3A_382 = tpu.bitcast %bitcast_convert_type3A_358 : vector<16xf32> -> vector<16xi32>
    %and3A_383 = arith.andi %bitcast_convert_type3A_381, %broadcast_in_dim3A_380 : vector<16xi32>
    %not3A_384 = arith.constant dense<-1> : vector<16xi32>
    %not3A_385 = arith.xori %broadcast_in_dim3A_380, %not3A_384 : vector<16xi32>
    %and3A_386 = arith.andi %bitcast_convert_type3A_382, %not3A_385 : vector<16xi32>
    %or3A_387 = arith.ori %and3A_383, %and3A_386 : vector<16xi32>
    %bitcast_convert_type3A_388 = tpu.bitcast %or3A_387 : vector<16xi32> -> vector<16xf32>
    %add3A_389 = arith.constant 3 : i32
    %add3A_390 = arith.addi %mul3A_34, %add3A_389 : i32
    %mul3A_391 = arith.constant 16 : i32
    %mul3A_392 = arith.muli %add3A_390, %mul3A_391 : i32
    %get3A_393 = arith.index_cast %mul3A_392 : i32 to index
    %get3A_394 = tpu.vector_load %arg13[%get3A_393] {strides = array<i32>} : memref<256xf32, #tpu.memory_space<vmem>>, vector<16xf32>,
    %get3A_395 = vector.shape_cast %get3A_394 : vector<16xf32> to vector<16xf32>
    %slice3A_396 = vector.extract_strided_slice %get3A_395 {offsets = [0], sizes = [1], strides = [1]} : vector<16xf32> to vector<1xf32>
    %squeeze3A_397 = vector.extract %slice3A_396[0] : f32 from vector<1xf32>
    %slice3A_398 = vector.extract_strided_slice %get3A_395 {offsets = [1], sizes = [1], strides = [1]} : vector<16xf32> to vector<1xf32>
    %squeeze3A_399 = vector.extract %slice3A_398[0] : f32 from vector<1xf32>
    %gt3A_400 = arith.cmpf ogt, %squeeze3A_397, %select_n3A_375 : f32
    %eq3A_401 = arith.cmpf oeq, %squeeze3A_397, %select_n3A_375 : f32
    %lt3A_402 = arith.cmpf olt, %squeeze3A_399, %select_n3A_376 : f32
    %and3A_403 = arith.andi %eq3A_401, %lt3A_402 : i1
    %or3A_404 = arith.ori %gt3A_400, %and3A_403 : i1
    %select_n3A_405 = arith.select %or3A_404, %squeeze3A_397, %select_n3A_375 : f32
    %select_n3A_406 = arith.select %or3A_404, %squeeze3A_399, %select_n3A_376 : f32
    %jit3A_407 = arith.constant -1 : i32
    %jit3A_408 = arith.constant 0 : i32
    %select_n3A_409 = arith.select %or3A_404, %jit3A_407, %jit3A_408 : i32
    %broadcast_in_dim3A_410 = vector.broadcast %select_n3A_409 : i32 to vector<16xi32>
    %bitcast_convert_type3A_411 = tpu.bitcast %get3A_395 : vector<16xf32> -> vector<16xi32>
    %bitcast_convert_type3A_412 = tpu.bitcast %bitcast_convert_type3A_388 : vector<16xf32> -> vector<16xi32>
    %and3A_413 = arith.andi %bitcast_convert_type3A_411, %broadcast_in_dim3A_410 : vector<16xi32>
    %not3A_414 = arith.constant dense<-1> : vector<16xi32>
    %not3A_415 = arith.xori %broadcast_in_dim3A_410, %not3A_414 : vector<16xi32>
    %and3A_416 = arith.andi %bitcast_convert_type3A_412, %not3A_415 : vector<16xi32>
    %or3A_417 = arith.ori %and3A_413, %and3A_416 : vector<16xi32>
    %bitcast_convert_type3A_418 = tpu.bitcast %or3A_417 : vector<16xi32> -> vector<16xf32>
    %add3A_419 = arith.constant 4 : i32
    %add3A_420 = arith.addi %mul3A_34, %add3A_419 : i32
    %mul3A_421 = arith.constant 16 : i32
    %mul3A_422 = arith.muli %add3A_420, %mul3A_421 : i32
    %get3A_423 = arith.index_cast %mul3A_422 : i32 to index
    %get3A_424 = tpu.vector_load %arg13[%get3A_423] {strides = array<i32>} : memref<256xf32, #tpu.memory_space<vmem>>, vector<16xf32>,
    %get3A_425 = vector.shape_cast %get3A_424 : vector<16xf32> to vector<16xf32>
    %slice3A_426 = vector.extract_strided_slice %get3A_425 {offsets = [0], sizes = [1], strides = [1]} : vector<16xf32> to vector<1xf32>
    %squeeze3A_427 = vector.extract %slice3A_426[0] : f32 from vector<1xf32>
    %slice3A_428 = vector.extract_strided_slice %get3A_425 {offsets = [1], sizes = [1], strides = [1]} : vector<16xf32> to vector<1xf32>
    %squeeze3A_429 = vector.extract %slice3A_428[0] : f32 from vector<1xf32>
    %gt3A_430 = arith.cmpf ogt, %squeeze3A_427, %select_n3A_405 : f32
    %eq3A_431 = arith.cmpf oeq, %squeeze3A_427, %select_n3A_405 : f32
    %lt3A_432 = arith.cmpf olt, %squeeze3A_429, %select_n3A_406 : f32
    %and3A_433 = arith.andi %eq3A_431, %lt3A_432 : i1
    %or3A_434 = arith.ori %gt3A_430, %and3A_433 : i1
    %select_n3A_435 = arith.select %or3A_434, %squeeze3A_427, %select_n3A_405 : f32
    %select_n3A_436 = arith.select %or3A_434, %squeeze3A_429, %select_n3A_406 : f32
    %jit3A_437 = arith.constant -1 : i32
    %jit3A_438 = arith.constant 0 : i32
    %select_n3A_439 = arith.select %or3A_434, %jit3A_437, %jit3A_438 : i32
    %broadcast_in_dim3A_440 = vector.broadcast %select_n3A_439 : i32 to vector<16xi32>
    %bitcast_convert_type3A_441 = tpu.bitcast %get3A_425 : vector<16xf32> -> vector<16xi32>
    %bitcast_convert_type3A_442 = tpu.bitcast %bitcast_convert_type3A_418 : vector<16xf32> -> vector<16xi32>
    %and3A_443 = arith.andi %bitcast_convert_type3A_441, %broadcast_in_dim3A_440 : vector<16xi32>
    %not3A_444 = arith.constant dense<-1> : vector<16xi32>
    %not3A_445 = arith.xori %broadcast_in_dim3A_440, %not3A_444 : vector<16xi32>
    %and3A_446 = arith.andi %bitcast_convert_type3A_442, %not3A_445 : vector<16xi32>
    %or3A_447 = arith.ori %and3A_443, %and3A_446 : vector<16xi32>
    %bitcast_convert_type3A_448 = tpu.bitcast %or3A_447 : vector<16xi32> -> vector<16xf32>
    %add3A_449 = arith.constant 5 : i32
    %add3A_450 = arith.addi %mul3A_34, %add3A_449 : i32
    %mul3A_451 = arith.constant 16 : i32
    %mul3A_452 = arith.muli %add3A_450, %mul3A_451 : i32
    %get3A_453 = arith.index_cast %mul3A_452 : i32 to index
    %get3A_454 = tpu.vector_load %arg13[%get3A_453] {strides = array<i32>} : memref<256xf32, #tpu.memory_space<vmem>>, vector<16xf32>,
    %get3A_455 = vector.shape_cast %get3A_454 : vector<16xf32> to vector<16xf32>
    %slice3A_456 = vector.extract_strided_slice %get3A_455 {offsets = [0], sizes = [1], strides = [1]} : vector<16xf32> to vector<1xf32>
    %squeeze3A_457 = vector.extract %slice3A_456[0] : f32 from vector<1xf32>
    %slice3A_458 = vector.extract_strided_slice %get3A_455 {offsets = [1], sizes = [1], strides = [1]} : vector<16xf32> to vector<1xf32>
    %squeeze3A_459 = vector.extract %slice3A_458[0] : f32 from vector<1xf32>
    %gt3A_460 = arith.cmpf ogt, %squeeze3A_457, %select_n3A_435 : f32
    %eq3A_461 = arith.cmpf oeq, %squeeze3A_457, %select_n3A_435 : f32
    %lt3A_462 = arith.cmpf olt, %squeeze3A_459, %select_n3A_436 : f32
    %and3A_463 = arith.andi %eq3A_461, %lt3A_462 : i1
    %or3A_464 = arith.ori %gt3A_460, %and3A_463 : i1
    %select_n3A_465 = arith.select %or3A_464, %squeeze3A_457, %select_n3A_435 : f32
    %select_n3A_466 = arith.select %or3A_464, %squeeze3A_459, %select_n3A_436 : f32
    %jit3A_467 = arith.constant -1 : i32
    %jit3A_468 = arith.constant 0 : i32
    %select_n3A_469 = arith.select %or3A_464, %jit3A_467, %jit3A_468 : i32
    %broadcast_in_dim3A_470 = vector.broadcast %select_n3A_469 : i32 to vector<16xi32>
    %bitcast_convert_type3A_471 = tpu.bitcast %get3A_455 : vector<16xf32> -> vector<16xi32>
    %bitcast_convert_type3A_472 = tpu.bitcast %bitcast_convert_type3A_448 : vector<16xf32> -> vector<16xi32>
    %and3A_473 = arith.andi %bitcast_convert_type3A_471, %broadcast_in_dim3A_470 : vector<16xi32>
    %not3A_474 = arith.constant dense<-1> : vector<16xi32>
    %not3A_475 = arith.xori %broadcast_in_dim3A_470, %not3A_474 : vector<16xi32>
    %and3A_476 = arith.andi %bitcast_convert_type3A_472, %not3A_475 : vector<16xi32>
    %or3A_477 = arith.ori %and3A_473, %and3A_476 : vector<16xi32>
    %bitcast_convert_type3A_478 = tpu.bitcast %or3A_477 : vector<16xi32> -> vector<16xf32>
    %add3A_479 = arith.constant 6 : i32
    %add3A_480 = arith.addi %mul3A_34, %add3A_479 : i32
    %mul3A_481 = arith.constant 16 : i32
    %mul3A_482 = arith.muli %add3A_480, %mul3A_481 : i32
    %get3A_483 = arith.index_cast %mul3A_482 : i32 to index
    %get3A_484 = tpu.vector_load %arg13[%get3A_483] {strides = array<i32>} : memref<256xf32, #tpu.memory_space<vmem>>, vector<16xf32>,
    %get3A_485 = vector.shape_cast %get3A_484 : vector<16xf32> to vector<16xf32>
    %slice3A_486 = vector.extract_strided_slice %get3A_485 {offsets = [0], sizes = [1], strides = [1]} : vector<16xf32> to vector<1xf32>
    %squeeze3A_487 = vector.extract %slice3A_486[0] : f32 from vector<1xf32>
    %slice3A_488 = vector.extract_strided_slice %get3A_485 {offsets = [1], sizes = [1], strides = [1]} : vector<16xf32> to vector<1xf32>
    %squeeze3A_489 = vector.extract %slice3A_488[0] : f32 from vector<1xf32>
    %gt3A_490 = arith.cmpf ogt, %squeeze3A_487, %select_n3A_465 : f32
    %eq3A_491 = arith.cmpf oeq, %squeeze3A_487, %select_n3A_465 : f32
    %lt3A_492 = arith.cmpf olt, %squeeze3A_489, %select_n3A_466 : f32
    %and3A_493 = arith.andi %eq3A_491, %lt3A_492 : i1
    %or3A_494 = arith.ori %gt3A_490, %and3A_493 : i1
    %select_n3A_495 = arith.select %or3A_494, %squeeze3A_487, %select_n3A_465 : f32
    %select_n3A_496 = arith.select %or3A_494, %squeeze3A_489, %select_n3A_466 : f32
    %jit3A_497 = arith.constant -1 : i32
    %jit3A_498 = arith.constant 0 : i32
    %select_n3A_499 = arith.select %or3A_494, %jit3A_497, %jit3A_498 : i32
    %broadcast_in_dim3A_500 = vector.broadcast %select_n3A_499 : i32 to vector<16xi32>
    %bitcast_convert_type3A_501 = tpu.bitcast %get3A_485 : vector<16xf32> -> vector<16xi32>
    %bitcast_convert_type3A_502 = tpu.bitcast %bitcast_convert_type3A_478 : vector<16xf32> -> vector<16xi32>
    %and3A_503 = arith.andi %bitcast_convert_type3A_501, %broadcast_in_dim3A_500 : vector<16xi32>
    %not3A_504 = arith.constant dense<-1> : vector<16xi32>
    %not3A_505 = arith.xori %broadcast_in_dim3A_500, %not3A_504 : vector<16xi32>
    %and3A_506 = arith.andi %bitcast_convert_type3A_502, %not3A_505 : vector<16xi32>
    %or3A_507 = arith.ori %and3A_503, %and3A_506 : vector<16xi32>
    %bitcast_convert_type3A_508 = tpu.bitcast %or3A_507 : vector<16xi32> -> vector<16xf32>
    %add3A_509 = arith.constant 7 : i32
    %add3A_510 = arith.addi %mul3A_34, %add3A_509 : i32
    %mul3A_511 = arith.constant 16 : i32
    %mul3A_512 = arith.muli %add3A_510, %mul3A_511 : i32
    %get3A_513 = arith.index_cast %mul3A_512 : i32 to index
    %get3A_514 = tpu.vector_load %arg13[%get3A_513] {strides = array<i32>} : memref<256xf32, #tpu.memory_space<vmem>>, vector<16xf32>,
    %get3A_515 = vector.shape_cast %get3A_514 : vector<16xf32> to vector<16xf32>
    %slice3A_516 = vector.extract_strided_slice %get3A_515 {offsets = [0], sizes = [1], strides = [1]} : vector<16xf32> to vector<1xf32>
    %squeeze3A_517 = vector.extract %slice3A_516[0] : f32 from vector<1xf32>
    %slice3A_518 = vector.extract_strided_slice %get3A_515 {offsets = [1], sizes = [1], strides = [1]} : vector<16xf32> to vector<1xf32>
    %squeeze3A_519 = vector.extract %slice3A_518[0] : f32 from vector<1xf32>
    %gt3A_520 = arith.cmpf ogt, %squeeze3A_517, %select_n3A_495 : f32
    %eq3A_521 = arith.cmpf oeq, %squeeze3A_517, %select_n3A_495 : f32
    %lt3A_522 = arith.cmpf olt, %squeeze3A_519, %select_n3A_496 : f32
    %and3A_523 = arith.andi %eq3A_521, %lt3A_522 : i1
    %or3A_524 = arith.ori %gt3A_520, %and3A_523 : i1
    %select_n3A_525 = arith.select %or3A_524, %squeeze3A_517, %select_n3A_495 : f32
    %select_n3A_526 = arith.select %or3A_524, %squeeze3A_519, %select_n3A_496 : f32
    %jit3A_527 = arith.constant -1 : i32
    %jit3A_528 = arith.constant 0 : i32
    %select_n3A_529 = arith.select %or3A_524, %jit3A_527, %jit3A_528 : i32
    %broadcast_in_dim3A_530 = vector.broadcast %select_n3A_529 : i32 to vector<16xi32>
    %bitcast_convert_type3A_531 = tpu.bitcast %get3A_515 : vector<16xf32> -> vector<16xi32>
    %bitcast_convert_type3A_532 = tpu.bitcast %bitcast_convert_type3A_508 : vector<16xf32> -> vector<16xi32>
    %and3A_533 = arith.andi %bitcast_convert_type3A_531, %broadcast_in_dim3A_530 : vector<16xi32>
    %not3A_534 = arith.constant dense<-1> : vector<16xi32>
    %not3A_535 = arith.xori %broadcast_in_dim3A_530, %not3A_534 : vector<16xi32>
    %and3A_536 = arith.andi %bitcast_convert_type3A_532, %not3A_535 : vector<16xi32>
    %or3A_537 = arith.ori %and3A_533, %and3A_536 : vector<16xi32>
    %bitcast_convert_type3A_538 = tpu.bitcast %or3A_537 : vector<16xi32> -> vector<16xf32>
    %get3A_539 = arith.constant 0 : index
    %get3A_540 = tpu.vector_load %arg13[%get3A_539] {strides = array<i32>} : memref<256xf32, #tpu.memory_space<vmem>>, vector<16xf32>,
    %get3A_541 = vector.shape_cast %get3A_540 : vector<16xf32> to vector<16xf32>
    %max3A = arith.maximumf %broadcast_in_dim3A_38, %get3A_541 : vector<16xf32>
    %get3A_542 = arith.constant 16 : index
    %get3A_543 = tpu.vector_load %arg13[%get3A_542] {strides = array<i32>} : memref<256xf32, #tpu.memory_space<vmem>>, vector<16xf32>,
    %get3A_544 = vector.shape_cast %get3A_543 : vector<16xf32> to vector<16xf32>
    %max3A_545 = arith.maximumf %max3A, %get3A_544 : vector<16xf32>
    %get3A_546 = arith.constant 32 : index
    %get3A_547 = tpu.vector_load %arg13[%get3A_546] {strides = array<i32>} : memref<256xf32, #tpu.memory_space<vmem>>, vector<16xf32>,
    %get3A_548 = vector.shape_cast %get3A_547 : vector<16xf32> to vector<16xf32>
    %max3A_549 = arith.maximumf %max3A_545, %get3A_548 : vector<16xf32>
    %get3A_550 = arith.constant 48 : index
    %get3A_551 = tpu.vector_load %arg13[%get3A_550] {strides = array<i32>} : memref<256xf32, #tpu.memory_space<vmem>>, vector<16xf32>,
    %get3A_552 = vector.shape_cast %get3A_551 : vector<16xf32> to vector<16xf32>
    %max3A_553 = arith.maximumf %max3A_549, %get3A_552 : vector<16xf32>
    %get3A_554 = arith.constant 64 : index
    %get3A_555 = tpu.vector_load %arg13[%get3A_554] {strides = array<i32>} : memref<256xf32, #tpu.memory_space<vmem>>, vector<16xf32>,
    %get3A_556 = vector.shape_cast %get3A_555 : vector<16xf32> to vector<16xf32>
    %max3A_557 = arith.maximumf %max3A_553, %get3A_556 : vector<16xf32>
    %get3A_558 = arith.constant 80 : index
    %get3A_559 = tpu.vector_load %arg13[%get3A_558] {strides = array<i32>} : memref<256xf32, #tpu.memory_space<vmem>>, vector<16xf32>,
    %get3A_560 = vector.shape_cast %get3A_559 : vector<16xf32> to vector<16xf32>
    %max3A_561 = arith.maximumf %max3A_557, %get3A_560 : vector<16xf32>
    %get3A_562 = arith.constant 96 : index
    %get3A_563 = tpu.vector_load %arg13[%get3A_562] {strides = array<i32>} : memref<256xf32, #tpu.memory_space<vmem>>, vector<16xf32>,
    %get3A_564 = vector.shape_cast %get3A_563 : vector<16xf32> to vector<16xf32>
    %max3A_565 = arith.maximumf %max3A_561, %get3A_564 : vector<16xf32>
    %get3A_566 = arith.constant 112 : index
    %get3A_567 = tpu.vector_load %arg13[%get3A_566] {strides = array<i32>} : memref<256xf32, #tpu.memory_space<vmem>>, vector<16xf32>,
    %get3A_568 = vector.shape_cast %get3A_567 : vector<16xf32> to vector<16xf32>
    %max3A_569 = arith.maximumf %max3A_565, %get3A_568 : vector<16xf32>
    %get3A_570 = arith.constant 128 : index
    %get3A_571 = tpu.vector_load %arg13[%get3A_570] {strides = array<i32>} : memref<256xf32, #tpu.memory_space<vmem>>, vector<16xf32>,
    %get3A_572 = vector.shape_cast %get3A_571 : vector<16xf32> to vector<16xf32>
    %max3A_573 = arith.maximumf %max3A_569, %get3A_572 : vector<16xf32>
    %get3A_574 = arith.constant 144 : index
    %get3A_575 = tpu.vector_load %arg13[%get3A_574] {strides = array<i32>} : memref<256xf32, #tpu.memory_space<vmem>>, vector<16xf32>,
    %get3A_576 = vector.shape_cast %get3A_575 : vector<16xf32> to vector<16xf32>
    %max3A_577 = arith.maximumf %max3A_573, %get3A_576 : vector<16xf32>
    %get3A_578 = arith.constant 160 : index
    %get3A_579 = tpu.vector_load %arg13[%get3A_578] {strides = array<i32>} : memref<256xf32, #tpu.memory_space<vmem>>, vector<16xf32>,
    %get3A_580 = vector.shape_cast %get3A_579 : vector<16xf32> to vector<16xf32>
    %max3A_581 = arith.maximumf %max3A_577, %get3A_580 : vector<16xf32>
    %get3A_582 = arith.constant 176 : index
    %get3A_583 = tpu.vector_load %arg13[%get3A_582] {strides = array<i32>} : memref<256xf32, #tpu.memory_space<vmem>>, vector<16xf32>,
    %get3A_584 = vector.shape_cast %get3A_583 : vector<16xf32> to vector<16xf32>
    %max3A_585 = arith.maximumf %max3A_581, %get3A_584 : vector<16xf32>
    %get3A_586 = arith.constant 192 : index
    %get3A_587 = tpu.vector_load %arg13[%get3A_586] {strides = array<i32>} : memref<256xf32, #tpu.memory_space<vmem>>, vector<16xf32>,
    %get3A_588 = vector.shape_cast %get3A_587 : vector<16xf32> to vector<16xf32>
    %max3A_589 = arith.maximumf %max3A_585, %get3A_588 : vector<16xf32>
    %get3A_590 = arith.constant 208 : index
    %get3A_591 = tpu.vector_load %arg13[%get3A_590] {strides = array<i32>} : memref<256xf32, #tpu.memory_space<vmem>>, vector<16xf32>,
    %get3A_592 = vector.shape_cast %get3A_591 : vector<16xf32> to vector<16xf32>
    %max3A_593 = arith.maximumf %max3A_589, %get3A_592 : vector<16xf32>
    %get3A_594 = arith.constant 224 : index
    %get3A_595 = tpu.vector_load %arg13[%get3A_594] {strides = array<i32>} : memref<256xf32, #tpu.memory_space<vmem>>, vector<16xf32>,
    %get3A_596 = vector.shape_cast %get3A_595 : vector<16xf32> to vector<16xf32>
    %max3A_597 = arith.maximumf %max3A_593, %get3A_596 : vector<16xf32>
    %get3A_598 = arith.constant 240 : index
    %get3A_599 = tpu.vector_load %arg13[%get3A_598] {strides = array<i32>} : memref<256xf32, #tpu.memory_space<vmem>>, vector<16xf32>,
    %get3A_600 = vector.shape_cast %get3A_599 : vector<16xf32> to vector<16xf32>
    %max3A_601 = arith.maximumf %max3A_597, %get3A_600 : vector<16xf32>
    %slice3A_602 = vector.extract_strided_slice %max3A_601 {offsets = [7], sizes = [1], strides = [1]} : vector<16xf32> to vector<1xf32>
    %squeeze3A_603 = vector.extract %slice3A_602[0] : f32 from vector<1xf32>
    %gt3A_604 = arith.constant 2.000000e-01 : f32
    %gt3A_605 = arith.cmpf ogt, %select_n3A_525, %gt3A_604 : f32
    %jit3A_606 = arith.constant 2.000000e-01 : f32
    %jit3A_607 = arith.constant 0.000000e+00 : f32
    %select_n3A_608 = arith.select %gt3A_605, %jit3A_606, %jit3A_607 : f32
    %swap3A_609 = arith.constant 5 : i32
    %swap3A_610 = arith.index_cast %swap3A_609 : i32 to index
    %swap3A_611 = memref.load %arg16[%swap3A_610] : memref<8xf32, #tpu.memory_space<smem>>
    memref.store %select_n3A_608, %arg16[%swap3A_610] : memref<8xf32, #tpu.memory_space<smem>>
    %gt3A_612 = arith.cmpf ogt, %select_n3A_525, %select_n3A_608 : f32
    %slice3A_613 = vector.extract_strided_slice %bitcast_convert_type3A_538 {offsets = [2], sizes = [1], strides = [1]} : vector<16xf32> to vector<1xf32>
    %squeeze3A_614 = vector.extract %slice3A_613[0] : f32 from vector<1xf32>
    %slice3A_615 = vector.extract_strided_slice %bitcast_convert_type3A_538 {offsets = [3], sizes = [1], strides = [1]} : vector<16xf32> to vector<1xf32>
    %squeeze3A_616 = vector.extract %slice3A_615[0] : f32 from vector<1xf32>
    %slice3A_617 = vector.extract_strided_slice %bitcast_convert_type3A_538 {offsets = [4], sizes = [1], strides = [1]} : vector<16xf32> to vector<1xf32>
    %squeeze3A_618 = vector.extract %slice3A_617[0] : f32 from vector<1xf32>
    %slice3A_619 = vector.extract_strided_slice %bitcast_convert_type3A_538 {offsets = [5], sizes = [1], strides = [1]} : vector<16xf32> to vector<1xf32>
    %squeeze3A_620 = vector.extract %slice3A_619[0] : f32 from vector<1xf32>
    %sub3A_621 = arith.subf %squeeze3A_618, %squeeze3A_614 : f32
    %ge3A = arith.constant 1.000000e+00 : f32
    %ge3A_622 = arith.cmpf oge, %sub3A_621, %ge3A : f32
    %sub3A_623 = arith.subf %squeeze3A_620, %squeeze3A_616 : f32
    %ge3A_624 = arith.constant 1.000000e+00 : f32
    %ge3A_625 = arith.cmpf oge, %sub3A_623, %ge3A_624 : f32
    %and3A_626 = arith.andi %ge3A_622, %ge3A_625 : i1
    %and3A_627 = arith.andi %gt3A_612, %and3A_626 : i1
    %eq3A_628 = arith.constant 0 : i32
    %eq3A_629 = arith.cmpi eq, %select_n3A_28, %eq3A_628 : i32
    %and3A_630 = arith.andi %and3A_627, %eq3A_629 : i1
    %convert_element_type3A_631 = arith.extui %and3A_630 : i1 to i32
    %cond3A_632 = arith.constant 0 : i32
    %cond3A_633 = arith.cmpi ne, %convert_element_type3A_631, %cond3A_632 : i32
    scf.if %cond3A_633 {
      %lt3A_696 = arith.constant 4 : i32
      %lt3A_697 = vector.broadcast %lt3A_696 : i32 to vector<16xi32>
      %lt3A_698 = arith.cmpi slt, %iota3A, %lt3A_697 : vector<16xi32>
      %add3A_699 = arith.constant 2 : i32
      %add3A_700 = vector.broadcast %add3A_699 : i32 to vector<16xi32>
      %add3A_701 = arith.addi %iota3A, %add3A_700 : vector<16xi32>
      %eq3A_702 = arith.constant 4 : i32
      %eq3A_703 = vector.broadcast %eq3A_702 : i32 to vector<16xi32>
      %eq3A_704 = arith.cmpi eq, %iota3A, %eq3A_703 : vector<16xi32>
      %jit3A_705 = arith.constant 0 : i32
      %jit3A_706 = arith.constant 7 : i32
      %broadcast_in_dim3A_707 = vector.broadcast %jit3A_705 : i32 to vector<16xi32>
      %broadcast_in_dim3A_708 = vector.broadcast %jit3A_706 : i32 to vector<16xi32>
      %select_n3A_709 = arith.select %eq3A_704, %broadcast_in_dim3A_707, %broadcast_in_dim3A_708 : vector<16xi1>, vector<16xi32>
      %select_n3A_710 = arith.select %lt3A_698, %add3A_701, %select_n3A_709 : vector<16xi1>, vector<16xi32>
      %lt3A_711 = arith.constant 0 : i32
      %lt3A_712 = vector.broadcast %lt3A_711 : i32 to vector<16xi32>
      %lt3A_713 = arith.cmpi slt, %select_n3A_710, %lt3A_712 : vector<16xi32>
      %add3A_714 = arith.constant 16 : i32
      %add3A_715 = vector.broadcast %add3A_714 : i32 to vector<16xi32>
      %add3A_716 = arith.addi %select_n3A_710, %add3A_715 : vector<16xi32>
      %select_n3A_717 = arith.select %lt3A_713, %add3A_716, %select_n3A_710 : vector<16xi1>, vector<16xi32>
      %broadcast_in_dim3A_718 = vector.shape_cast %select_n3A_717 : vector<16xi32> to vector<16x1xi32>
      %gather3A_719 = vector.shape_cast %broadcast_in_dim3A_718 : vector<16x1xi32> to vector<16xi32>
      %gather3A_720 = tpu.dynamic_gather %bitcast_convert_type3A_538[%gather3A_719] in [0] : vector<16xf32>, vector<16xi32> -> vector<16xf32>
      %get3A_721 = arith.constant 0 : i32
      %get3A_722 = arith.index_cast %get3A_721 : i32 to index
      %get3A_723 = memref.load %arg15[%get3A_722] : memref<8xi32, #tpu.memory_space<smem>>
      %mul3A_724 = arith.constant 16 : i32
      %mul3A_725 = arith.muli %get3A_723, %mul3A_724 : i32
      %swap3A_726 = arith.index_cast %mul3A_725 : i32 to index
      %swap3A_727 = tpu.vector_load %arg11[%swap3A_726] {strides = array<i32>} : memref<128xf32, #tpu.memory_space<vmem>>, vector<16xf32>,
      %swap3A_728 = vector.shape_cast %swap3A_727 : vector<16xf32> to vector<16xf32>
      %swap3A_729 = vector.shape_cast %gather3A_720 : vector<16xf32> to vector<16xf32>
      tpu.vector_store %arg11[%swap3A_726], %swap3A_729 {strides = array<i32>} : memref<128xf32, #tpu.memory_space<vmem>>, vector<16xf32>,
    } else {
    }
    %get3A_634 = arith.constant 0 : i32
    %get3A_635 = arith.index_cast %get3A_634 : i32 to index
    %get3A_636 = memref.load %arg15[%get3A_635] : memref<8xi32, #tpu.memory_space<smem>>
    %jit3A_637 = arith.constant 1 : i32
    %jit3A_638 = arith.constant 0 : i32
    %select_n3A_639 = arith.select %and3A_627, %jit3A_637, %jit3A_638 : i32
    %add3A_640 = arith.addi %get3A_636, %select_n3A_639 : i32
    %swap3A_641 = arith.constant 0 : i32
    %swap3A_642 = arith.index_cast %swap3A_641 : i32 to index
    %swap3A_643 = memref.load %arg15[%swap3A_642] : memref<8xi32, #tpu.memory_space<smem>>
    memref.store %add3A_640, %arg15[%swap3A_642] : memref<8xi32, #tpu.memory_space<smem>>
    %get3A_644 = arith.constant 0 : i32
    %get3A_645 = arith.index_cast %get3A_644 : i32 to index
    %get3A_646 = memref.load %arg15[%get3A_645] : memref<8xi32, #tpu.memory_space<smem>>
    %lt3A_647 = arith.constant 5 : i32
    %lt3A_648 = arith.cmpi slt, %get3A_646, %lt3A_647 : i32
    %and3A_649 = arith.andi %gt3A_612, %lt3A_648 : i1
    %jit3A_650 = arith.constant 1 : i32
    %jit3A_651 = arith.constant 0 : i32
    %select_n3A_652 = arith.select %and3A_649, %jit3A_650, %jit3A_651 : i32
    %swap3A_653 = arith.constant 1 : i32
    %swap3A_654 = arith.index_cast %swap3A_653 : i32 to index
    %swap3A_655 = memref.load %arg15[%swap3A_654] : memref<8xi32, #tpu.memory_space<smem>>
    memref.store %select_n3A_652, %arg15[%swap3A_654] : memref<8xi32, #tpu.memory_space<smem>>
    %convert_element_type3A_656 = arith.fptosi %select_n3A_526 : f32 to i32
    %swap3A_657 = arith.constant 2 : i32
    %swap3A_658 = arith.index_cast %swap3A_657 : i32 to index
    %swap3A_659 = memref.load %arg15[%swap3A_658] : memref<8xi32, #tpu.memory_space<smem>>
    memref.store %convert_element_type3A_656, %arg15[%swap3A_658] : memref<8xi32, #tpu.memory_space<smem>>
    %swap3A_660 = arith.constant 0 : i32
    %swap3A_661 = arith.index_cast %swap3A_660 : i32 to index
    %swap3A_662 = memref.load %arg16[%swap3A_661] : memref<8xf32, #tpu.memory_space<smem>>
    memref.store %squeeze3A_614, %arg16[%swap3A_661] : memref<8xf32, #tpu.memory_space<smem>>
    %swap3A_663 = arith.constant 1 : i32
    %swap3A_664 = arith.index_cast %swap3A_663 : i32 to index
    %swap3A_665 = memref.load %arg16[%swap3A_664] : memref<8xf32, #tpu.memory_space<smem>>
    memref.store %squeeze3A_616, %arg16[%swap3A_664] : memref<8xf32, #tpu.memory_space<smem>>
    %swap3A_666 = arith.constant 2 : i32
    %swap3A_667 = arith.index_cast %swap3A_666 : i32 to index
    %swap3A_668 = memref.load %arg16[%swap3A_667] : memref<8xf32, #tpu.memory_space<smem>>
    memref.store %squeeze3A_618, %arg16[%swap3A_667] : memref<8xf32, #tpu.memory_space<smem>>
    %swap3A_669 = arith.constant 3 : i32
    %swap3A_670 = arith.index_cast %swap3A_669 : i32 to index
    %swap3A_671 = memref.load %arg16[%swap3A_670] : memref<8xf32, #tpu.memory_space<smem>>
    memref.store %squeeze3A_620, %arg16[%swap3A_670] : memref<8xf32, #tpu.memory_space<smem>>
    %slice3A_672 = vector.extract_strided_slice %bitcast_convert_type3A_538 {offsets = [6], sizes = [1], strides = [1]} : vector<16xf32> to vector<1xf32>
    %squeeze3A_673 = vector.extract %slice3A_672[0] : f32 from vector<1xf32>
    %swap3A_674 = arith.constant 4 : i32
    %swap3A_675 = arith.index_cast %swap3A_674 : i32 to index
    %swap3A_676 = memref.load %arg16[%swap3A_675] : memref<8xf32, #tpu.memory_space<smem>>
    memref.store %squeeze3A_673, %arg16[%swap3A_675] : memref<8xf32, #tpu.memory_space<smem>>
    %gt3A_677 = arith.constant 5.000000e-01 : f32
    %gt3A_678 = arith.cmpf ogt, %squeeze3A_603, %gt3A_677 : f32
    %jit3A_679 = arith.constant 1 : i32
    %jit3A_680 = arith.constant 0 : i32
    %select_n3A_681 = arith.select %gt3A_678, %jit3A_679, %jit3A_680 : i32
    %swap3A_682 = arith.constant 3 : i32
    %swap3A_683 = arith.index_cast %swap3A_682 : i32 to index
    %swap3A_684 = memref.load %arg15[%swap3A_683] : memref<8xi32, #tpu.memory_space<smem>>
    memref.store %select_n3A_681, %arg15[%swap3A_683] : memref<8xi32, #tpu.memory_space<smem>>
    %scan3A = arith.constant 0 : i32
    %scan3A_685 = arith.constant 0 : i32
    %scan3A_686 = arith.constant 80 : i32
    %scan3A_687 = arith.addi %scan3A_685, %scan3A_686 : i32
    %scan3A_688 = arith.constant 1 : i32
    %scan3A_689 = scf.for %scan3A_696 = %scan3A_685 to %scan3A_687 step %scan3A_688 iter_args(%scan3A_697 = %scan3A) -> (i32)  : i32 {
      %get3A_698 = arith.constant 3 : i32
      %get3A_699 = arith.index_cast %get3A_698 : i32 to index
      %get3A_700 = memref.load %arg15[%get3A_699] : memref<8xi32, #tpu.memory_space<smem>>
      %eq3A_701 = arith.constant 1 : i32
      %eq3A_702 = arith.cmpi eq, %get3A_700, %eq3A_701 : i32
      %convert_element_type3A_703 = arith.extui %eq3A_702 : i1 to i32
      %cond3A_704 = arith.constant 0 : i32
      %cond3A_705 = arith.cmpi ne, %convert_element_type3A_703, %cond3A_704 : i32
      scf.if %cond3A_705 {
        %scan3A_707 = arith.constant 0 : i32
        %scan3A_708 = arith.constant 0 : i32
        %scan3A_709 = arith.constant 64 : i32
        %scan3A_710 = arith.addi %scan3A_708, %scan3A_709 : i32
        %scan3A_711 = arith.constant 1 : i32
        %scan3A_712 = scf.for %scan3A_714 = %scan3A_708 to %scan3A_710 step %scan3A_711 iter_args(%scan3A_715 = %scan3A_707) -> (i32)  : i32 {
          %get3A_716 = arith.constant 3 : i32
          %get3A_717 = arith.index_cast %get3A_716 : i32 to index
          %get3A_718 = memref.load %arg15[%get3A_717] : memref<8xi32, #tpu.memory_space<smem>>
          %eq3A_719 = arith.constant 1 : i32
          %eq3A_720 = arith.cmpi eq, %get3A_718, %eq3A_719 : i32
          %convert_element_type3A_721 = arith.extui %eq3A_720 : i1 to i32
          %cond3A_722 = arith.constant 0 : i32
          %cond3A_723 = arith.cmpi ne, %convert_element_type3A_721, %cond3A_722 : i32
          scf.if %cond3A_723 {
            %get3A_725 = arith.constant 2 : i32
            %get3A_726 = arith.index_cast %get3A_725 : i32 to index
            %get3A_727 = memref.load %arg15[%get3A_726] : memref<8xi32, #tpu.memory_space<smem>>
            %get3A_728 = arith.constant 0 : i32
            %get3A_729 = arith.index_cast %get3A_728 : i32 to index
            %get3A_730 = memref.load %arg16[%get3A_729] : memref<8xf32, #tpu.memory_space<smem>>
            %get3A_731 = arith.constant 1 : i32
            %get3A_732 = arith.index_cast %get3A_731 : i32 to index
            %get3A_733 = memref.load %arg16[%get3A_732] : memref<8xf32, #tpu.memory_space<smem>>
            %get3A_734 = arith.constant 2 : i32
            %get3A_735 = arith.index_cast %get3A_734 : i32 to index
            %get3A_736 = memref.load %arg16[%get3A_735] : memref<8xf32, #tpu.memory_space<smem>>
            %get3A_737 = arith.constant 3 : i32
            %get3A_738 = arith.index_cast %get3A_737 : i32 to index
            %get3A_739 = memref.load %arg16[%get3A_738] : memref<8xf32, #tpu.memory_space<smem>>
            %get3A_740 = arith.constant 4 : i32
            %get3A_741 = arith.index_cast %get3A_740 : i32 to index
            %get3A_742 = memref.load %arg16[%get3A_741] : memref<8xf32, #tpu.memory_space<smem>>
            %get3A_743 = arith.constant 1 : i32
            %get3A_744 = arith.index_cast %get3A_743 : i32 to index
            %get3A_745 = memref.load %arg15[%get3A_744] : memref<8xi32, #tpu.memory_space<smem>>
            %eq3A_746 = arith.constant 1 : i32
            %eq3A_747 = arith.cmpi eq, %get3A_745, %eq3A_746 : i32
            %jit3A_748 = arith.constant 40 : i32
            %jit3A_749 = arith.constant 0 : i32
            %select_n3A_750 = arith.select %eq3A_747, %jit3A_748, %jit3A_749 : i32
            %broadcast_in_dim3A_751 = arith.constant -1.000000e+30 : f32
            %broadcast_in_dim3A_752 = vector.broadcast %broadcast_in_dim3A_751 : f32 to vector<16xf32>
            %broadcast_in_dim3A_753 = arith.constant 1073741824 : i32
            %broadcast_in_dim3A_754 = vector.broadcast %broadcast_in_dim3A_753 : i32 to vector<16xi32>
            %parallel_loop3A_755 = arith.constant 0 : i32
            %parallel_loop3A_756 = arith.constant 1 : i32
            %parallel_loop3A_757:2 = scf.for %parallel_loop3A_1386 = %parallel_loop3A_755 to %select_n3A_750 step %parallel_loop3A_756 iter_args(%parallel_loop3A_1387 = %broadcast_in_dim3A_752, %parallel_loop3A_1388 = %broadcast_in_dim3A_754) -> (vector<16xf32>, vector<16xi32>)  : i32 {
              %parallel_loop3A_1389 = arith.constant 16 : i32
              %parallel_loop3A_1390 = arith.muli %parallel_loop3A_1386, %parallel_loop3A_1389 : i32
              %parallel_loop3A_1391 = arith.index_cast %parallel_loop3A_1390 : i32 to index
              %parallel_loop3A_1392 = tpu.vector_load %arg9[%parallel_loop3A_1391] {strides = array<i32>} : memref<640xf32, #tpu.memory_space<vmem>>, vector<16xf32>,
              %parallel_loop3A_1393 = vector.shape_cast %parallel_loop3A_1392 : vector<16xf32> to vector<16xf32>
              %parallel_loop3A_1394 = arith.constant 16 : i32
              %parallel_loop3A_1395 = arith.muli %parallel_loop3A_1386, %parallel_loop3A_1394 : i32
              %parallel_loop3A_1396 = arith.addi %mul3A_32, %parallel_loop3A_1395 : i32
              %parallel_loop3A_1397 = vector.broadcast %parallel_loop3A_1396 : i32 to vector<16xi32>
              %parallel_loop3A_1398 = arith.addi %iota3A, %parallel_loop3A_1397 : vector<16xi32>
              %parallel_loop3A_1399 = arith.index_cast %parallel_loop3A_1390 : i32 to index
              %parallel_loop3A_1400 = tpu.vector_load %arg5[%parallel_loop3A_1399] {strides = array<i32>} : memref<656xf32, #tpu.memory_space<vmem>>, vector<16xf32>,
              %parallel_loop3A_1401 = vector.shape_cast %parallel_loop3A_1400 : vector<16xf32> to vector<16xf32>
              %parallel_loop3A_1402 = arith.index_cast %parallel_loop3A_1390 : i32 to index
              %parallel_loop3A_1403 = tpu.vector_load %arg6[%parallel_loop3A_1402] {strides = array<i32>} : memref<656xf32, #tpu.memory_space<vmem>>, vector<16xf32>,
              %parallel_loop3A_1404 = vector.shape_cast %parallel_loop3A_1403 : vector<16xf32> to vector<16xf32>
              %parallel_loop3A_1405 = arith.index_cast %parallel_loop3A_1390 : i32 to index
              %parallel_loop3A_1406 = tpu.vector_load %arg7[%parallel_loop3A_1405] {strides = array<i32>} : memref<656xf32, #tpu.memory_space<vmem>>, vector<16xf32>,
              %parallel_loop3A_1407 = vector.shape_cast %parallel_loop3A_1406 : vector<16xf32> to vector<16xf32>
              %parallel_loop3A_1408 = arith.index_cast %parallel_loop3A_1390 : i32 to index
              %parallel_loop3A_1409 = tpu.vector_load %arg8[%parallel_loop3A_1408] {strides = array<i32>} : memref<656xf32, #tpu.memory_space<vmem>>, vector<16xf32>,
              %parallel_loop3A_1410 = vector.shape_cast %parallel_loop3A_1409 : vector<16xf32> to vector<16xf32>
              %parallel_loop3A_1411 = arith.index_cast %parallel_loop3A_1390 : i32 to index
              %parallel_loop3A_1412 = tpu.vector_load %arg10[%parallel_loop3A_1411] {strides = array<i32>} : memref<656xf32, #tpu.memory_space<vmem>>, vector<16xf32>,
              %parallel_loop3A_1413 = vector.shape_cast %parallel_loop3A_1412 : vector<16xf32> to vector<16xf32>
              %parallel_loop3A_1414 = vector.broadcast %get3A_730 : f32 to vector<16xf32>
              %parallel_loop3A_1415 = arith.maximumf %parallel_loop3A_1414, %parallel_loop3A_1401 : vector<16xf32>
              %parallel_loop3A_1416 = vector.broadcast %get3A_733 : f32 to vector<16xf32>
              %parallel_loop3A_1417 = arith.maximumf %parallel_loop3A_1416, %parallel_loop3A_1404 : vector<16xf32>
              %parallel_loop3A_1418 = vector.broadcast %get3A_736 : f32 to vector<16xf32>
              %parallel_loop3A_1419 = arith.minimumf %parallel_loop3A_1418, %parallel_loop3A_1407 : vector<16xf32>
              %parallel_loop3A_1420 = vector.broadcast %get3A_739 : f32 to vector<16xf32>
              %parallel_loop3A_1421 = arith.minimumf %parallel_loop3A_1420, %parallel_loop3A_1410 : vector<16xf32>
              %parallel_loop3A_1422 = arith.subf %parallel_loop3A_1419, %parallel_loop3A_1415 : vector<16xf32>
              %parallel_loop3A_1423 = arith.constant 0.000000e+00 : f32
              %parallel_loop3A_1424 = vector.broadcast %parallel_loop3A_1423 : f32 to vector<16xf32>
              %parallel_loop3A_1425 = arith.maximumf %parallel_loop3A_1422, %parallel_loop3A_1424 : vector<16xf32>
              %parallel_loop3A_1426 = arith.subf %parallel_loop3A_1421, %parallel_loop3A_1417 : vector<16xf32>
              %parallel_loop3A_1427 = arith.constant 0.000000e+00 : f32
              %parallel_loop3A_1428 = vector.broadcast %parallel_loop3A_1427 : f32 to vector<16xf32>
              %parallel_loop3A_1429 = arith.maximumf %parallel_loop3A_1426, %parallel_loop3A_1428 : vector<16xf32>
              %parallel_loop3A_1430 = arith.mulf %parallel_loop3A_1425, %parallel_loop3A_1429 : vector<16xf32>
              %parallel_loop3A_1431 = vector.broadcast %get3A_742 : f32 to vector<16xf32>
              %parallel_loop3A_1432 = arith.addf %parallel_loop3A_1431, %parallel_loop3A_1413 : vector<16xf32>
              %parallel_loop3A_1433 = arith.subf %parallel_loop3A_1432, %parallel_loop3A_1430 : vector<16xf32>
              %parallel_loop3A_1434 = arith.constant 9.99999971E-10 : f32
              %parallel_loop3A_1435 = vector.broadcast %parallel_loop3A_1434 : f32 to vector<16xf32>
              %parallel_loop3A_1436 = arith.addf %parallel_loop3A_1433, %parallel_loop3A_1435 : vector<16xf32>
              %parallel_loop3A_1437 = arith.divf %parallel_loop3A_1430, %parallel_loop3A_1436 : vector<16xf32>
              %parallel_loop3A_1438 = arith.constant 4.000000e-01 : f32
              %parallel_loop3A_1439 = vector.broadcast %parallel_loop3A_1438 : f32 to vector<16xf32>
              %parallel_loop3A_1440 = arith.cmpf ogt, %parallel_loop3A_1437, %parallel_loop3A_1439 : vector<16xf32>
              %parallel_loop3A_1441 = vector.broadcast %get3A_727 : i32 to vector<16xi32>
              %parallel_loop3A_1442 = arith.cmpi eq, %parallel_loop3A_1398, %parallel_loop3A_1441 : vector<16xi32>
              %parallel_loop3A_1443 = arith.ori %parallel_loop3A_1440, %parallel_loop3A_1442 : vector<16xi1>
              %parallel_loop3A_1444 = arith.constant -1.000000e+30 : f32
              %parallel_loop3A_1445 = vector.broadcast %parallel_loop3A_1444 : f32 to vector<16xf32>
              %parallel_loop3A_1446 = arith.select %parallel_loop3A_1443, %parallel_loop3A_1445, %parallel_loop3A_1393 : vector<16xi1>, vector<16xf32>
              %parallel_loop3A_1447 = arith.index_cast %parallel_loop3A_1390 : i32 to index
              %parallel_loop3A_1448 = tpu.vector_load %arg9[%parallel_loop3A_1447] {strides = array<i32>} : memref<640xf32, #tpu.memory_space<vmem>>, vector<16xf32>,
              %parallel_loop3A_1449 = vector.shape_cast %parallel_loop3A_1448 : vector<16xf32> to vector<16xf32>
              %parallel_loop3A_1450 = vector.shape_cast %parallel_loop3A_1446 : vector<16xf32> to vector<16xf32>
              tpu.vector_store %arg9[%parallel_loop3A_1447], %parallel_loop3A_1450 {strides = array<i32>} : memref<640xf32, #tpu.memory_space<vmem>>, vector<16xf32>,
              %parallel_loop3A_1451 = arith.cmpf ogt, %parallel_loop3A_1446, %parallel_loop3A_1387 : vector<16xf32>
              %parallel_loop3A_1452 = arith.cmpf oeq, %parallel_loop3A_1446, %parallel_loop3A_1387 : vector<16xf32>
              %parallel_loop3A_1453 = arith.cmpi slt, %parallel_loop3A_1398, %parallel_loop3A_1388 : vector<16xi32>
              %parallel_loop3A_1454 = arith.andi %parallel_loop3A_1452, %parallel_loop3A_1453 : vector<16xi1>
              %parallel_loop3A_1455 = arith.ori %parallel_loop3A_1451, %parallel_loop3A_1454 : vector<16xi1>
              %parallel_loop3A_1456 = arith.select %parallel_loop3A_1455, %parallel_loop3A_1446, %parallel_loop3A_1387 : vector<16xi1>, vector<16xf32>
              %parallel_loop3A_1457 = arith.select %parallel_loop3A_1455, %parallel_loop3A_1398, %parallel_loop3A_1388 : vector<16xi1>, vector<16xi32>
              scf.yield %parallel_loop3A_1456, %parallel_loop3A_1457 : vector<16xf32>, vector<16xi32>
            } {sc.loop_unroll_factor = 4 : i64, sc.parallel_access}
            %xor3A_758 = arith.constant 8 : i32
            %xor3A_759 = vector.broadcast %xor3A_758 : i32 to vector<16xi32>
            %xor3A_760 = arith.xori %iota3A, %xor3A_759 : vector<16xi32>
            %lt3A_761 = arith.constant 0 : i32
            %lt3A_762 = vector.broadcast %lt3A_761 : i32 to vector<16xi32>
            %lt3A_763 = arith.cmpi slt, %xor3A_760, %lt3A_762 : vector<16xi32>
            %add3A_764 = arith.constant 16 : i32
            %add3A_765 = vector.broadcast %add3A_764 : i32 to vector<16xi32>
            %add3A_766 = arith.addi %xor3A_760, %add3A_765 : vector<16xi32>
            %select_n3A_767 = arith.select %lt3A_763, %add3A_766, %xor3A_760 : vector<16xi1>, vector<16xi32>
            %broadcast_in_dim3A_768 = vector.shape_cast %select_n3A_767 : vector<16xi32> to vector<16x1xi32>
            %gather3A_769 = vector.shape_cast %broadcast_in_dim3A_768 : vector<16x1xi32> to vector<16xi32>
            %gather3A_770 = tpu.dynamic_gather %parallel_loop3A_757#0[%gather3A_769] in [0] : vector<16xf32>, vector<16xi32> -> vector<16xf32>
            %xor3A_771 = arith.constant 8 : i32
            %xor3A_772 = vector.broadcast %xor3A_771 : i32 to vector<16xi32>
            %xor3A_773 = arith.xori %iota3A, %xor3A_772 : vector<16xi32>
            %lt3A_774 = arith.constant 0 : i32
            %lt3A_775 = vector.broadcast %lt3A_774 : i32 to vector<16xi32>
            %lt3A_776 = arith.cmpi slt, %xor3A_773, %lt3A_775 : vector<16xi32>
            %add3A_777 = arith.constant 16 : i32
            %add3A_778 = vector.broadcast %add3A_777 : i32 to vector<16xi32>
            %add3A_779 = arith.addi %xor3A_773, %add3A_778 : vector<16xi32>
            %select_n3A_780 = arith.select %lt3A_776, %add3A_779, %xor3A_773 : vector<16xi1>, vector<16xi32>
            %broadcast_in_dim3A_781 = vector.shape_cast %select_n3A_780 : vector<16xi32> to vector<16x1xi32>
            %gather3A_782 = vector.shape_cast %broadcast_in_dim3A_781 : vector<16x1xi32> to vector<16xi32>
            %gather3A_783 = tpu.dynamic_gather %parallel_loop3A_757#1[%gather3A_782] in [0] : vector<16xi32>, vector<16xi32> -> vector<16xi32>
            %gt3A_784 = arith.cmpf ogt, %gather3A_770, %parallel_loop3A_757#0 : vector<16xf32>
            %eq3A_785 = arith.cmpf oeq, %gather3A_770, %parallel_loop3A_757#0 : vector<16xf32>
            %lt3A_786 = arith.cmpi slt, %gather3A_783, %parallel_loop3A_757#1 : vector<16xi32>
            %and3A_787 = arith.andi %eq3A_785, %lt3A_786 : vector<16xi1>
            %or3A_788 = arith.ori %gt3A_784, %and3A_787 : vector<16xi1>
            %select_n3A_789 = arith.select %or3A_788, %gather3A_770, %parallel_loop3A_757#0 : vector<16xi1>, vector<16xf32>
            %select_n3A_790 = arith.select %or3A_788, %gather3A_783, %parallel_loop3A_757#1 : vector<16xi1>, vector<16xi32>
            %xor3A_791 = arith.constant 4 : i32
            %xor3A_792 = vector.broadcast %xor3A_791 : i32 to vector<16xi32>
            %xor3A_793 = arith.xori %iota3A, %xor3A_792 : vector<16xi32>
            %lt3A_794 = arith.constant 0 : i32
            %lt3A_795 = vector.broadcast %lt3A_794 : i32 to vector<16xi32>
            %lt3A_796 = arith.cmpi slt, %xor3A_793, %lt3A_795 : vector<16xi32>
            %add3A_797 = arith.constant 16 : i32
            %add3A_798 = vector.broadcast %add3A_797 : i32 to vector<16xi32>
            %add3A_799 = arith.addi %xor3A_793, %add3A_798 : vector<16xi32>
            %select_n3A_800 = arith.select %lt3A_796, %add3A_799, %xor3A_793 : vector<16xi1>, vector<16xi32>
            %broadcast_in_dim3A_801 = vector.shape_cast %select_n3A_800 : vector<16xi32> to vector<16x1xi32>
            %gather3A_802 = vector.shape_cast %broadcast_in_dim3A_801 : vector<16x1xi32> to vector<16xi32>
            %gather3A_803 = tpu.dynamic_gather %select_n3A_789[%gather3A_802] in [0] : vector<16xf32>, vector<16xi32> -> vector<16xf32>
            %xor3A_804 = arith.constant 4 : i32
            %xor3A_805 = vector.broadcast %xor3A_804 : i32 to vector<16xi32>
            %xor3A_806 = arith.xori %iota3A, %xor3A_805 : vector<16xi32>
            %lt3A_807 = arith.constant 0 : i32
            %lt3A_808 = vector.broadcast %lt3A_807 : i32 to vector<16xi32>
            %lt3A_809 = arith.cmpi slt, %xor3A_806, %lt3A_808 : vector<16xi32>
            %add3A_810 = arith.constant 16 : i32
            %add3A_811 = vector.broadcast %add3A_810 : i32 to vector<16xi32>
            %add3A_812 = arith.addi %xor3A_806, %add3A_811 : vector<16xi32>
            %select_n3A_813 = arith.select %lt3A_809, %add3A_812, %xor3A_806 : vector<16xi1>, vector<16xi32>
            %broadcast_in_dim3A_814 = vector.shape_cast %select_n3A_813 : vector<16xi32> to vector<16x1xi32>
            %gather3A_815 = vector.shape_cast %broadcast_in_dim3A_814 : vector<16x1xi32> to vector<16xi32>
            %gather3A_816 = tpu.dynamic_gather %select_n3A_790[%gather3A_815] in [0] : vector<16xi32>, vector<16xi32> -> vector<16xi32>
            %gt3A_817 = arith.cmpf ogt, %gather3A_803, %select_n3A_789 : vector<16xf32>
            %eq3A_818 = arith.cmpf oeq, %gather3A_803, %select_n3A_789 : vector<16xf32>
            %lt3A_819 = arith.cmpi slt, %gather3A_816, %select_n3A_790 : vector<16xi32>
            %and3A_820 = arith.andi %eq3A_818, %lt3A_819 : vector<16xi1>
            %or3A_821 = arith.ori %gt3A_817, %and3A_820 : vector<16xi1>
            %select_n3A_822 = arith.select %or3A_821, %gather3A_803, %select_n3A_789 : vector<16xi1>, vector<16xf32>
            %select_n3A_823 = arith.select %or3A_821, %gather3A_816, %select_n3A_790 : vector<16xi1>, vector<16xi32>
            %xor3A_824 = arith.constant 2 : i32
            %xor3A_825 = vector.broadcast %xor3A_824 : i32 to vector<16xi32>
            %xor3A_826 = arith.xori %iota3A, %xor3A_825 : vector<16xi32>
            %lt3A_827 = arith.constant 0 : i32
            %lt3A_828 = vector.broadcast %lt3A_827 : i32 to vector<16xi32>
            %lt3A_829 = arith.cmpi slt, %xor3A_826, %lt3A_828 : vector<16xi32>
            %add3A_830 = arith.constant 16 : i32
            %add3A_831 = vector.broadcast %add3A_830 : i32 to vector<16xi32>
            %add3A_832 = arith.addi %xor3A_826, %add3A_831 : vector<16xi32>
            %select_n3A_833 = arith.select %lt3A_829, %add3A_832, %xor3A_826 : vector<16xi1>, vector<16xi32>
            %broadcast_in_dim3A_834 = vector.shape_cast %select_n3A_833 : vector<16xi32> to vector<16x1xi32>
            %gather3A_835 = vector.shape_cast %broadcast_in_dim3A_834 : vector<16x1xi32> to vector<16xi32>
            %gather3A_836 = tpu.dynamic_gather %select_n3A_822[%gather3A_835] in [0] : vector<16xf32>, vector<16xi32> -> vector<16xf32>
            %xor3A_837 = arith.constant 2 : i32
            %xor3A_838 = vector.broadcast %xor3A_837 : i32 to vector<16xi32>
            %xor3A_839 = arith.xori %iota3A, %xor3A_838 : vector<16xi32>
            %lt3A_840 = arith.constant 0 : i32
            %lt3A_841 = vector.broadcast %lt3A_840 : i32 to vector<16xi32>
            %lt3A_842 = arith.cmpi slt, %xor3A_839, %lt3A_841 : vector<16xi32>
            %add3A_843 = arith.constant 16 : i32
            %add3A_844 = vector.broadcast %add3A_843 : i32 to vector<16xi32>
            %add3A_845 = arith.addi %xor3A_839, %add3A_844 : vector<16xi32>
            %select_n3A_846 = arith.select %lt3A_842, %add3A_845, %xor3A_839 : vector<16xi1>, vector<16xi32>
            %broadcast_in_dim3A_847 = vector.shape_cast %select_n3A_846 : vector<16xi32> to vector<16x1xi32>
            %gather3A_848 = vector.shape_cast %broadcast_in_dim3A_847 : vector<16x1xi32> to vector<16xi32>
            %gather3A_849 = tpu.dynamic_gather %select_n3A_823[%gather3A_848] in [0] : vector<16xi32>, vector<16xi32> -> vector<16xi32>
            %gt3A_850 = arith.cmpf ogt, %gather3A_836, %select_n3A_822 : vector<16xf32>
            %eq3A_851 = arith.cmpf oeq, %gather3A_836, %select_n3A_822 : vector<16xf32>
            %lt3A_852 = arith.cmpi slt, %gather3A_849, %select_n3A_823 : vector<16xi32>
            %and3A_853 = arith.andi %eq3A_851, %lt3A_852 : vector<16xi1>
            %or3A_854 = arith.ori %gt3A_850, %and3A_853 : vector<16xi1>
            %select_n3A_855 = arith.select %or3A_854, %gather3A_836, %select_n3A_822 : vector<16xi1>, vector<16xf32>
            %select_n3A_856 = arith.select %or3A_854, %gather3A_849, %select_n3A_823 : vector<16xi1>, vector<16xi32>
            %xor3A_857 = arith.constant 1 : i32
            %xor3A_858 = vector.broadcast %xor3A_857 : i32 to vector<16xi32>
            %xor3A_859 = arith.xori %iota3A, %xor3A_858 : vector<16xi32>
            %lt3A_860 = arith.constant 0 : i32
            %lt3A_861 = vector.broadcast %lt3A_860 : i32 to vector<16xi32>
            %lt3A_862 = arith.cmpi slt, %xor3A_859, %lt3A_861 : vector<16xi32>
            %add3A_863 = arith.constant 16 : i32
            %add3A_864 = vector.broadcast %add3A_863 : i32 to vector<16xi32>
            %add3A_865 = arith.addi %xor3A_859, %add3A_864 : vector<16xi32>
            %select_n3A_866 = arith.select %lt3A_862, %add3A_865, %xor3A_859 : vector<16xi1>, vector<16xi32>
            %broadcast_in_dim3A_867 = vector.shape_cast %select_n3A_866 : vector<16xi32> to vector<16x1xi32>
            %gather3A_868 = vector.shape_cast %broadcast_in_dim3A_867 : vector<16x1xi32> to vector<16xi32>
            %gather3A_869 = tpu.dynamic_gather %select_n3A_855[%gather3A_868] in [0] : vector<16xf32>, vector<16xi32> -> vector<16xf32>
            %xor3A_870 = arith.constant 1 : i32
            %xor3A_871 = vector.broadcast %xor3A_870 : i32 to vector<16xi32>
            %xor3A_872 = arith.xori %iota3A, %xor3A_871 : vector<16xi32>
            %lt3A_873 = arith.constant 0 : i32
            %lt3A_874 = vector.broadcast %lt3A_873 : i32 to vector<16xi32>
            %lt3A_875 = arith.cmpi slt, %xor3A_872, %lt3A_874 : vector<16xi32>
            %add3A_876 = arith.constant 16 : i32
            %add3A_877 = vector.broadcast %add3A_876 : i32 to vector<16xi32>
            %add3A_878 = arith.addi %xor3A_872, %add3A_877 : vector<16xi32>
            %select_n3A_879 = arith.select %lt3A_875, %add3A_878, %xor3A_872 : vector<16xi1>, vector<16xi32>
            %broadcast_in_dim3A_880 = vector.shape_cast %select_n3A_879 : vector<16xi32> to vector<16x1xi32>
            %gather3A_881 = vector.shape_cast %broadcast_in_dim3A_880 : vector<16x1xi32> to vector<16xi32>
            %gather3A_882 = tpu.dynamic_gather %select_n3A_856[%gather3A_881] in [0] : vector<16xi32>, vector<16xi32> -> vector<16xi32>
            %gt3A_883 = arith.cmpf ogt, %gather3A_869, %select_n3A_855 : vector<16xf32>
            %eq3A_884 = arith.cmpf oeq, %gather3A_869, %select_n3A_855 : vector<16xf32>
            %lt3A_885 = arith.cmpi slt, %gather3A_882, %select_n3A_856 : vector<16xi32>
            %and3A_886 = arith.andi %eq3A_884, %lt3A_885 : vector<16xi1>
            %or3A_887 = arith.ori %gt3A_883, %and3A_886 : vector<16xi1>
            %select_n3A_888 = arith.select %or3A_887, %gather3A_869, %select_n3A_855 : vector<16xi1>, vector<16xf32>
            %select_n3A_889 = arith.select %or3A_887, %gather3A_882, %select_n3A_856 : vector<16xi1>, vector<16xi32>
            %slice3A_890 = vector.extract_strided_slice %select_n3A_888 {offsets = [0], sizes = [1], strides = [1]} : vector<16xf32> to vector<1xf32>
            %squeeze3A_891 = vector.extract %slice3A_890[0] : f32 from vector<1xf32>
            %slice3A_892 = vector.extract_strided_slice %select_n3A_889 {offsets = [0], sizes = [1], strides = [1]} : vector<16xi32> to vector<1xi32>
            %squeeze3A_893 = vector.extract %slice3A_892[0] : i32 from vector<1xi32>
            %gt3A_894 = arith.constant -5.000000e+29 : f32
            %gt3A_895 = arith.cmpf ogt, %squeeze3A_891, %gt3A_894 : f32
            %sub3A_896 = arith.subi %squeeze3A_893, %mul3A_32 : i32
            %jit3A_897 = arith.constant 0 : i32
            %select_n3A_898 = arith.select %gt3A_895, %sub3A_896, %jit3A_897 : i32
            %get3A_899 = arith.index_cast %select_n3A_898 : i32 to index
            %get3A_900 = tpu.vector_load %arg5[%get3A_899] {strides = array<i32>} : memref<656xf32, #tpu.memory_space<vmem>>, vector<16xf32>,
            %get3A_901 = vector.shape_cast %get3A_900 : vector<16xf32> to vector<16xf32>
            %slice3A_902 = vector.extract_strided_slice %get3A_901 {offsets = [0], sizes = [1], strides = [1]} : vector<16xf32> to vector<1xf32>
            %squeeze3A_903 = vector.extract %slice3A_902[0] : f32 from vector<1xf32>
            %get3A_904 = arith.index_cast %select_n3A_898 : i32 to index
            %get3A_905 = tpu.vector_load %arg6[%get3A_904] {strides = array<i32>} : memref<656xf32, #tpu.memory_space<vmem>>, vector<16xf32>,
            %get3A_906 = vector.shape_cast %get3A_905 : vector<16xf32> to vector<16xf32>
            %slice3A_907 = vector.extract_strided_slice %get3A_906 {offsets = [0], sizes = [1], strides = [1]} : vector<16xf32> to vector<1xf32>
            %squeeze3A_908 = vector.extract %slice3A_907[0] : f32 from vector<1xf32>
            %get3A_909 = arith.index_cast %select_n3A_898 : i32 to index
            %get3A_910 = tpu.vector_load %arg7[%get3A_909] {strides = array<i32>} : memref<656xf32, #tpu.memory_space<vmem>>, vector<16xf32>,
            %get3A_911 = vector.shape_cast %get3A_910 : vector<16xf32> to vector<16xf32>
            %slice3A_912 = vector.extract_strided_slice %get3A_911 {offsets = [0], sizes = [1], strides = [1]} : vector<16xf32> to vector<1xf32>
            %squeeze3A_913 = vector.extract %slice3A_912[0] : f32 from vector<1xf32>
            %get3A_914 = arith.index_cast %select_n3A_898 : i32 to index
            %get3A_915 = tpu.vector_load %arg8[%get3A_914] {strides = array<i32>} : memref<656xf32, #tpu.memory_space<vmem>>, vector<16xf32>,
            %get3A_916 = vector.shape_cast %get3A_915 : vector<16xf32> to vector<16xf32>
            %slice3A_917 = vector.extract_strided_slice %get3A_916 {offsets = [0], sizes = [1], strides = [1]} : vector<16xf32> to vector<1xf32>
            %squeeze3A_918 = vector.extract %slice3A_917[0] : f32 from vector<1xf32>
            %get3A_919 = arith.index_cast %select_n3A_898 : i32 to index
            %get3A_920 = tpu.vector_load %arg10[%get3A_919] {strides = array<i32>} : memref<656xf32, #tpu.memory_space<vmem>>, vector<16xf32>,
            %get3A_921 = vector.shape_cast %get3A_920 : vector<16xf32> to vector<16xf32>
            %slice3A_922 = vector.extract_strided_slice %get3A_921 {offsets = [0], sizes = [1], strides = [1]} : vector<16xf32> to vector<1xf32>
            %squeeze3A_923 = vector.extract %slice3A_922[0] : f32 from vector<1xf32>
            %get3A_924 = arith.constant 1 : i32
            %get3A_925 = arith.index_cast %get3A_924 : i32 to index
            %get3A_926 = memref.load %arg15[%get3A_925] : memref<8xi32, #tpu.memory_space<smem>>
            %eq3A_927 = arith.constant 1 : i32
            %eq3A_928 = arith.cmpi eq, %get3A_926, %eq3A_927 : i32
            %jit3A_929 = arith.constant 1.000000e+00 : f32
            %jit3A_930 = arith.constant 0.000000e+00 : f32
            %select_n3A_931 = arith.select %eq3A_928, %jit3A_929, %jit3A_930 : f32
            %eq3A_932 = arith.constant 0 : i32
            %eq3A_933 = vector.broadcast %eq3A_932 : i32 to vector<16xi32>
            %eq3A_934 = arith.cmpi eq, %iota3A, %eq3A_933 : vector<16xi32>
            %eq3A_935 = arith.constant 1 : i32
            %eq3A_936 = vector.broadcast %eq3A_935 : i32 to vector<16xi32>
            %eq3A_937 = arith.cmpi eq, %iota3A, %eq3A_936 : vector<16xi32>
            %convert_element_type3A_938 = arith.sitofp %squeeze3A_893 : i32 to f32
            %eq3A_939 = arith.constant 2 : i32
            %eq3A_940 = vector.broadcast %eq3A_939 : i32 to vector<16xi32>
            %eq3A_941 = arith.cmpi eq, %iota3A, %eq3A_940 : vector<16xi32>
            %eq3A_942 = arith.constant 3 : i32
            %eq3A_943 = vector.broadcast %eq3A_942 : i32 to vector<16xi32>
            %eq3A_944 = arith.cmpi eq, %iota3A, %eq3A_943 : vector<16xi32>
            %eq3A_945 = arith.constant 4 : i32
            %eq3A_946 = vector.broadcast %eq3A_945 : i32 to vector<16xi32>
            %eq3A_947 = arith.cmpi eq, %iota3A, %eq3A_946 : vector<16xi32>
            %eq3A_948 = arith.constant 5 : i32
            %eq3A_949 = vector.broadcast %eq3A_948 : i32 to vector<16xi32>
            %eq3A_950 = arith.cmpi eq, %iota3A, %eq3A_949 : vector<16xi32>
            %eq3A_951 = arith.constant 6 : i32
            %eq3A_952 = vector.broadcast %eq3A_951 : i32 to vector<16xi32>
            %eq3A_953 = arith.cmpi eq, %iota3A, %eq3A_952 : vector<16xi32>
            %eq3A_954 = arith.constant 7 : i32
            %eq3A_955 = vector.broadcast %eq3A_954 : i32 to vector<16xi32>
            %eq3A_956 = arith.cmpi eq, %iota3A, %eq3A_955 : vector<16xi32>
            %jit3A_957 = arith.constant 0.000000e+00 : f32
            %broadcast_in_dim3A_958 = vector.broadcast %select_n3A_931 : f32 to vector<16xf32>
            %broadcast_in_dim3A_959 = vector.broadcast %jit3A_957 : f32 to vector<16xf32>
            %select_n3A_960 = arith.select %eq3A_956, %broadcast_in_dim3A_958, %broadcast_in_dim3A_959 : vector<16xi1>, vector<16xf32>
            %broadcast_in_dim3A_961 = vector.broadcast %squeeze3A_923 : f32 to vector<16xf32>
            %select_n3A_962 = arith.select %eq3A_953, %broadcast_in_dim3A_961, %select_n3A_960 : vector<16xi1>, vector<16xf32>
            %broadcast_in_dim3A_963 = vector.broadcast %squeeze3A_918 : f32 to vector<16xf32>
            %select_n3A_964 = arith.select %eq3A_950, %broadcast_in_dim3A_963, %select_n3A_962 : vector<16xi1>, vector<16xf32>
            %broadcast_in_dim3A_965 = vector.broadcast %squeeze3A_913 : f32 to vector<16xf32>
            %select_n3A_966 = arith.select %eq3A_947, %broadcast_in_dim3A_965, %select_n3A_964 : vector<16xi1>, vector<16xf32>
            %broadcast_in_dim3A_967 = vector.broadcast %squeeze3A_908 : f32 to vector<16xf32>
            %select_n3A_968 = arith.select %eq3A_944, %broadcast_in_dim3A_967, %select_n3A_966 : vector<16xi1>, vector<16xf32>
            %broadcast_in_dim3A_969 = vector.broadcast %squeeze3A_903 : f32 to vector<16xf32>
            %select_n3A_970 = arith.select %eq3A_941, %broadcast_in_dim3A_969, %select_n3A_968 : vector<16xi1>, vector<16xf32>
            %broadcast_in_dim3A_971 = vector.broadcast %convert_element_type3A_938 : f32 to vector<16xf32>
            %select_n3A_972 = arith.select %eq3A_937, %broadcast_in_dim3A_971, %select_n3A_970 : vector<16xi1>, vector<16xf32>
            %broadcast_in_dim3A_973 = vector.broadcast %squeeze3A_891 : f32 to vector<16xf32>
            %select_n3A_974 = arith.select %eq3A_934, %broadcast_in_dim3A_973, %select_n3A_972 : vector<16xi1>, vector<16xf32>
            %get3A_975 = arith.constant 4 : i32
            %get3A_976 = arith.index_cast %get3A_975 : i32 to index
            %get3A_977 = memref.load %arg15[%get3A_976] : memref<8xi32, #tpu.memory_space<smem>>
            %and3A_978 = arith.constant 1 : i32
            %and3A_979 = arith.andi %get3A_977, %and3A_978 : i32
            %mul3A_980 = arith.constant 256 : i32
            %mul3A_981 = arith.muli %and3A_979, %mul3A_980 : i32
            %swap3A_982 = arith.constant 0 : index
            %swap3A_983 = tpu.vector_load %arg12[%swap3A_982] {strides = array<i32>} : memref<16xf32, #tpu.memory_space<vmem>>, vector<16xf32>,
            %swap3A_984 = vector.shape_cast %swap3A_983 : vector<16xf32> to vector<16xf32>
            %swap3A_985 = vector.shape_cast %select_n3A_974 : vector<16xf32> to vector<16xf32>
            tpu.vector_store %arg12[%swap3A_982], %swap3A_985 {strides = array<i32>} : memref<16xf32, #tpu.memory_space<vmem>>, vector<16xf32>,
            %mul3A_986 = arith.constant 16 : i32
            %mul3A_987 = arith.muli %arg1, %mul3A_986 : i32
            %add3A_988 = arith.addi %mul3A_981, %mul3A_987 : i32
            "tpu.region"() ({
              %run_scoped3A_1386 = tpu.sem_alloc : memref<!tpu.dma_semaphore, #tpu.memory_space<semaphore_mem>>
              %dma_start3A = tpu.memref_slice %arg14[%add3A_988] : memref<512xf32, #tpu.memory_space<vmem_shared>> -> memref<16xf32, #tpu.memory_space<vmem_shared>>
              %dma_start3A_1387 = tpu.memref_slice %arg14[%add3A_988] : memref<512xf32, #tpu.memory_space<vmem_shared>> -> memref<16xf32, #tpu.memory_space<vmem_shared>>
              tpu.enqueue_dma source(%arg12 : memref<16xf32, #tpu.memory_space<vmem>>) target(%dma_start3A_1387 : memref<16xf32, #tpu.memory_space<vmem_shared>>) target_semaphore(%run_scoped3A_1386 : memref<!tpu.dma_semaphore, #tpu.memory_space<semaphore_mem>>)
              %dma_wait3A = tpu.memref_slice %arg14[%add3A_988] : memref<512xf32, #tpu.memory_space<vmem_shared>> -> memref<16xf32, #tpu.memory_space<vmem_shared>>
              %dma_wait3A_1388 = tpu.memref_slice %arg14[%add3A_988] : memref<512xf32, #tpu.memory_space<vmem_shared>> -> memref<16xf32, #tpu.memory_space<vmem_shared>>
              tpu.wait_dma2 semaphore(%run_scoped3A_1386 : memref<!tpu.dma_semaphore, #tpu.memory_space<semaphore_mem>>) src(%arg12 : memref<16xf32, #tpu.memory_space<vmem>>) dst(%dma_wait3A_1388 : memref<16xf32, #tpu.memory_space<vmem_shared>>)
              tpu.yield
            }) : () -> ()
            %barrier3A_989 = arith.constant 0 : index
            tpu.barrier barrier_id(%barrier3A_989)
            "tpu.region"() ({
              %run_scoped3A_1386 = tpu.sem_alloc : memref<!tpu.dma_semaphore, #tpu.memory_space<semaphore_mem>>
              %dma_start3A = tpu.memref_slice %arg14[%mul3A_981] : memref<512xf32, #tpu.memory_space<vmem_shared>> -> memref<256xf32, #tpu.memory_space<vmem_shared>>
              %dma_start3A_1387 = tpu.memref_slice %arg14[%mul3A_981] : memref<512xf32, #tpu.memory_space<vmem_shared>> -> memref<256xf32, #tpu.memory_space<vmem_shared>>
              tpu.enqueue_dma source(%dma_start3A_1387 : memref<256xf32, #tpu.memory_space<vmem_shared>>) target(%arg13 : memref<256xf32, #tpu.memory_space<vmem>>) target_semaphore(%run_scoped3A_1386 : memref<!tpu.dma_semaphore, #tpu.memory_space<semaphore_mem>>)
              %dma_wait3A = tpu.memref_slice %arg14[%mul3A_981] : memref<512xf32, #tpu.memory_space<vmem_shared>> -> memref<256xf32, #tpu.memory_space<vmem_shared>>
              %dma_wait3A_1388 = tpu.memref_slice %arg14[%mul3A_981] : memref<512xf32, #tpu.memory_space<vmem_shared>> -> memref<256xf32, #tpu.memory_space<vmem_shared>>
              tpu.wait_dma2 semaphore(%run_scoped3A_1386 : memref<!tpu.dma_semaphore, #tpu.memory_space<semaphore_mem>>) src(%dma_wait3A_1388 : memref<256xf32, #tpu.memory_space<vmem_shared>>) dst(%arg13 : memref<256xf32, #tpu.memory_space<vmem>>)
              tpu.yield
            }) : () -> ()
            %get3A_990 = arith.constant 4 : i32
            %get3A_991 = arith.index_cast %get3A_990 : i32 to index
            %get3A_992 = memref.load %arg15[%get3A_991] : memref<8xi32, #tpu.memory_space<smem>>
            %add3A_993 = arith.constant 1 : i32
            %add3A_994 = arith.addi %get3A_992, %add3A_993 : i32
            %swap3A_995 = arith.constant 4 : i32
            %swap3A_996 = arith.index_cast %swap3A_995 : i32 to index
            %swap3A_997 = memref.load %arg15[%swap3A_996] : memref<8xi32, #tpu.memory_space<smem>>
            memref.store %add3A_994, %arg15[%swap3A_996] : memref<8xi32, #tpu.memory_space<smem>>
            %add3A_998 = arith.constant 0 : i32
            %add3A_999 = arith.addi %mul3A_34, %add3A_998 : i32
            %mul3A_1000 = arith.constant 16 : i32
            %mul3A_1001 = arith.muli %add3A_999, %mul3A_1000 : i32
            %get3A_1002 = arith.index_cast %mul3A_1001 : i32 to index
            %get3A_1003 = tpu.vector_load %arg13[%get3A_1002] {strides = array<i32>} : memref<256xf32, #tpu.memory_space<vmem>>, vector<16xf32>,
            %get3A_1004 = vector.shape_cast %get3A_1003 : vector<16xf32> to vector<16xf32>
            %slice3A_1005 = vector.extract_strided_slice %get3A_1004 {offsets = [0], sizes = [1], strides = [1]} : vector<16xf32> to vector<1xf32>
            %squeeze3A_1006 = vector.extract %slice3A_1005[0] : f32 from vector<1xf32>
            %slice3A_1007 = vector.extract_strided_slice %get3A_1004 {offsets = [1], sizes = [1], strides = [1]} : vector<16xf32> to vector<1xf32>
            %squeeze3A_1008 = vector.extract %slice3A_1007[0] : f32 from vector<1xf32>
            %gt3A_1009 = arith.constant -1.000000e+30 : f32
            %gt3A_1010 = arith.cmpf ogt, %squeeze3A_1006, %gt3A_1009 : f32
            %eq3A_1011 = arith.constant -1.000000e+30 : f32
            %eq3A_1012 = arith.cmpf oeq, %squeeze3A_1006, %eq3A_1011 : f32
            %lt3A_1013 = arith.constant 1.07374182E+9 : f32
            %lt3A_1014 = arith.cmpf olt, %squeeze3A_1008, %lt3A_1013 : f32
            %and3A_1015 = arith.andi %eq3A_1012, %lt3A_1014 : i1
            %or3A_1016 = arith.ori %gt3A_1010, %and3A_1015 : i1
            %jit3A_1017 = arith.constant -1.000000e+30 : f32
            %select_n3A_1018 = arith.select %or3A_1016, %squeeze3A_1006, %jit3A_1017 : f32
            %jit3A_1019 = arith.constant 1.07374182E+9 : f32
            %select_n3A_1020 = arith.select %or3A_1016, %squeeze3A_1008, %jit3A_1019 : f32
            %jit3A_1021 = arith.constant -1 : i32
            %jit3A_1022 = arith.constant 0 : i32
            %select_n3A_1023 = arith.select %or3A_1016, %jit3A_1021, %jit3A_1022 : i32
            %broadcast_in_dim3A_1024 = vector.broadcast %select_n3A_1023 : i32 to vector<16xi32>
            %bitcast_convert_type3A_1025 = tpu.bitcast %get3A_1004 : vector<16xf32> -> vector<16xi32>
            %bitcast_convert_type3A_1026 = tpu.bitcast %broadcast_in_dim3A_38 : vector<16xf32> -> vector<16xi32>
            %and3A_1027 = arith.andi %bitcast_convert_type3A_1025, %broadcast_in_dim3A_1024 : vector<16xi32>
            %not3A_1028 = arith.constant dense<-1> : vector<16xi32>
            %not3A_1029 = arith.xori %broadcast_in_dim3A_1024, %not3A_1028 : vector<16xi32>
            %and3A_1030 = arith.andi %bitcast_convert_type3A_1026, %not3A_1029 : vector<16xi32>
            %or3A_1031 = arith.ori %and3A_1027, %and3A_1030 : vector<16xi32>
            %bitcast_convert_type3A_1032 = tpu.bitcast %or3A_1031 : vector<16xi32> -> vector<16xf32>
            %add3A_1033 = arith.constant 1 : i32
            %add3A_1034 = arith.addi %mul3A_34, %add3A_1033 : i32
            %mul3A_1035 = arith.constant 16 : i32
            %mul3A_1036 = arith.muli %add3A_1034, %mul3A_1035 : i32
            %get3A_1037 = arith.index_cast %mul3A_1036 : i32 to index
            %get3A_1038 = tpu.vector_load %arg13[%get3A_1037] {strides = array<i32>} : memref<256xf32, #tpu.memory_space<vmem>>, vector<16xf32>,
            %get3A_1039 = vector.shape_cast %get3A_1038 : vector<16xf32> to vector<16xf32>
            %slice3A_1040 = vector.extract_strided_slice %get3A_1039 {offsets = [0], sizes = [1], strides = [1]} : vector<16xf32> to vector<1xf32>
            %squeeze3A_1041 = vector.extract %slice3A_1040[0] : f32 from vector<1xf32>
            %slice3A_1042 = vector.extract_strided_slice %get3A_1039 {offsets = [1], sizes = [1], strides = [1]} : vector<16xf32> to vector<1xf32>
            %squeeze3A_1043 = vector.extract %slice3A_1042[0] : f32 from vector<1xf32>
            %gt3A_1044 = arith.cmpf ogt, %squeeze3A_1041, %select_n3A_1018 : f32
            %eq3A_1045 = arith.cmpf oeq, %squeeze3A_1041, %select_n3A_1018 : f32
            %lt3A_1046 = arith.cmpf olt, %squeeze3A_1043, %select_n3A_1020 : f32
            %and3A_1047 = arith.andi %eq3A_1045, %lt3A_1046 : i1
            %or3A_1048 = arith.ori %gt3A_1044, %and3A_1047 : i1
            %select_n3A_1049 = arith.select %or3A_1048, %squeeze3A_1041, %select_n3A_1018 : f32
            %select_n3A_1050 = arith.select %or3A_1048, %squeeze3A_1043, %select_n3A_1020 : f32
            %jit3A_1051 = arith.constant -1 : i32
            %jit3A_1052 = arith.constant 0 : i32
            %select_n3A_1053 = arith.select %or3A_1048, %jit3A_1051, %jit3A_1052 : i32
            %broadcast_in_dim3A_1054 = vector.broadcast %select_n3A_1053 : i32 to vector<16xi32>
            %bitcast_convert_type3A_1055 = tpu.bitcast %get3A_1039 : vector<16xf32> -> vector<16xi32>
            %bitcast_convert_type3A_1056 = tpu.bitcast %bitcast_convert_type3A_1032 : vector<16xf32> -> vector<16xi32>
            %and3A_1057 = arith.andi %bitcast_convert_type3A_1055, %broadcast_in_dim3A_1054 : vector<16xi32>
            %not3A_1058 = arith.constant dense<-1> : vector<16xi32>
            %not3A_1059 = arith.xori %broadcast_in_dim3A_1054, %not3A_1058 : vector<16xi32>
            %and3A_1060 = arith.andi %bitcast_convert_type3A_1056, %not3A_1059 : vector<16xi32>
            %or3A_1061 = arith.ori %and3A_1057, %and3A_1060 : vector<16xi32>
            %bitcast_convert_type3A_1062 = tpu.bitcast %or3A_1061 : vector<16xi32> -> vector<16xf32>
            %add3A_1063 = arith.constant 2 : i32
            %add3A_1064 = arith.addi %mul3A_34, %add3A_1063 : i32
            %mul3A_1065 = arith.constant 16 : i32
            %mul3A_1066 = arith.muli %add3A_1064, %mul3A_1065 : i32
            %get3A_1067 = arith.index_cast %mul3A_1066 : i32 to index
            %get3A_1068 = tpu.vector_load %arg13[%get3A_1067] {strides = array<i32>} : memref<256xf32, #tpu.memory_space<vmem>>, vector<16xf32>,
            %get3A_1069 = vector.shape_cast %get3A_1068 : vector<16xf32> to vector<16xf32>
            %slice3A_1070 = vector.extract_strided_slice %get3A_1069 {offsets = [0], sizes = [1], strides = [1]} : vector<16xf32> to vector<1xf32>
            %squeeze3A_1071 = vector.extract %slice3A_1070[0] : f32 from vector<1xf32>
            %slice3A_1072 = vector.extract_strided_slice %get3A_1069 {offsets = [1], sizes = [1], strides = [1]} : vector<16xf32> to vector<1xf32>
            %squeeze3A_1073 = vector.extract %slice3A_1072[0] : f32 from vector<1xf32>
            %gt3A_1074 = arith.cmpf ogt, %squeeze3A_1071, %select_n3A_1049 : f32
            %eq3A_1075 = arith.cmpf oeq, %squeeze3A_1071, %select_n3A_1049 : f32
            %lt3A_1076 = arith.cmpf olt, %squeeze3A_1073, %select_n3A_1050 : f32
            %and3A_1077 = arith.andi %eq3A_1075, %lt3A_1076 : i1
            %or3A_1078 = arith.ori %gt3A_1074, %and3A_1077 : i1
            %select_n3A_1079 = arith.select %or3A_1078, %squeeze3A_1071, %select_n3A_1049 : f32
            %select_n3A_1080 = arith.select %or3A_1078, %squeeze3A_1073, %select_n3A_1050 : f32
            %jit3A_1081 = arith.constant -1 : i32
            %jit3A_1082 = arith.constant 0 : i32
            %select_n3A_1083 = arith.select %or3A_1078, %jit3A_1081, %jit3A_1082 : i32
            %broadcast_in_dim3A_1084 = vector.broadcast %select_n3A_1083 : i32 to vector<16xi32>
            %bitcast_convert_type3A_1085 = tpu.bitcast %get3A_1069 : vector<16xf32> -> vector<16xi32>
            %bitcast_convert_type3A_1086 = tpu.bitcast %bitcast_convert_type3A_1062 : vector<16xf32> -> vector<16xi32>
            %and3A_1087 = arith.andi %bitcast_convert_type3A_1085, %broadcast_in_dim3A_1084 : vector<16xi32>
            %not3A_1088 = arith.constant dense<-1> : vector<16xi32>
            %not3A_1089 = arith.xori %broadcast_in_dim3A_1084, %not3A_1088 : vector<16xi32>
            %and3A_1090 = arith.andi %bitcast_convert_type3A_1086, %not3A_1089 : vector<16xi32>
            %or3A_1091 = arith.ori %and3A_1087, %and3A_1090 : vector<16xi32>
            %bitcast_convert_type3A_1092 = tpu.bitcast %or3A_1091 : vector<16xi32> -> vector<16xf32>
            %add3A_1093 = arith.constant 3 : i32
            %add3A_1094 = arith.addi %mul3A_34, %add3A_1093 : i32
            %mul3A_1095 = arith.constant 16 : i32
            %mul3A_1096 = arith.muli %add3A_1094, %mul3A_1095 : i32
            %get3A_1097 = arith.index_cast %mul3A_1096 : i32 to index
            %get3A_1098 = tpu.vector_load %arg13[%get3A_1097] {strides = array<i32>} : memref<256xf32, #tpu.memory_space<vmem>>, vector<16xf32>,
            %get3A_1099 = vector.shape_cast %get3A_1098 : vector<16xf32> to vector<16xf32>
            %slice3A_1100 = vector.extract_strided_slice %get3A_1099 {offsets = [0], sizes = [1], strides = [1]} : vector<16xf32> to vector<1xf32>
            %squeeze3A_1101 = vector.extract %slice3A_1100[0] : f32 from vector<1xf32>
            %slice3A_1102 = vector.extract_strided_slice %get3A_1099 {offsets = [1], sizes = [1], strides = [1]} : vector<16xf32> to vector<1xf32>
            %squeeze3A_1103 = vector.extract %slice3A_1102[0] : f32 from vector<1xf32>
            %gt3A_1104 = arith.cmpf ogt, %squeeze3A_1101, %select_n3A_1079 : f32
            %eq3A_1105 = arith.cmpf oeq, %squeeze3A_1101, %select_n3A_1079 : f32
            %lt3A_1106 = arith.cmpf olt, %squeeze3A_1103, %select_n3A_1080 : f32
            %and3A_1107 = arith.andi %eq3A_1105, %lt3A_1106 : i1
            %or3A_1108 = arith.ori %gt3A_1104, %and3A_1107 : i1
            %select_n3A_1109 = arith.select %or3A_1108, %squeeze3A_1101, %select_n3A_1079 : f32
            %select_n3A_1110 = arith.select %or3A_1108, %squeeze3A_1103, %select_n3A_1080 : f32
            %jit3A_1111 = arith.constant -1 : i32
            %jit3A_1112 = arith.constant 0 : i32
            %select_n3A_1113 = arith.select %or3A_1108, %jit3A_1111, %jit3A_1112 : i32
            %broadcast_in_dim3A_1114 = vector.broadcast %select_n3A_1113 : i32 to vector<16xi32>
            %bitcast_convert_type3A_1115 = tpu.bitcast %get3A_1099 : vector<16xf32> -> vector<16xi32>
            %bitcast_convert_type3A_1116 = tpu.bitcast %bitcast_convert_type3A_1092 : vector<16xf32> -> vector<16xi32>
            %and3A_1117 = arith.andi %bitcast_convert_type3A_1115, %broadcast_in_dim3A_1114 : vector<16xi32>
            %not3A_1118 = arith.constant dense<-1> : vector<16xi32>
            %not3A_1119 = arith.xori %broadcast_in_dim3A_1114, %not3A_1118 : vector<16xi32>
            %and3A_1120 = arith.andi %bitcast_convert_type3A_1116, %not3A_1119 : vector<16xi32>
            %or3A_1121 = arith.ori %and3A_1117, %and3A_1120 : vector<16xi32>
            %bitcast_convert_type3A_1122 = tpu.bitcast %or3A_1121 : vector<16xi32> -> vector<16xf32>
            %add3A_1123 = arith.constant 4 : i32
            %add3A_1124 = arith.addi %mul3A_34, %add3A_1123 : i32
            %mul3A_1125 = arith.constant 16 : i32
            %mul3A_1126 = arith.muli %add3A_1124, %mul3A_1125 : i32
            %get3A_1127 = arith.index_cast %mul3A_1126 : i32 to index
            %get3A_1128 = tpu.vector_load %arg13[%get3A_1127] {strides = array<i32>} : memref<256xf32, #tpu.memory_space<vmem>>, vector<16xf32>,
            %get3A_1129 = vector.shape_cast %get3A_1128 : vector<16xf32> to vector<16xf32>
            %slice3A_1130 = vector.extract_strided_slice %get3A_1129 {offsets = [0], sizes = [1], strides = [1]} : vector<16xf32> to vector<1xf32>
            %squeeze3A_1131 = vector.extract %slice3A_1130[0] : f32 from vector<1xf32>
            %slice3A_1132 = vector.extract_strided_slice %get3A_1129 {offsets = [1], sizes = [1], strides = [1]} : vector<16xf32> to vector<1xf32>
            %squeeze3A_1133 = vector.extract %slice3A_1132[0] : f32 from vector<1xf32>
            %gt3A_1134 = arith.cmpf ogt, %squeeze3A_1131, %select_n3A_1109 : f32
            %eq3A_1135 = arith.cmpf oeq, %squeeze3A_1131, %select_n3A_1109 : f32
            %lt3A_1136 = arith.cmpf olt, %squeeze3A_1133, %select_n3A_1110 : f32
            %and3A_1137 = arith.andi %eq3A_1135, %lt3A_1136 : i1
            %or3A_1138 = arith.ori %gt3A_1134, %and3A_1137 : i1
            %select_n3A_1139 = arith.select %or3A_1138, %squeeze3A_1131, %select_n3A_1109 : f32
            %select_n3A_1140 = arith.select %or3A_1138, %squeeze3A_1133, %select_n3A_1110 : f32
            %jit3A_1141 = arith.constant -1 : i32
            %jit3A_1142 = arith.constant 0 : i32
            %select_n3A_1143 = arith.select %or3A_1138, %jit3A_1141, %jit3A_1142 : i32
            %broadcast_in_dim3A_1144 = vector.broadcast %select_n3A_1143 : i32 to vector<16xi32>
            %bitcast_convert_type3A_1145 = tpu.bitcast %get3A_1129 : vector<16xf32> -> vector<16xi32>
            %bitcast_convert_type3A_1146 = tpu.bitcast %bitcast_convert_type3A_1122 : vector<16xf32> -> vector<16xi32>
            %and3A_1147 = arith.andi %bitcast_convert_type3A_1145, %broadcast_in_dim3A_1144 : vector<16xi32>
            %not3A_1148 = arith.constant dense<-1> : vector<16xi32>
            %not3A_1149 = arith.xori %broadcast_in_dim3A_1144, %not3A_1148 : vector<16xi32>
            %and3A_1150 = arith.andi %bitcast_convert_type3A_1146, %not3A_1149 : vector<16xi32>
            %or3A_1151 = arith.ori %and3A_1147, %and3A_1150 : vector<16xi32>
            %bitcast_convert_type3A_1152 = tpu.bitcast %or3A_1151 : vector<16xi32> -> vector<16xf32>
            %add3A_1153 = arith.constant 5 : i32
            %add3A_1154 = arith.addi %mul3A_34, %add3A_1153 : i32
            %mul3A_1155 = arith.constant 16 : i32
            %mul3A_1156 = arith.muli %add3A_1154, %mul3A_1155 : i32
            %get3A_1157 = arith.index_cast %mul3A_1156 : i32 to index
            %get3A_1158 = tpu.vector_load %arg13[%get3A_1157] {strides = array<i32>} : memref<256xf32, #tpu.memory_space<vmem>>, vector<16xf32>,
            %get3A_1159 = vector.shape_cast %get3A_1158 : vector<16xf32> to vector<16xf32>
            %slice3A_1160 = vector.extract_strided_slice %get3A_1159 {offsets = [0], sizes = [1], strides = [1]} : vector<16xf32> to vector<1xf32>
            %squeeze3A_1161 = vector.extract %slice3A_1160[0] : f32 from vector<1xf32>
            %slice3A_1162 = vector.extract_strided_slice %get3A_1159 {offsets = [1], sizes = [1], strides = [1]} : vector<16xf32> to vector<1xf32>
            %squeeze3A_1163 = vector.extract %slice3A_1162[0] : f32 from vector<1xf32>
            %gt3A_1164 = arith.cmpf ogt, %squeeze3A_1161, %select_n3A_1139 : f32
            %eq3A_1165 = arith.cmpf oeq, %squeeze3A_1161, %select_n3A_1139 : f32
            %lt3A_1166 = arith.cmpf olt, %squeeze3A_1163, %select_n3A_1140 : f32
            %and3A_1167 = arith.andi %eq3A_1165, %lt3A_1166 : i1
            %or3A_1168 = arith.ori %gt3A_1164, %and3A_1167 : i1
            %select_n3A_1169 = arith.select %or3A_1168, %squeeze3A_1161, %select_n3A_1139 : f32
            %select_n3A_1170 = arith.select %or3A_1168, %squeeze3A_1163, %select_n3A_1140 : f32
            %jit3A_1171 = arith.constant -1 : i32
            %jit3A_1172 = arith.constant 0 : i32
            %select_n3A_1173 = arith.select %or3A_1168, %jit3A_1171, %jit3A_1172 : i32
            %broadcast_in_dim3A_1174 = vector.broadcast %select_n3A_1173 : i32 to vector<16xi32>
            %bitcast_convert_type3A_1175 = tpu.bitcast %get3A_1159 : vector<16xf32> -> vector<16xi32>
            %bitcast_convert_type3A_1176 = tpu.bitcast %bitcast_convert_type3A_1152 : vector<16xf32> -> vector<16xi32>
            %and3A_1177 = arith.andi %bitcast_convert_type3A_1175, %broadcast_in_dim3A_1174 : vector<16xi32>
            %not3A_1178 = arith.constant dense<-1> : vector<16xi32>
            %not3A_1179 = arith.xori %broadcast_in_dim3A_1174, %not3A_1178 : vector<16xi32>
            %and3A_1180 = arith.andi %bitcast_convert_type3A_1176, %not3A_1179 : vector<16xi32>
            %or3A_1181 = arith.ori %and3A_1177, %and3A_1180 : vector<16xi32>
            %bitcast_convert_type3A_1182 = tpu.bitcast %or3A_1181 : vector<16xi32> -> vector<16xf32>
            %add3A_1183 = arith.constant 6 : i32
            %add3A_1184 = arith.addi %mul3A_34, %add3A_1183 : i32
            %mul3A_1185 = arith.constant 16 : i32
            %mul3A_1186 = arith.muli %add3A_1184, %mul3A_1185 : i32
            %get3A_1187 = arith.index_cast %mul3A_1186 : i32 to index
            %get3A_1188 = tpu.vector_load %arg13[%get3A_1187] {strides = array<i32>} : memref<256xf32, #tpu.memory_space<vmem>>, vector<16xf32>,
            %get3A_1189 = vector.shape_cast %get3A_1188 : vector<16xf32> to vector<16xf32>
            %slice3A_1190 = vector.extract_strided_slice %get3A_1189 {offsets = [0], sizes = [1], strides = [1]} : vector<16xf32> to vector<1xf32>
            %squeeze3A_1191 = vector.extract %slice3A_1190[0] : f32 from vector<1xf32>
            %slice3A_1192 = vector.extract_strided_slice %get3A_1189 {offsets = [1], sizes = [1], strides = [1]} : vector<16xf32> to vector<1xf32>
            %squeeze3A_1193 = vector.extract %slice3A_1192[0] : f32 from vector<1xf32>
            %gt3A_1194 = arith.cmpf ogt, %squeeze3A_1191, %select_n3A_1169 : f32
            %eq3A_1195 = arith.cmpf oeq, %squeeze3A_1191, %select_n3A_1169 : f32
            %lt3A_1196 = arith.cmpf olt, %squeeze3A_1193, %select_n3A_1170 : f32
            %and3A_1197 = arith.andi %eq3A_1195, %lt3A_1196 : i1
            %or3A_1198 = arith.ori %gt3A_1194, %and3A_1197 : i1
            %select_n3A_1199 = arith.select %or3A_1198, %squeeze3A_1191, %select_n3A_1169 : f32
            %select_n3A_1200 = arith.select %or3A_1198, %squeeze3A_1193, %select_n3A_1170 : f32
            %jit3A_1201 = arith.constant -1 : i32
            %jit3A_1202 = arith.constant 0 : i32
            %select_n3A_1203 = arith.select %or3A_1198, %jit3A_1201, %jit3A_1202 : i32
            %broadcast_in_dim3A_1204 = vector.broadcast %select_n3A_1203 : i32 to vector<16xi32>
            %bitcast_convert_type3A_1205 = tpu.bitcast %get3A_1189 : vector<16xf32> -> vector<16xi32>
            %bitcast_convert_type3A_1206 = tpu.bitcast %bitcast_convert_type3A_1182 : vector<16xf32> -> vector<16xi32>
            %and3A_1207 = arith.andi %bitcast_convert_type3A_1205, %broadcast_in_dim3A_1204 : vector<16xi32>
            %not3A_1208 = arith.constant dense<-1> : vector<16xi32>
            %not3A_1209 = arith.xori %broadcast_in_dim3A_1204, %not3A_1208 : vector<16xi32>
            %and3A_1210 = arith.andi %bitcast_convert_type3A_1206, %not3A_1209 : vector<16xi32>
            %or3A_1211 = arith.ori %and3A_1207, %and3A_1210 : vector<16xi32>
            %bitcast_convert_type3A_1212 = tpu.bitcast %or3A_1211 : vector<16xi32> -> vector<16xf32>
            %add3A_1213 = arith.constant 7 : i32
            %add3A_1214 = arith.addi %mul3A_34, %add3A_1213 : i32
            %mul3A_1215 = arith.constant 16 : i32
            %mul3A_1216 = arith.muli %add3A_1214, %mul3A_1215 : i32
            %get3A_1217 = arith.index_cast %mul3A_1216 : i32 to index
            %get3A_1218 = tpu.vector_load %arg13[%get3A_1217] {strides = array<i32>} : memref<256xf32, #tpu.memory_space<vmem>>, vector<16xf32>,
            %get3A_1219 = vector.shape_cast %get3A_1218 : vector<16xf32> to vector<16xf32>
            %slice3A_1220 = vector.extract_strided_slice %get3A_1219 {offsets = [0], sizes = [1], strides = [1]} : vector<16xf32> to vector<1xf32>
            %squeeze3A_1221 = vector.extract %slice3A_1220[0] : f32 from vector<1xf32>
            %slice3A_1222 = vector.extract_strided_slice %get3A_1219 {offsets = [1], sizes = [1], strides = [1]} : vector<16xf32> to vector<1xf32>
            %squeeze3A_1223 = vector.extract %slice3A_1222[0] : f32 from vector<1xf32>
            %gt3A_1224 = arith.cmpf ogt, %squeeze3A_1221, %select_n3A_1199 : f32
            %eq3A_1225 = arith.cmpf oeq, %squeeze3A_1221, %select_n3A_1199 : f32
            %lt3A_1226 = arith.cmpf olt, %squeeze3A_1223, %select_n3A_1200 : f32
            %and3A_1227 = arith.andi %eq3A_1225, %lt3A_1226 : i1
            %or3A_1228 = arith.ori %gt3A_1224, %and3A_1227 : i1
            %select_n3A_1229 = arith.select %or3A_1228, %squeeze3A_1221, %select_n3A_1199 : f32
            %select_n3A_1230 = arith.select %or3A_1228, %squeeze3A_1223, %select_n3A_1200 : f32
            %jit3A_1231 = arith.constant -1 : i32
            %jit3A_1232 = arith.constant 0 : i32
            %select_n3A_1233 = arith.select %or3A_1228, %jit3A_1231, %jit3A_1232 : i32
            %broadcast_in_dim3A_1234 = vector.broadcast %select_n3A_1233 : i32 to vector<16xi32>
            %bitcast_convert_type3A_1235 = tpu.bitcast %get3A_1219 : vector<16xf32> -> vector<16xi32>
            %bitcast_convert_type3A_1236 = tpu.bitcast %bitcast_convert_type3A_1212 : vector<16xf32> -> vector<16xi32>
            %and3A_1237 = arith.andi %bitcast_convert_type3A_1235, %broadcast_in_dim3A_1234 : vector<16xi32>
            %not3A_1238 = arith.constant dense<-1> : vector<16xi32>
            %not3A_1239 = arith.xori %broadcast_in_dim3A_1234, %not3A_1238 : vector<16xi32>
            %and3A_1240 = arith.andi %bitcast_convert_type3A_1236, %not3A_1239 : vector<16xi32>
            %or3A_1241 = arith.ori %and3A_1237, %and3A_1240 : vector<16xi32>
            %bitcast_convert_type3A_1242 = tpu.bitcast %or3A_1241 : vector<16xi32> -> vector<16xf32>
            %get3A_1243 = arith.constant 0 : index
            %get3A_1244 = tpu.vector_load %arg13[%get3A_1243] {strides = array<i32>} : memref<256xf32, #tpu.memory_space<vmem>>, vector<16xf32>,
            %get3A_1245 = vector.shape_cast %get3A_1244 : vector<16xf32> to vector<16xf32>
            %max3A_1246 = arith.maximumf %broadcast_in_dim3A_38, %get3A_1245 : vector<16xf32>
            %get3A_1247 = arith.constant 16 : index
            %get3A_1248 = tpu.vector_load %arg13[%get3A_1247] {strides = array<i32>} : memref<256xf32, #tpu.memory_space<vmem>>, vector<16xf32>,
            %get3A_1249 = vector.shape_cast %get3A_1248 : vector<16xf32> to vector<16xf32>
            %max3A_1250 = arith.maximumf %max3A_1246, %get3A_1249 : vector<16xf32>
            %get3A_1251 = arith.constant 32 : index
            %get3A_1252 = tpu.vector_load %arg13[%get3A_1251] {strides = array<i32>} : memref<256xf32, #tpu.memory_space<vmem>>, vector<16xf32>,
            %get3A_1253 = vector.shape_cast %get3A_1252 : vector<16xf32> to vector<16xf32>
            %max3A_1254 = arith.maximumf %max3A_1250, %get3A_1253 : vector<16xf32>
            %get3A_1255 = arith.constant 48 : index
            %get3A_1256 = tpu.vector_load %arg13[%get3A_1255] {strides = array<i32>} : memref<256xf32, #tpu.memory_space<vmem>>, vector<16xf32>,
            %get3A_1257 = vector.shape_cast %get3A_1256 : vector<16xf32> to vector<16xf32>
            %max3A_1258 = arith.maximumf %max3A_1254, %get3A_1257 : vector<16xf32>
            %get3A_1259 = arith.constant 64 : index
            %get3A_1260 = tpu.vector_load %arg13[%get3A_1259] {strides = array<i32>} : memref<256xf32, #tpu.memory_space<vmem>>, vector<16xf32>,
            %get3A_1261 = vector.shape_cast %get3A_1260 : vector<16xf32> to vector<16xf32>
            %max3A_1262 = arith.maximumf %max3A_1258, %get3A_1261 : vector<16xf32>
            %get3A_1263 = arith.constant 80 : index
            %get3A_1264 = tpu.vector_load %arg13[%get3A_1263] {strides = array<i32>} : memref<256xf32, #tpu.memory_space<vmem>>, vector<16xf32>,
            %get3A_1265 = vector.shape_cast %get3A_1264 : vector<16xf32> to vector<16xf32>
            %max3A_1266 = arith.maximumf %max3A_1262, %get3A_1265 : vector<16xf32>
            %get3A_1267 = arith.constant 96 : index
            %get3A_1268 = tpu.vector_load %arg13[%get3A_1267] {strides = array<i32>} : memref<256xf32, #tpu.memory_space<vmem>>, vector<16xf32>,
            %get3A_1269 = vector.shape_cast %get3A_1268 : vector<16xf32> to vector<16xf32>
            %max3A_1270 = arith.maximumf %max3A_1266, %get3A_1269 : vector<16xf32>
            %get3A_1271 = arith.constant 112 : index
            %get3A_1272 = tpu.vector_load %arg13[%get3A_1271] {strides = array<i32>} : memref<256xf32, #tpu.memory_space<vmem>>, vector<16xf32>,
            %get3A_1273 = vector.shape_cast %get3A_1272 : vector<16xf32> to vector<16xf32>
            %max3A_1274 = arith.maximumf %max3A_1270, %get3A_1273 : vector<16xf32>
            %get3A_1275 = arith.constant 128 : index
            %get3A_1276 = tpu.vector_load %arg13[%get3A_1275] {strides = array<i32>} : memref<256xf32, #tpu.memory_space<vmem>>, vector<16xf32>,
            %get3A_1277 = vector.shape_cast %get3A_1276 : vector<16xf32> to vector<16xf32>
            %max3A_1278 = arith.maximumf %max3A_1274, %get3A_1277 : vector<16xf32>
            %get3A_1279 = arith.constant 144 : index
            %get3A_1280 = tpu.vector_load %arg13[%get3A_1279] {strides = array<i32>} : memref<256xf32, #tpu.memory_space<vmem>>, vector<16xf32>,
            %get3A_1281 = vector.shape_cast %get3A_1280 : vector<16xf32> to vector<16xf32>
            %max3A_1282 = arith.maximumf %max3A_1278, %get3A_1281 : vector<16xf32>
            %get3A_1283 = arith.constant 160 : index
            %get3A_1284 = tpu.vector_load %arg13[%get3A_1283] {strides = array<i32>} : memref<256xf32, #tpu.memory_space<vmem>>, vector<16xf32>,
            %get3A_1285 = vector.shape_cast %get3A_1284 : vector<16xf32> to vector<16xf32>
            %max3A_1286 = arith.maximumf %max3A_1282, %get3A_1285 : vector<16xf32>
            %get3A_1287 = arith.constant 176 : index
            %get3A_1288 = tpu.vector_load %arg13[%get3A_1287] {strides = array<i32>} : memref<256xf32, #tpu.memory_space<vmem>>, vector<16xf32>,
            %get3A_1289 = vector.shape_cast %get3A_1288 : vector<16xf32> to vector<16xf32>
            %max3A_1290 = arith.maximumf %max3A_1286, %get3A_1289 : vector<16xf32>
            %get3A_1291 = arith.constant 192 : index
            %get3A_1292 = tpu.vector_load %arg13[%get3A_1291] {strides = array<i32>} : memref<256xf32, #tpu.memory_space<vmem>>, vector<16xf32>,
            %get3A_1293 = vector.shape_cast %get3A_1292 : vector<16xf32> to vector<16xf32>
            %max3A_1294 = arith.maximumf %max3A_1290, %get3A_1293 : vector<16xf32>
            %get3A_1295 = arith.constant 208 : index
            %get3A_1296 = tpu.vector_load %arg13[%get3A_1295] {strides = array<i32>} : memref<256xf32, #tpu.memory_space<vmem>>, vector<16xf32>,
            %get3A_1297 = vector.shape_cast %get3A_1296 : vector<16xf32> to vector<16xf32>
            %max3A_1298 = arith.maximumf %max3A_1294, %get3A_1297 : vector<16xf32>
            %get3A_1299 = arith.constant 224 : index
            %get3A_1300 = tpu.vector_load %arg13[%get3A_1299] {strides = array<i32>} : memref<256xf32, #tpu.memory_space<vmem>>, vector<16xf32>,
            %get3A_1301 = vector.shape_cast %get3A_1300 : vector<16xf32> to vector<16xf32>
            %max3A_1302 = arith.maximumf %max3A_1298, %get3A_1301 : vector<16xf32>
            %get3A_1303 = arith.constant 240 : index
            %get3A_1304 = tpu.vector_load %arg13[%get3A_1303] {strides = array<i32>} : memref<256xf32, #tpu.memory_space<vmem>>, vector<16xf32>,
            %get3A_1305 = vector.shape_cast %get3A_1304 : vector<16xf32> to vector<16xf32>
            %max3A_1306 = arith.maximumf %max3A_1302, %get3A_1305 : vector<16xf32>
            %slice3A_1307 = vector.extract_strided_slice %max3A_1306 {offsets = [7], sizes = [1], strides = [1]} : vector<16xf32> to vector<1xf32>
            %squeeze3A_1308 = vector.extract %slice3A_1307[0] : f32 from vector<1xf32>
            %get3A_1309 = arith.constant 5 : i32
            %get3A_1310 = arith.index_cast %get3A_1309 : i32 to index
            %get3A_1311 = memref.load %arg16[%get3A_1310] : memref<8xf32, #tpu.memory_space<smem>>
            %gt3A_1312 = arith.cmpf ogt, %select_n3A_1229, %get3A_1311 : f32
            %slice3A_1313 = vector.extract_strided_slice %bitcast_convert_type3A_1242 {offsets = [2], sizes = [1], strides = [1]} : vector<16xf32> to vector<1xf32>
            %squeeze3A_1314 = vector.extract %slice3A_1313[0] : f32 from vector<1xf32>
            %slice3A_1315 = vector.extract_strided_slice %bitcast_convert_type3A_1242 {offsets = [3], sizes = [1], strides = [1]} : vector<16xf32> to vector<1xf32>
            %squeeze3A_1316 = vector.extract %slice3A_1315[0] : f32 from vector<1xf32>
            %slice3A_1317 = vector.extract_strided_slice %bitcast_convert_type3A_1242 {offsets = [4], sizes = [1], strides = [1]} : vector<16xf32> to vector<1xf32>
            %squeeze3A_1318 = vector.extract %slice3A_1317[0] : f32 from vector<1xf32>
            %slice3A_1319 = vector.extract_strided_slice %bitcast_convert_type3A_1242 {offsets = [5], sizes = [1], strides = [1]} : vector<16xf32> to vector<1xf32>
            %squeeze3A_1320 = vector.extract %slice3A_1319[0] : f32 from vector<1xf32>
            %sub3A_1321 = arith.subf %squeeze3A_1318, %squeeze3A_1314 : f32
            %ge3A_1322 = arith.constant 1.000000e+00 : f32
            %ge3A_1323 = arith.cmpf oge, %sub3A_1321, %ge3A_1322 : f32
            %sub3A_1324 = arith.subf %squeeze3A_1320, %squeeze3A_1316 : f32
            %ge3A_1325 = arith.constant 1.000000e+00 : f32
            %ge3A_1326 = arith.cmpf oge, %sub3A_1324, %ge3A_1325 : f32
            %and3A_1327 = arith.andi %ge3A_1323, %ge3A_1326 : i1
            %and3A_1328 = arith.andi %gt3A_1312, %and3A_1327 : i1
            %eq3A_1329 = arith.constant 0 : i32
            %eq3A_1330 = arith.cmpi eq, %select_n3A_28, %eq3A_1329 : i32
            %and3A_1331 = arith.andi %and3A_1328, %eq3A_1330 : i1
            %convert_element_type3A_1332 = arith.extui %and3A_1331 : i1 to i32
            %cond3A_1333 = arith.constant 0 : i32
            %cond3A_1334 = arith.cmpi ne, %convert_element_type3A_1332, %cond3A_1333 : i32
            scf.if %cond3A_1334 {
              %lt3A_1386 = arith.constant 4 : i32
              %lt3A_1387 = vector.broadcast %lt3A_1386 : i32 to vector<16xi32>
              %lt3A_1388 = arith.cmpi slt, %iota3A, %lt3A_1387 : vector<16xi32>
              %add3A_1389 = arith.constant 2 : i32
              %add3A_1390 = vector.broadcast %add3A_1389 : i32 to vector<16xi32>
              %add3A_1391 = arith.addi %iota3A, %add3A_1390 : vector<16xi32>
              %eq3A_1392 = arith.constant 4 : i32
              %eq3A_1393 = vector.broadcast %eq3A_1392 : i32 to vector<16xi32>
              %eq3A_1394 = arith.cmpi eq, %iota3A, %eq3A_1393 : vector<16xi32>
              %jit3A_1395 = arith.constant 0 : i32
              %jit3A_1396 = arith.constant 7 : i32
              %broadcast_in_dim3A_1397 = vector.broadcast %jit3A_1395 : i32 to vector<16xi32>
              %broadcast_in_dim3A_1398 = vector.broadcast %jit3A_1396 : i32 to vector<16xi32>
              %select_n3A_1399 = arith.select %eq3A_1394, %broadcast_in_dim3A_1397, %broadcast_in_dim3A_1398 : vector<16xi1>, vector<16xi32>
              %select_n3A_1400 = arith.select %lt3A_1388, %add3A_1391, %select_n3A_1399 : vector<16xi1>, vector<16xi32>
              %lt3A_1401 = arith.constant 0 : i32
              %lt3A_1402 = vector.broadcast %lt3A_1401 : i32 to vector<16xi32>
              %lt3A_1403 = arith.cmpi slt, %select_n3A_1400, %lt3A_1402 : vector<16xi32>
              %add3A_1404 = arith.constant 16 : i32
              %add3A_1405 = vector.broadcast %add3A_1404 : i32 to vector<16xi32>
              %add3A_1406 = arith.addi %select_n3A_1400, %add3A_1405 : vector<16xi32>
              %select_n3A_1407 = arith.select %lt3A_1403, %add3A_1406, %select_n3A_1400 : vector<16xi1>, vector<16xi32>
              %broadcast_in_dim3A_1408 = vector.shape_cast %select_n3A_1407 : vector<16xi32> to vector<16x1xi32>
              %gather3A_1409 = vector.shape_cast %broadcast_in_dim3A_1408 : vector<16x1xi32> to vector<16xi32>
              %gather3A_1410 = tpu.dynamic_gather %bitcast_convert_type3A_1242[%gather3A_1409] in [0] : vector<16xf32>, vector<16xi32> -> vector<16xf32>
              %get3A_1411 = arith.constant 0 : i32
              %get3A_1412 = arith.index_cast %get3A_1411 : i32 to index
              %get3A_1413 = memref.load %arg15[%get3A_1412] : memref<8xi32, #tpu.memory_space<smem>>
              %mul3A_1414 = arith.constant 16 : i32
              %mul3A_1415 = arith.muli %get3A_1413, %mul3A_1414 : i32
              %swap3A_1416 = arith.index_cast %mul3A_1415 : i32 to index
              %swap3A_1417 = tpu.vector_load %arg11[%swap3A_1416] {strides = array<i32>} : memref<128xf32, #tpu.memory_space<vmem>>, vector<16xf32>,
              %swap3A_1418 = vector.shape_cast %swap3A_1417 : vector<16xf32> to vector<16xf32>
              %swap3A_1419 = vector.shape_cast %gather3A_1410 : vector<16xf32> to vector<16xf32>
              tpu.vector_store %arg11[%swap3A_1416], %swap3A_1419 {strides = array<i32>} : memref<128xf32, #tpu.memory_space<vmem>>, vector<16xf32>,
            } else {
            }
            %get3A_1335 = arith.constant 0 : i32
            %get3A_1336 = arith.index_cast %get3A_1335 : i32 to index
            %get3A_1337 = memref.load %arg15[%get3A_1336] : memref<8xi32, #tpu.memory_space<smem>>
            %jit3A_1338 = arith.constant 1 : i32
            %jit3A_1339 = arith.constant 0 : i32
            %select_n3A_1340 = arith.select %and3A_1328, %jit3A_1338, %jit3A_1339 : i32
            %add3A_1341 = arith.addi %get3A_1337, %select_n3A_1340 : i32
            %swap3A_1342 = arith.constant 0 : i32
            %swap3A_1343 = arith.index_cast %swap3A_1342 : i32 to index
            %swap3A_1344 = memref.load %arg15[%swap3A_1343] : memref<8xi32, #tpu.memory_space<smem>>
            memref.store %add3A_1341, %arg15[%swap3A_1343] : memref<8xi32, #tpu.memory_space<smem>>
            %get3A_1345 = arith.constant 0 : i32
            %get3A_1346 = arith.index_cast %get3A_1345 : i32 to index
            %get3A_1347 = memref.load %arg15[%get3A_1346] : memref<8xi32, #tpu.memory_space<smem>>
            %lt3A_1348 = arith.constant 5 : i32
            %lt3A_1349 = arith.cmpi slt, %get3A_1347, %lt3A_1348 : i32
            %and3A_1350 = arith.andi %gt3A_1312, %lt3A_1349 : i1
            %jit3A_1351 = arith.constant 1 : i32
            %jit3A_1352 = arith.constant 0 : i32
            %select_n3A_1353 = arith.select %and3A_1350, %jit3A_1351, %jit3A_1352 : i32
            %swap3A_1354 = arith.constant 1 : i32
            %swap3A_1355 = arith.index_cast %swap3A_1354 : i32 to index
            %swap3A_1356 = memref.load %arg15[%swap3A_1355] : memref<8xi32, #tpu.memory_space<smem>>
            memref.store %select_n3A_1353, %arg15[%swap3A_1355] : memref<8xi32, #tpu.memory_space<smem>>
            %convert_element_type3A_1357 = arith.fptosi %select_n3A_1230 : f32 to i32
            %swap3A_1358 = arith.constant 2 : i32
            %swap3A_1359 = arith.index_cast %swap3A_1358 : i32 to index
            %swap3A_1360 = memref.load %arg15[%swap3A_1359] : memref<8xi32, #tpu.memory_space<smem>>
            memref.store %convert_element_type3A_1357, %arg15[%swap3A_1359] : memref<8xi32, #tpu.memory_space<smem>>
            %swap3A_1361 = arith.constant 0 : i32
            %swap3A_1362 = arith.index_cast %swap3A_1361 : i32 to index
            %swap3A_1363 = memref.load %arg16[%swap3A_1362] : memref<8xf32, #tpu.memory_space<smem>>
            memref.store %squeeze3A_1314, %arg16[%swap3A_1362] : memref<8xf32, #tpu.memory_space<smem>>
            %swap3A_1364 = arith.constant 1 : i32
            %swap3A_1365 = arith.index_cast %swap3A_1364 : i32 to index
            %swap3A_1366 = memref.load %arg16[%swap3A_1365] : memref<8xf32, #tpu.memory_space<smem>>
            memref.store %squeeze3A_1316, %arg16[%swap3A_1365] : memref<8xf32, #tpu.memory_space<smem>>
            %swap3A_1367 = arith.constant 2 : i32
            %swap3A_1368 = arith.index_cast %swap3A_1367 : i32 to index
            %swap3A_1369 = memref.load %arg16[%swap3A_1368] : memref<8xf32, #tpu.memory_space<smem>>
            memref.store %squeeze3A_1318, %arg16[%swap3A_1368] : memref<8xf32, #tpu.memory_space<smem>>
            %swap3A_1370 = arith.constant 3 : i32
            %swap3A_1371 = arith.index_cast %swap3A_1370 : i32 to index
            %swap3A_1372 = memref.load %arg16[%swap3A_1371] : memref<8xf32, #tpu.memory_space<smem>>
            memref.store %squeeze3A_1320, %arg16[%swap3A_1371] : memref<8xf32, #tpu.memory_space<smem>>
            %slice3A_1373 = vector.extract_strided_slice %bitcast_convert_type3A_1242 {offsets = [6], sizes = [1], strides = [1]} : vector<16xf32> to vector<1xf32>
            %squeeze3A_1374 = vector.extract %slice3A_1373[0] : f32 from vector<1xf32>
            %swap3A_1375 = arith.constant 4 : i32
            %swap3A_1376 = arith.index_cast %swap3A_1375 : i32 to index
            %swap3A_1377 = memref.load %arg16[%swap3A_1376] : memref<8xf32, #tpu.memory_space<smem>>
            memref.store %squeeze3A_1374, %arg16[%swap3A_1376] : memref<8xf32, #tpu.memory_space<smem>>
            %gt3A_1378 = arith.constant 5.000000e-01 : f32
            %gt3A_1379 = arith.cmpf ogt, %squeeze3A_1308, %gt3A_1378 : f32
            %jit3A_1380 = arith.constant 1 : i32
            %jit3A_1381 = arith.constant 0 : i32
            %select_n3A_1382 = arith.select %gt3A_1379, %jit3A_1380, %jit3A_1381 : i32
            %swap3A_1383 = arith.constant 3 : i32
            %swap3A_1384 = arith.index_cast %swap3A_1383 : i32 to index
            %swap3A_1385 = memref.load %arg15[%swap3A_1384] : memref<8xi32, #tpu.memory_space<smem>>
            memref.store %select_n3A_1382, %arg15[%swap3A_1384] : memref<8xi32, #tpu.memory_space<smem>>
          } else {
          }
          %scan3A_724 = arith.constant 0 : i32
          scf.yield %scan3A_724 : i32
        }
        %scan3A_713 = arith.constant 64 : i32
      } else {
      }
      %scan3A_706 = arith.constant 0 : i32
      scf.yield %scan3A_706 : i32
    }
    %scan3A_690 = arith.constant 80 : i32
    %eq3A_691 = arith.constant 0 : i32
    %eq3A_692 = arith.cmpi eq, %select_n3A_28, %eq3A_691 : i32
    %convert_element_type3A_693 = arith.extui %eq3A_692 : i1 to i32
    %cond3A_694 = arith.constant 0 : i32
    %cond3A_695 = arith.cmpi ne, %convert_element_type3A_693, %cond3A_694 : i32
    scf.if %cond3A_695 {
      "tpu.region"() ({
        %run_scoped3A_696 = tpu.sem_alloc : memref<!tpu.dma_semaphore, #tpu.memory_space<semaphore_mem>>
        %dma_start3A = arith.constant 0 : i32
        %dma_start3A_697 = tpu.memref_slice %arg4[%add3A_30, %dma_start3A] : memref<4x128xf32, #tpu.memory_space<hbm>> -> memref<1x128xf32, #tpu.memory_space<hbm>>
        %dma_start3A_698 = tpu.memref_squeeze %dma_start3A_697 : memref<1x128xf32, #tpu.memory_space<hbm>> -> memref<128xf32, #tpu.memory_space<hbm>>
        %dma_start3A_699 = arith.constant 0 : i32
        %dma_start3A_700 = tpu.memref_slice %arg4[%add3A_30, %dma_start3A_699] : memref<4x128xf32, #tpu.memory_space<hbm>> -> memref<1x128xf32, #tpu.memory_space<hbm>>
        %dma_start3A_701 = tpu.memref_squeeze %dma_start3A_700 : memref<1x128xf32, #tpu.memory_space<hbm>> -> memref<128xf32, #tpu.memory_space<hbm>>
        tpu.enqueue_dma source(%arg11 : memref<128xf32, #tpu.memory_space<vmem>>) target(%dma_start3A_701 : memref<128xf32, #tpu.memory_space<hbm>>) target_semaphore(%run_scoped3A_696 : memref<!tpu.dma_semaphore, #tpu.memory_space<semaphore_mem>>)
        %dma_wait3A = arith.constant 0 : i32
        %dma_wait3A_702 = tpu.memref_slice %arg4[%add3A_30, %dma_wait3A] : memref<4x128xf32, #tpu.memory_space<hbm>> -> memref<1x128xf32, #tpu.memory_space<hbm>>
        %dma_wait3A_703 = tpu.memref_squeeze %dma_wait3A_702 : memref<1x128xf32, #tpu.memory_space<hbm>> -> memref<128xf32, #tpu.memory_space<hbm>>
        %dma_wait3A_704 = arith.constant 0 : i32
        %dma_wait3A_705 = tpu.memref_slice %arg4[%add3A_30, %dma_wait3A_704] : memref<4x128xf32, #tpu.memory_space<hbm>> -> memref<1x128xf32, #tpu.memory_space<hbm>>
        %dma_wait3A_706 = tpu.memref_squeeze %dma_wait3A_705 : memref<1x128xf32, #tpu.memory_space<hbm>> -> memref<128xf32, #tpu.memory_space<hbm>>
        tpu.wait_dma2 semaphore(%run_scoped3A_696 : memref<!tpu.dma_semaphore, #tpu.memory_space<semaphore_mem>>) src(%arg11 : memref<128xf32, #tpu.memory_space<vmem>>) dst(%dma_wait3A_706 : memref<128xf32, #tpu.memory_space<hbm>>)
        tpu.yield
      }) : () -> ()
    } else {
    }
    return
  }
}

</mosaic_0001>

<sc_bundles>
// kernel: _nms_call.3.cloned.1.call-start
scs
__scs_entry_jumppad:
0x0: {  	(pc) =	sbr.rel $0x88, $3  }
0x1: {  	(tag) =	ssettag $0x0;
	lr =	simm.s32 $0x1  }
0x2: {  	[smem:$0x3F9F] =	sst lr;
	_ =	strace $0xD0000000  }
0x3: {  	_ = 	snop  }
0x4: {  	_ = 	snop  }
0x5: {  	_ = 	snop  }
0x6: {  	_ = 	snop  }
0x7: {  	_ = 	snop  }
__scs_overlays_trampoline_lowered:
0x8: {  	[smem:$0x3FAE] =	sst s0  }
0x9: {  	[smem:$0x3FAF] =	sst s1  }
0xa: {  	[smem:$0x3FB0] =	sst s2  }
0xb: {  	[smem:$0x3FB1] =	sst s3  }
0xc: {  	[smem:$0x3FB2] =	sst s4  }
0xd: {  	[smem:$0x3FB3] =	sst s5  }
0xe: {  	[smem:$0x3FB4] =	sst s6  }
0xf: {  	[smem:$0x3FB5] =	sst s7  }
0x10: {  	[smem:$0x3FB6] =	sst s8  }
0x11: {  	[smem:$0x3FB7] =	sst s9;
	s0 =	simm.s32 @!p0 $0x0  }
0x12: {  	s1 =	sld [smem:$0x3F9D];
	s0 =	simm.s32 @p0 $0x1  }
0x13: {  	[smem:$0x3FB8] =	sst s0;
	s0 =	simm.s32 @!p1 $0x0  }
0x14: {  	s2 =	sld [smem:$0x3F9C];
	s0 =	simm.s32 @p1 $0x1  }
0x15: {  	[smem:$0x3FB9] =	sst s0;
	s0 =	simm.s32 @!p2 $0x0  }
0x16: {  	s3 =	sld [smem:$0x3FDB];
	s0 =	simm.s32 @p2 $0x1  }
0x17: {  	s4 =	simm.s32 $0x1BF5;
	[smem:$0x3FBB] =	sst s0  }
0x18: {  	s0 =	sld [smem:$0x3F9E];
	_ =	swait.ge [sflag:s4], $0x0  }
0x19: {  	s7 =	sld [smem:$0x3F9F]  }
0x1a: {  	s8 =	sadd.s32 $0xFFFFE003, lr  }
0x1b: {  	s9 =	sadd.s32 $0xFFFFFEF7, lr;
	s5 =	simm.s32 $0xFFFFFFFF;
	p2 =	slt.u32 s8, $0xFFFFF086  }
0x1c: {  	p1 =	slt.u32 s9, $0xF7A;
	s5 =	simm.s32 @!p2 $0x0  }
0x1d: {  	s5 =	simm.s32 @p1 $0x1;
	p0 =	seq.s32 s7, s2  }
0x1e: {  	s7 =	smul.u32 @!p0 $0xF7A, s2;
	p2 =	seq.s32 @!p0 s5, $0x0  }
0x1f: {  	s9 =	smul.u32 $0xF7A, s1;
	s8 =	simm.s32 @!p0 $0x1BF5;
	p2 =	por !p2, p0  }
0x20: {  	[sflag:s8] =	ssyncset.s32 @!p0 $0xFFFFF086;
	s6 =	sadd.s32 @!p0 s3, s7;
	s7 =	simm.s32 @!p0 $0x108  }
0x21: {  	s3 =	sadd.s32 s3, s9;
	s6 =	sadd.s32 @!p0 $0x88, s6;
	s7 =	simm.s32 @p2 $0x1082  }
0x22: {  	[simem:s7], [sflag:s8] =	dma.local @!p0 [hbm:s6], $0xF7A  }
0x23: {  	s9 =	sor.u32 $0xD0000000, s2;
	s6 =	simm.s32 $0x108;
	_ =	swait.ge @!p0 [sflag:s8], $0x0  }
0x24: {  	s3 =	sadd.s32 $0x88, s3;
	s6 =	simm.s32 @!p1 $0x1082;
	[sflag:s4] =	ssyncset.s32 $0xFFFFF086  }
0x25: {  	[simem:s6], [sflag:s4] =	dma.local [hbm:s3], $0xF7A  }
0x26: {  	[smem:$0x3F9F] =	sst s1;
	(tag) =	ssettag s2;
	_ =	strace s9  }
0x27: {  	s1 =	sld [smem:$0x3FAF]  }
0x28: {  	s2 =	sld [smem:$0x3FB0]  }
0x29: {  	s4 =	sld [smem:$0x3FB2]  }
0x2a: {  	p0 =	seq.s32 s5, $0x0;
	s5 =	sld [smem:$0x3FB3]  }
0x2b: {  	s6 =	sld [smem:$0x3FB4]  }
0x2c: {  	s7 =	sld [smem:$0x3FB5]  }
0x2d: {  	s3 =	simm.s32 $0x108;
	s8 =	sld [smem:$0x3FB6]  }
0x2e: {  	s3 =	simm.s32 @!p0 $0x1082;
	s9 =	sld [smem:$0x3FB7]  }
0x2f: {  	lr =	sadd.s32 s0, s3;
	s0 =	sld [smem:$0x3FAE]  }
0x30: {  	s3 =	sld [smem:$0x3FB1]  }
0x31: {  	[smem:$0x3FBA] =	sst s10  }
0x32: {  	s10 =	sld [smem:$0x3FB8];
	_ =	sdelay $0x3  }
0x33: {  	p0 =	seq.s32 s10, $0x1;
	s10 =	sld [smem:$0x3FBA];
	_ =	sdelay $0x3  }
0x34: {  	[smem:$0x3FBA] =	sst s10  }
0x35: {  	s10 =	sld [smem:$0x3FB9];
	_ =	sdelay $0x3  }
0x36: {  	p1 =	seq.s32 s10, $0x1;
	s10 =	sld [smem:$0x3FBA];
	_ =	sdelay $0x3  }
0x37: {  	[smem:$0x3FBA] =	sst s10  }
0x38: {  	s10 =	sld [smem:$0x3FBB]  }
0x39: {  	_ = 	snop;
	(pc) =	sbr.ind lr, $3  }
0x3a: {  	_ = 	snop  }
0x3b: {  	_ = 	snop  }
0x3c: {  	p2 =	seq.s32 s10, $0x1;
	s10 =	sld [smem:$0x3FBA]  }
0x3d: {  	_ =	shalt  }
0x3e: {  	_ =	shalt  }
0x3f: {  	_ =	shalt  }
0x40: {  	_ =	shalt  }
0x41: {  	_ =	shalt  }
0x42: {  	_ =	shalt  }
0x43: {  	_ =	shalt  }
0x44: {  	_ =	shalt  }
0x45: {  	_ =	shalt  }
0x46: {  	_ =	shalt  }
0x47: {  	_ =	shalt  }
0x48: {  	_ =	shalt  }
0x49: {  	_ =	shalt  }
0x4a: {  	_ =	shalt  }
0x4b: {  	_ =	shalt  }
0x4c: {  	_ =	shalt  }
0x4d: {  	_ =	shalt  }
0x4e: {  	_ =	shalt  }
0x4f: {  	_ =	shalt  }
0x50: {  	_ =	shalt  }
0x51: {  	_ =	shalt  }
0x52: {  	_ =	shalt  }
0x53: {  	_ =	shalt  }
0x54: {  	_ =	shalt  }
0x55: {  	_ =	shalt  }
0x56: {  	_ =	shalt  }
0x57: {  	_ =	shalt  }
0x58: {  	_ =	shalt  }
0x59: {  	_ =	shalt  }
0x5a: {  	_ =	shalt  }
0x5b: {  	_ =	shalt  }
0x5c: {  	_ =	shalt  }
0x5d: {  	_ =	shalt  }
0x5e: {  	_ =	shalt  }
0x5f: {  	_ =	shalt  }
0x60: {  	_ =	shalt  }
0x61: {  	_ =	shalt  }
0x62: {  	_ =	shalt  }
0x63: {  	_ =	shalt  }
0x64: {  	_ =	shalt  }
0x65: {  	_ =	shalt  }
0x66: {  	_ =	shalt  }
0x67: {  	_ =	shalt  }
0x68: {  	_ =	shalt  }
0x69: {  	_ =	shalt  }
0x6a: {  	_ =	shalt  }
0x6b: {  	_ =	shalt  }
0x6c: {  	_ =	shalt  }
0x6d: {  	_ =	shalt  }
0x6e: {  	_ =	shalt  }
0x6f: {  	_ =	shalt  }
0x70: {  	_ =	shalt  }
0x71: {  	_ =	shalt  }
0x72: {  	_ =	shalt  }
0x73: {  	_ =	shalt  }
0x74: {  	_ =	shalt  }
0x75: {  	_ =	shalt  }
0x76: {  	_ =	shalt  }
0x77: {  	_ =	shalt  }
0x78: {  	_ =	shalt  }
0x79: {  	_ =	shalt  }
0x7a: {  	_ =	shalt  }
0x7b: {  	_ =	shalt  }
0x7c: {  	_ =	shalt  }
0x7d: {  	_ =	shalt  }
0x7e: {  	_ =	shalt  }
0x7f: {  	_ =	shalt  }
0x80: {  	_ =	shalt  }
0x81: {  	_ =	shalt  }
0x82: {  	_ =	shalt  }
0x83: {  	_ =	shalt  }
0x84: {  	_ =	shalt  }
0x85: {  	_ =	shalt  }
0x86: {  	_ =	shalt  }
0x87: {  	_ =	shalt  }
.Lfunc_end0:
.L_simem_size_0:
called_computation_lowered:
.L_overlay_start_0:
0x88: {  	s2 =	sld [smem:$0x3FD9]  }
0x89: {  	s3 =	sld [smem:$0x3FFE];
	_ =	sdelay $0x1  }
0x8a: {  	s1 =	srdreg.scid  }
0x8b: {  	s0 =	sand.u32 $0x1, s1  }
0x8c: {  	s18 =	sshll.u32 s0, $0xA;
	s2 =	sadd.s32 s3, s2  }
0x8d: {  	s2 =	sadd.s32 s2, s18  }
0x8e: {  	[smem:$0x3FC6] =	sst s2  }
0x8f: {  	_ = 	snop  }
0x90: {  	s2 =	sld [smem:$0x3FC9]  }
0x91: {  	s19 =	sld [smem:$0x3FC8]  }
0x92: {  	s4 =	sld [smem:$0x3FD0];
	(tm) =	ssettm $0x1  }
0x93: {  	s5 =	sld [smem:$0x3FFB];
	_ =	sdelay $0x3  }
0x94: {  	_ =	strace s5  }
0x95: {  	s5 =	sld [smem:$0x3FFC];
	_ =	sdelay $0x3  }
0x96: {  	_ =	strace s5  }
0x97: {  	s5 =	sld [smem:$0x3FFD];
	_ =	sdelay $0x3  }
0x98: {  	_ =	strace s5  }
0x99: {  	_ =	strace $0x8FFFFFFF  }
0x9a: {  	s20 =	sld [smem:$0x3FDB];
	_ =	sdelay $0x1  }
0x9b: {  	s6 =	simm.s32 $_scs_section_size  }
0x9c: {  	s7 =	simm.s32 $_size__tile_overlayer_lowered;
	s8 =	simm.s32 $_tile_overlayer_lowered  }
0x9d: {  	s23 =	simm.s32 $0x1BFF;
	s22 =	sshll.u32 s8, $0x1;
	s5 =	sadd.s32 s6, s20  }
0x9e: {  	s9 =	simm.s32 $0x0;
	s21 =	sshll.u32 s7, $0x1;
	s7 =	sadd.s32 s22, s5  }
0x9f: {  	[timem:s9], [sflag:s23] =	dma.local [hbm:s7], s21  }
0xa0: {  	_ =	swait.ge [sflag:s23], s21  }
0xa1: {  	s6 =	ssub.s32 $0x0, s21;
	[sflag:s23] =	ssyncset.done $0x0  }
0xa2: {  	[sflag:s23] =	ssyncadd.s32 s6;
	_ =	sdelay $0x1  }
0xa3: {  	s24 =	simm.s32 $0x1B8B  }
0xa4: {  	_ =	swait.ge [sflag:s24], $0x1  }
0xa5: {  	[sflag:s24] =	ssyncset.done $0x0  }
0xa6: {  	s25 =	simm.s32 $0x1B8E;
	[sflag:s24] =	ssyncadd.s32 $0xFFFFFFFF  }
0xa7: {  	s26 =	simm.s32 $execute0_lowered;
	[smem:$0x3FD2] =	sst s25  }
0xa8: {  	s6 =	sshll.u32 s26, $0x1;
	_ =	strace $0x80000046;
	[dreg:$0x1] =	wrdreg $0xFFFFFFFF  }
0xa9: {  	s28 =	simm.s32 $_size_execute0_lowered;
	s5 =	sadd.s32 s5, s6;
	[dreg:$0x0] =	wrdreg $0x0  }
0xaa: {  	s6 =	sshll.u32 s28, $0x1;
	[dreg:$0x2] =	wrdreg s5  }
0xab: {  	[dreg:$0x3] =	wrdreg s6  }
0xac: {  	[dreg:$0x4] =	wrdreg $0xC0  }
0xad: {  	_ =	task [dreg:s9], $0x5FFFF  }
0xae: {  	[dreg:$0x1] =	wrdreg $0xFFFFFFFF  }
0xaf: {  	[dreg:$0x0] =	wrdreg $0x60  }
0xb0: {  	[dreg:$0x2] =	wrdreg s2  }
0xb1: {  	[dreg:$0x3] =	wrdreg s19  }
0xb2: {  	[dreg:$0x4] =	wrdreg s4  }
0xb3: {  	[dreg:$0x5] =	wrdreg $0x13800  }
0xb4: {  	[dreg:$0x6] =	wrdreg $0x9  }
0xb5: {  	_ =	task.clear_ibuf [dreg:s9], $0x7FFFF;
	_ =	strace $0x90000046  }
0xb6: {  	s29 =	simm.s32 $0x9;
	_ =	strace $0x80000048  }
0xb7: {  	_ =	swait.ge [sflag:s29], $0x1  }
0xb8: {  	[sflag:s29] =	ssyncadd.s32 $0xFFFFFFFF  }
0xb9: {  	_ =	strace $0x90000048  }
0xba: {  	_ =	sfence  }
0xbb: {  	s30 =	sld [smem:$0x0];
	_ =	sdelay $0x2  }
0xbc: {  	s31 =	sshll.u32 s1, $0xD;
	s1 =	sshrl.u32 s1, $0x2  }
0xbd: {  	s3 =	sand.u32 $0x4000, s31;
	s1 =	sadd.s32 s1, s30  }
0xbe: {  	s0 =	sor.u32 s3, s0;
	s1 =	sshll.u32 s1, $0x11  }
0xbf: {  	s0 =	sor.u32 s1, s0  }
0xc0: {  	s0 =	sadd.s32 $0x8F2B, s0  }
0xc1: {  	[sflag:s0] =	ssyncadd.remote.s32 $0x1  }
0xc2: {  	_ =	sfence.sel $0xFFFF  }
0xc3: {  	[dreg:$0x0] =	wrdreg $0xFFFFFFFF;
	(pc) =	sbr.abs _section_cstart, $3  }
0xc4: {  	[dreg:$0x1] =	wrdreg $0xFFFFFFFF  }
0xc5: {  	_ =	task.clear_ibuf [dreg:s9], $0x2FFFF;
	_ =	strace $0x9FFFFFFF  }
0xc6: {  	(tm) =	ssettm $0x7FFFFFFF  }
0xc7: {  	_ =	shalt  }
tec
execute0_lowered:
.L_overlay_start_1:
0x0: {  	(tag) =	ssettag $0x1  }
0x1: {  	s3 =	rddreg [dreg:$0x0]  }
0x2: {  	s4 =	rddreg [dreg:$0x1]  }
0x3: {  	s0 =	srdreg.scid;
	s13 =	rddreg [dreg:$0x2]  }
0x4: {  	v0 =	vimm.s32 $0xFEDCBA98;
	s7 =	stileid.u32;
	v1 =	vimm.s32 $0x76543210;
	s1 =	rddreg [dreg:$0x3];
	s17 =	simm.s32 $0x1  }
0x5: {  	v2 =	vimm.s32 $0xBA98FEDC;
	v3 =	vimm.s32 $0x32107654;
	s23 =	simm.s32 $0x1200;
	s24 =	simm.s32 $0x1280;
	s25 =	simm.s32 $0x0  }
0x6: {  	v4 =	vimm.s32 $0xDCFE98BA;
	v5 =	vimm.s32 $0x54761032;
	v6 =	vimm.s32 $0xEFCDAB89;
	s0 =	sand.u32 $0x1, s0;
	s12 =	sshrl.u32 s7, $0x3;
	s15 =	sand.u32 $0x7, s7  }
0x7: {  	v7 =	vimm.s32 $0x67452301;
	vm0 =	vcmask $0x1F1C;
	s9 =	sshll.u32 s7, $0x4;
	s2 =	sshll.u32 s0, $0x1;
	s8 =	smul.u32 $0xA00, s15  }
0x8: {  	vm1 =	vcmask $0x1B18;
	vm2 =	vcmask $0x3F18;
	vm3 =	vcmask $0x3F14;
	s0 =	ssub.s32 $0x2, s0;
	s11 =	sadd.s32 s9, s1;
	p5 =	sne.s32 s15, $0x0  }
0x9: {  	vm4 =	vcmask $0x3F10;
	vm5 =	vcmask $0x3F0C;
	vm6 =	vmmov $0x1;
	s14 =	sor.u32 s12, s2;
	s2 =	simm.s32 $0x0;
	s6 =	sshrl.u32 s0, $0x1  }
0xa: {  	v0 =	vunpack.c.l.s4.s8 v0;
	v1 =	vunpack.c.l.s4.s8 v1;
	v2 =	vunpack.c.l.s4.s8 v2;
	s12 =	sshll.u32 s12, $0x7;
	s5 =	smul.u32 $0x5000, s14;
	[smem:$0x7FF] =	sst s2  }
0xb: {  	v3 =	vunpack.c.l.s4.s8 v3;
	v4 =	vunpack.c.l.s4.s8 v4;
	v5 =	vunpack.c.l.s4.s8 v5;
	s16 =	ssub.s32 s0, s6;
	s0 =	smul.u32 $0x280, s15;
	s28 =	sshll.u32 s14, $0x7  }
0xc: {  	v6 =	vunpack.c.l.s4.s8 v6;
	v7 =	vunpack.c.l.s4.s8 v7;
	v0 =	vunpack.c.0.s8.s32 v0;
	s31 =	sshll.u32 s14, $0x4;
	s15 =	simm.s32 $0x80;
	s5 =	sadd.s32 s8, s5  }
0xd: {  	v2 =	vunpack.c.0.s8.s32 v2;
	v3 =	vunpack.c.0.s8.s32 v3;
	v4 =	vunpack.c.0.s8.s32 v4;
	_ =	strace $0x80000047;
	s13 =	sadd.s32 s13, s31;
	s5 =	sshrl.u32 s5, $0x3  }
.Ltmp0:
0xe: {  	v5 =	vunpack.c.0.s8.s32 v5;
	v6 =	vunpack.c.0.s8.s32 v6;
	v7 =	vunpack.c.0.s8.s32 v7;
	s5 =	sadd.s32 s3, s5;
	s3 =	sor.u32 s8, s28;
	(pc) =	sbr.rel .LBB2_1-.Ltmp0, $4  }
0xf: {  	v1 =	vunpack.c.0.s8.s32 v1;
	v0 =	vand.u32 $0xF, v0;
	v2 =	vcombine.low v3, v2;
	s29 =	sadd.s32 $0x10, s5;
	s30 =	sadd.s32 $0x20, s5;
	s3 =	sshrl.u32 s3, $0x3  }
0x10: {  	v3 =	vcombine.low v5, v4;
	v4 =	vcombine.low v7, v6;
	v5 =	vimm.f32 $0.0e+00;
	[dreg:$0x5] =	wrdreg s29;
	s10 =	sadd.s32 s4, s3;
	s3 =	simm.s32 @!p5 $0x0  }
0x11: {  	s14 =	smax.u32 s16, $0x1;
	v0 =	vcombine.low v0, v1;
	v1 =	vlaneseq.u32;
	v5 =	vsel vm0, $0x3F800000, v5;
	[dreg:$0x6] =	wrdreg s30;
	s3 =	simm.s32 @p5 $0x1  }
0x12: {  	s16 =	simm.s32 $0x200;
	v2 =	vand.u32 $0xF, v2;
	v3 =	vand.u32 $0xF, v3;
	v4 =	vand.u32 $0xF, v4;
	s8 =	sadd.s32 $0x30, s5;
	[smem:$0x7FD] =	sst s3  }
.LBB2_14:
0x13: {  	s3 =	simm.s32 @!p5 $0x0;
	s4 =	simm.s32 @!p5 $0x1180;
	s25 =	sadd.s32 $0x1, s25  }
0x14: {  	[hbm4b:s13+s3] =	stream.linear.scatter @!p5 [tilespmem:s4], [sflag:$0x1], $0x80, $0x38;
	[tilespmem:$0x13A0] =	vst v63  }
0x15: {  	p0 =	sne.s32 s25, s14  }
.Ltmp1:
0x16: {  	_ = 	snop;
	(pc) =	sbr.rel @!p0 .LBB2_15-.Ltmp1, $4  }
0x17: {  	s3 =	simm.s32 @!p5 $0x1  }
0x18: {  	_ =	swait.ge @!p5 [sflag:s3], $0x80  }
0x19: {  	[sflag:s3] =	ssyncset.done @!p5 $0x0  }
0x1a: {  	[sflag:s3] =	ssyncadd.s32 @!p5 $0xFFFFFF80  }
.LBB2_1:
0x1b: {  	[tilespmem:s2], [sflag:$0x1] =	stream.strided.gather [hbm4b:s5+s15], $0x280, s16, s15, $0x38;
	[tilespmem:$0x13A0] =	vst v63  }
0x1c: {  	_ =	swait.ge [sflag:s17], $0x280  }
0x1d: {  	[sflag:s17] =	ssyncset.done $0x0  }
0x1e: {  	s4 =	simm.s32 $0x300;
	s3 =	rddreg [dreg:$0x5];
	[sflag:s17] =	ssyncadd.s32 $0xFFFFFD80  }
0x1f: {  	[tilespmem:s4], [sflag:$0x1] =	stream.strided.gather [hbm4b:s3+s15], $0x280, s16, s15, $0x38;
	[tilespmem:$0x13A0] =	vst v63  }
0x20: {  	_ =	swait.ge [sflag:s17], $0x280  }
0x21: {  	[sflag:s17] =	ssyncset.done $0x0  }
0x22: {  	s28 =	simm.s32 $0x600;
	s26 =	rddreg [dreg:$0x6];
	[sflag:s17] =	ssyncadd.s32 $0xFFFFFD80  }
0x23: {  	[tilespmem:s28], [sflag:$0x1] =	stream.strided.gather [hbm4b:s26+s15], $0x280, s16, s15, $0x38;
	[tilespmem:$0x13A0] =	vst v63  }
0x24: {  	_ =	swait.ge [sflag:s17], $0x280  }
0x25: {  	[sflag:s17] =	ssyncset.done $0x0  }
0x26: {  	s29 =	simm.s32 $0x900;
	[sflag:s17] =	ssyncadd.s32 $0xFFFFFD80  }
0x27: {  	[tilespmem:s29], [sflag:$0x1] =	stream.strided.gather [hbm4b:s8+s15], $0x280, s16, s15, $0x38;
	[tilespmem:$0x13A0] =	vst v63  }
0x28: {  	_ =	swait.ge [sflag:s17], $0x280  }
0x29: {  	[sflag:s17] =	ssyncset.done $0x0  }
0x2a: {  	s30 =	simm.s32 $0xC00;
	[sflag:s17] =	ssyncadd.s32 $0xFFFFFD80  }
0x2b: {  	[tilespmem:s30], [sflag:$0x1] =	stream.strided.gather [hbm4b:s10+s15], $0x280, s16, s15, $0x38;
	[tilespmem:$0x13A0] =	vst v63  }
0x2c: {  	_ =	swait.ge [sflag:s17], $0x280  }
0x2d: {  	[sflag:s17] =	ssyncset.done $0x0  }
0x2e: {  	v6 =	vimm.f32 @!p5 $0.0e+00;
	[sflag:s17] =	ssyncadd.s32 $0xFFFFFD80  }
0x2f: {  	[tilespmem:$0x1180] =	vst @!p5 v6  }
0x30: {  	[tilespmem:$0x1190] =	vst @!p5 v6  }
0x31: {  	[tilespmem:$0x11A0] =	vst @!p5 v6  }
0x32: {  	[tilespmem:$0x11B0] =	vst @!p5 v6  }
0x33: {  	[tilespmem:$0x11C0] =	vst @!p5 v6  }
0x34: {  	[tilespmem:$0x11D0] =	vst @!p5 v6  }
0x35: {  	[tilespmem:$0x11E0] =	vst @!p5 v6  }
0x36: {  	s3 =	simm.s32 $0x0;
	[tilespmem:$0x11F0] =	vst @!p5 v6  }
0x37: {  	v9 =	vld [tilespmem:s3+$0xC00]  }
0x38: {  	v8 =	vld [tilespmem:s3+$0x600]  }
0x39: {  	v10 =	vld [tilespmem:s3+$0x0]  }
0x3a: {  	v11 =	vld [tilespmem:s3+$0x900]  }
0x3b: {  	v15 =	vld [tilespmem:s3+$0x300]  }
0x3c: {  	v13 =	vimm.f32 $-1.000000020e+30;
	v14 =	vimm.s32 $0x40000000;
	s26 =	simm.s32 $0x10;
	v6 =	vor.u32 s0, v1  }
0x3d: {  	[smem:$0x0] =	sst s2;
	vm8 =	vlt.s32 v6, v14;
	v12 =	vld [tilespmem:s26+$0xC00];
	vm7 =	veq.f32 v9, v13  }
0x3e: {  	s31 =	simm.s32 $0xFFFFFFFF;
	[smem:$0x1] =	sst s17;
	v7 =	vld [tilespmem:s26+$0x600];
	vm9 =	vgt.f32 v9, v13;
	vm7 =	vmand vm8, vm7  }
0x3f: {  	[smem:$0x2] =	sst s31;
	v8 =	vsub.f32 v8, v10;
	v10 =	vld [tilespmem:s26+$0x0];
	vm7 =	vmor vm9, vm7  }
0x40: {  	s18 =	sadd.s32 $0x10, s0;
	s4 =	simm.s32 $0x80;
	[smem:$0x4] =	sst s2;
	v11 =	vsub.f32 v11, v15;
	v13 =	vsel vm7, v9, v13;
	v14 =	vsel vm7, v6, v14;
	v9 =	vld [tilespmem:s26+$0x900]  }
.LBB2_2:
0x41: {  	p1 =	sne.s32 s4, $0x9C0;
	v15 =	vor.u32 s18, v1;
	v16 =	vld [tilespmem:s26+$0x300];
	s28 =	smov.u32 s4;
	s4 =	sadd.s32 $0x40, s4  }
.Ltmp2:
0x42: {  	s28 =	sshra.s32 s28, $0x2;
	vm7 =	veq.f32 v12, v13;
	vm8 =	vlt.s32 v15, v14;
	v11 =	vmul.f32 v11, v8;
	v17 =	vmovc v12;
	(pc) =	sbr.rel @p1 .LBB2_2-.Ltmp2, $4  }
0x43: {  	v12 =	vld [tilespmem:s28+$0xC00];
	vm9 =	vgt.f32 v17, v13;
	vm7 =	vmand vm8, vm7  }
0x44: {  	v8 =	vsub.f32 v7, v10;
	v7 =	vld [tilespmem:s28+$0x600];
	vm7 =	vmor vm9, vm7;
	[tilespmem:s3+$0xE80] =	vst v11;
	s3 =	smov.u32 s26;
	s26 =	smov.u32 s28  }
0x45: {  	v10 =	vld [tilespmem:s26+$0x0];
	v13 =	vsel vm7, v17, v13;
	v14 =	vsel vm7, v15, v14  }
0x46: {  	s18 =	sadd.s32 $0x10, s18;
	v11 =	vsub.f32 v9, v16;
	v9 =	vld [tilespmem:s26+$0x900]  }
0x47: {  	v15 =	vor.u32 s18, v1  }
0x48: {  	vm7 =	veq.f32 v12, v13;
	vm8 =	vlt.s32 v15, v14  }
0x49: {  	vm9 =	vgt.f32 v12, v13;
	vm7 =	vmand vm8, vm7  }
0x4a: {  	vm7 =	vmor vm9, vm7  }
0x4b: {  	v36 =	vsel vm7, v12, v13;
	v37 =	vsel vm7, v15, v14  }
0x4c: {  	v38 =	vperm.xlane v36, v0;
	v15 =	vperm.xlane v37, v0;
	_ =	sdelay $0x1  }
0x4d: {  	vm7 =	veq.f32 v38, v36;
	vm8 =	vlt.s32 v15, v37  }
0x4e: {  	vm12 =	vgt.f32 v38, v36;
	vm7 =	vmand vm7, vm8  }
0x4f: {  	vm7 =	vmor vm12, vm7  }
0x50: {  	v12 =	vsel vm7, v38, v36;
	v13 =	vsel vm7, v15, v37  }
0x51: {  	v14 =	vperm.xlane v12, v2;
	v15 =	vperm.xlane v13, v2;
	_ =	sdelay $0x1  }
0x52: {  	vm7 =	veq.f32 v14, v12;
	vm8 =	vlt.s32 v15, v13  }
0x53: {  	vm13 =	vgt.f32 v14, v12;
	vm7 =	vmand vm7, vm8  }
0x54: {  	vm7 =	vmor vm13, vm7  }
0x55: {  	v12 =	vsel vm7, v14, v12;
	v13 =	vsel vm7, v15, v13  }
0x56: {  	v14 =	vperm.xlane v12, v3;
	v15 =	vperm.xlane v13, v3;
	_ =	sdelay $0x1  }
0x57: {  	vm7 =	veq.f32 v14, v12;
	vm8 =	vlt.s32 v15, v13  }
0x58: {  	vm14 =	vgt.f32 v14, v12;
	vm7 =	vmand vm7, vm8  }
0x59: {  	vm7 =	vmor vm14, vm7  }
0x5a: {  	v12 =	vsel vm7, v14, v12;
	v13 =	vsel vm7, v15, v13  }
0x5b: {  	v14 =	vperm.xlane v12, v4;
	v15 =	vperm.xlane v13, v4;
	_ =	sdelay $0x1  }
0x5c: {  	vm7 =	veq.f32 v14, v12;
	vm8 =	vlt.s32 v15, v13  }
0x5d: {  	vm15 =	vgt.f32 v14, v12;
	vm7 =	vmand vm7, vm8  }
0x5e: {  	vm7 =	vmor vm15, vm7  }
0x5f: {  	v12 =	vsel vm7, v14, v12  }
0x60: {  	v13 =	vsel vm7, v15, v13;
	(v2sf) =	vpush v12, $0x0  }
0x61: {  	(v2sf) =	vpush v13, $0x0;
	_ =	sdelay $0x7  }
0x62: {  	v39 =	vld [tilespmem:s26+$0x300];
	_ =	sdelay $0x4  }
0x63: {  	v7 =	vsub.f32 v7, v10;
	v9 =	vsub.f32 v9, v39  }
0x64: {  	v8 =	vmul.f32 v11, v8;
	s4 =	spop (v2sf)  }
0x65: {  	v7 =	vmul.f32 v9, v7;
	s31 =	spop (v2sf);
	p1 =	sgt.f32 s4, $-5.000000080e+29  }
0x66: {  	[tilespmem:s3+$0xE80] =	vst v8;
	s3 =	ssub.s32 s31, s0  }
0x67: {  	[tilespmem:s26+$0xE80] =	vst v7;
	s3 =	simm.s32 @!p1 $0x0  }
0x68: {  	v7 =	vld.msk [tilespmem:s3+$0xE80 ss:$0x0], $0xffff  }
0x69: {  	v8 =	vld.msk [tilespmem:s3+$0x900 ss:$0x0], $0xffff  }
0x6a: {  	v40 =	vld.msk [tilespmem:s3+$0x600 ss:$0x0], $0xffff  }
0x6b: {  	v41 =	vld.msk [tilespmem:s3+$0x300 ss:$0x0], $0xffff  }
0x6c: {  	v42 =	vld.msk [tilespmem:s3+$0x0 ss:$0x0], $0xffff  }
0x6d: {  	v7 =	vsel vm1, v7, v5  }
0x6e: {  	v7 =	vsel vm2, v7, v8  }
0x6f: {  	v7 =	vsel vm3, v7, v40  }
0x70: {  	s6 =	scvt.s32.f32 s31;
	v7 =	vsel vm4, v7, v41  }
0x71: {  	vm7 =	veq.s32 v1, $0x1;
	v7 =	vsel vm5, v7, v42  }
0x72: {  	v7 =	vsel vm7, s6, v7  }
0x73: {  	v7 =	vsel vm6, v12, v7  }
0x74: {  	[tilespmem:$0x1200] =	vst v7  }
0x75: {  	[spmem:s11] =	stream.linear.scatter [tilespmem:s23], [sflag:$0x1], $0x10, $0x38;
	[tilespmem:$0x13A0] =	vst v63  }
0x76: {  	_ =	swait.ge [sflag:s17], $0x10  }
0x77: {  	[sflag:s17] =	ssyncset.done $0x0  }
0x78: {  	[sflag:s17] =	ssyncadd.s32 $0xFFFFFFF0  }
0x79: {  	[bflag:$0x0] =	sbarrier.arrive $0xFFFF  }
0x7a: {  	[tilespmem:s24], [sflag:$0x1] =	stream.linear.gather [spmem:s1], $0x100, $0x38;
	[tilespmem:$0x13A0] =	vst v63  }
0x7b: {  	_ =	swait.ge [sflag:s17], $0x100  }
0x7c: {  	[sflag:s17] =	ssyncset.done $0x0  }
0x7d: {  	[sflag:s17] =	ssyncadd.s32 $0xFFFFFF00  }
0x7e: {  	v7 =	vld [tilespmem:s12+$0x1280];
	_ =	sdelay $0x4  }
0x7f: {  	(v2sf) =	vpush v7, $0x0;
	_ =	sdelay $0x1  }
0x80: {  	v8 =	vld [tilespmem:s12+$0x1290];
	(v2sf) =	vpush v7, $0x1;
	_ =	sdelay $0x4  }
0x81: {  	(v2sf) =	vpush v8, $0x0  }
0x82: {  	(v2sf) =	vpush v8, $0x1  }
0x83: {  	v43 =	vld [tilespmem:s12+$0x12A0];
	_ =	sdelay $0x4  }
0x84: {  	(v2sf) =	vpush v43, $0x0  }
0x85: {  	s28 =	spop (v2sf);
	(v2sf) =	vpush v43, $0x1  }
0x86: {  	v44 =	vld [tilespmem:s12+$0x12B0]  }
0x87: {  	s26 =	spop (v2sf)  }
0x88: {  	p0 =	seq.f32 s28, $-1.000000020e+30;
	p2 =	slt.f32 s26, $1.073741820e+09  }
0x89: {  	_ = 	snop  }
0x8a: {  	p3 =	sgt.f32 s28, $-1.000000020e+30;
	p1 =	por !p0, !p2  }
0x8b: {  	(v2sf) =	vpush v44, $0x0;
	p1 =	por !p1, !p1  }
0x8c: {  	s3 =	spop (v2sf);
	(v2sf) =	vpush v44, $0x1;
	p0 =	por p3, p1  }
0x8d: {  	v45 =	vld [tilespmem:s12+$0x12C0];
	s4 =	spop (v2sf);
	s28 =	simm.s32 @!p0 $0xF149F2CA;
	s26 =	simm.s32 @!p0 $0x4E800000  }
0x8e: {  	p3 =	seq.f32 s3, s28;
	p5 =	slt.f32 s4, s26  }
0x8f: {  	_ = 	snop  }
0x90: {  	p4 =	sgt.f32 s3, s28;
	p2 =	por !p3, !p5  }
0x91: {  	p2 =	por !p2, !p2  }
0x92: {  	(v2sf) =	vpush v45, $0x0;
	p4 =	por p4, p2  }
0x93: {  	s28 =	smov.u32 @p4 s3;
	s3 =	spop (v2sf);
	(v2sf) =	vpush v45, $0x1  }
0x94: {  	v46 =	vld [tilespmem:s12+$0x12D0];
	s26 =	smov.u32 @p4 s4;
	s4 =	spop (v2sf)  }
0x95: {  	p6 =	seq.f32 s3, s28;
	p1 =	slt.f32 s4, s26  }
0x96: {  	_ = 	snop  }
0x97: {  	p5 =	sgt.f32 s3, s28;
	p2 =	por !p6, !p1  }
0x98: {  	p2 =	por !p2, !p2  }
0x99: {  	(v2sf) =	vpush v46, $0x0;
	p3 =	por p5, p2  }
0x9a: {  	s28 =	smov.u32 @p3 s3;
	s3 =	spop (v2sf)  }
0x9b: {  	(v2sf) =	vpush v46, $0x1;
	s26 =	smov.u32 @p3 s4;
	s4 =	spop (v2sf)  }
0x9c: {  	v47 =	vld [tilespmem:s12+$0x12E0];
	p5 =	seq.f32 s3, s28;
	p1 =	slt.f32 s4, s26  }
0x9d: {  	_ = 	snop  }
0x9e: {  	p6 =	sgt.f32 s3, s28;
	p2 =	por !p5, !p1  }
0x9f: {  	p2 =	por !p2, !p2  }
0xa0: {  	p2 =	por p6, p2  }
0xa1: {  	(v2sf) =	vpush v47, $0x0;
	s28 =	smov.u32 @p2 s3;
	s3 =	spop (v2sf)  }
0xa2: {  	v48 =	vld [tilespmem:s12+$0x12F0];
	(v2sf) =	vpush v47, $0x1;
	s26 =	smov.u32 @p2 s4;
	s4 =	spop (v2sf)  }
0xa3: {  	p5 =	seq.f32 s3, s28;
	p6 =	slt.f32 s4, s26  }
0xa4: {  	_ = 	snop  }
0xa5: {  	p1 =	sgt.f32 s3, s28;
	p5 =	por !p5, !p6  }
0xa6: {  	p5 =	por !p5, !p5  }
0xa7: {  	(v2sf) =	vpush v48, $0x0;
	p5 =	por p1, p5  }
0xa8: {  	s28 =	smov.u32 @p5 s3;
	s3 =	spop (v2sf);
	(v2sf) =	vpush v48, $0x1;
	_ =	sdelay $0x1  }
0xa9: {  	s26 =	smov.u32 @p5 s4;
	s4 =	spop (v2sf)  }
0xaa: {  	v49 =	vld [tilespmem:$0x1280];
	p1 =	seq.f32 s3, s28;
	p6 =	slt.f32 s4, s26  }
0xab: {  	v16 =	vld [tilespmem:$0x1290]  }
0xac: {  	v17 =	vld [tilespmem:$0x12A0];
	p1 =	por !p1, !p6;
	p6 =	sgt.f32 s3, s28  }
0xad: {  	v18 =	vld [tilespmem:$0x12B0];
	p1 =	por !p1, !p1  }
0xae: {  	s18 =	simm.s32 $0xFFFFFFFF;
	s29 =	simm.s32 $0xFFFFFFFF;
	v19 =	vld [tilespmem:$0x12C0];
	p1 =	por p6, p1  }
0xaf: {  	v20 =	vld [tilespmem:$0x12D0];
	v15 =	vmax.f32 v49, $0.0e+00;
	s18 =	simm.s32 @!p0 $0x0;
	s28 =	smov.u32 @p1 s3;
	s3 =	spop (v2sf)  }
0xb0: {  	v50 =	vld [tilespmem:$0x12E0];
	v15 =	vmax.f32 v15, v16;
	s29 =	simm.s32 @!p4 $0x0;
	s26 =	smov.u32 @p1 s4;
	s4 =	spop (v2sf)  }
0xb1: {  	v51 =	vld [tilespmem:$0x12F0];
	v15 =	vmax.f32 v15, v17;
	v7 =	vand.u32 s18, v7;
	s18 =	simm.s32 $0xFFFFFFFF;
	v21 =	vmov s29;
	p6 =	seq.f32 s3, s28;
	p0 =	slt.f32 s4, s26  }
0xb2: {  	v52 =	vld [tilespmem:$0x1300];
	v15 =	vmax.f32 v15, v18;
	v8 =	vand.u32 s29, v8;
	v7 =	vandn.u32 v7, v21;
	s18 =	simm.s32 @!p3 $0x0  }
0xb3: {  	v53 =	vld [tilespmem:$0x1310];
	v15 =	vmax.f32 v15, v19;
	s29 =	simm.s32 $0xFFFFFFFF;
	v7 =	vor.u32 v7, v8;
	v8 =	vmov s18;
	p6 =	por !p6, !p0;
	p0 =	sgt.f32 s3, s28  }
0xb4: {  	s30 =	simm.s32 $0xFFFFFFFF;
	v55 =	vld [tilespmem:$0x1320];
	v54 =	vmax.f32 v15, v20;
	v7 =	vandn.u32 v7, v8;
	v8 =	vand.u32 s18, v43;
	s29 =	simm.s32 @!p2 $0x0;
	p3 =	por !p6, !p6  }
0xb5: {  	v56 =	vld [tilespmem:$0x1330];
	v9 =	vmax.f32 v54, v50;
	v7 =	vor.u32 v7, v8;
	v8 =	vmov s29;
	s30 =	simm.s32 @!p5 $0x0;
	s18 =	spop (v2sf);
	p2 =	por p0, p3  }
0xb6: {  	v57 =	vld [tilespmem:$0x1340];
	v9 =	vmax.f32 v9, v51;
	v7 =	vandn.u32 v7, v8;
	v8 =	vand.u32 s29, v44;
	s28 =	smov.u32 @p2 s3;
	s26 =	smov.u32 @p2 s4;
	s3 =	spop (v2sf)  }
0xb7: {  	v58 =	vld [tilespmem:$0x1350];
	v9 =	vmax.f32 v9, v52;
	v7 =	vor.u32 v7, v8;
	v8 =	vmov s30;
	s4 =	simm.s32 $0xFFFFFFFF;
	p5 =	seq.f32 s18, s28;
	p6 =	slt.f32 s3, s26  }
0xb8: {  	v59 =	vld [tilespmem:$0x1360];
	v9 =	vmax.f32 v9, v53;
	v7 =	vandn.u32 v7, v8;
	v8 =	vand.u32 s30, v45;
	s4 =	simm.s32 @!p1 $0x0  }
0xb9: {  	v60 =	vld [tilespmem:$0x1370];
	v9 =	vmax.f32 v9, v55;
	s29 =	simm.s32 $0xFFFFFFFF;
	v7 =	vor.u32 v7, v8;
	p0 =	sgt.f32 s18, s28;
	v8 =	vmov s4;
	p3 =	por !p5, !p6  }
0xba: {  	v9 =	vmax.f32 v9, v56;
	s29 =	simm.s32 @!p2 $0x0;
	v7 =	vandn.u32 v7, v8;
	v8 =	vand.u32 s4, v46;
	p5 =	por !p3, !p3  }
0xbb: {  	v9 =	vmax.f32 v9, v57;
	s4 =	simm.s32 $0xFFFFFFFF;
	v7 =	vor.u32 v7, v8;
	v8 =	vmov s29;
	p1 =	por p0, p5  }
0xbc: {  	v61 =	vand.u32 s29, v47;
	v7 =	vandn.u32 v7, v8;
	v8 =	vmax.f32 v9, v58;
	s4 =	simm.s32 @!p1 $0x0  }
0xbd: {  	v7 =	vor.u32 v7, v61;
	v8 =	vmax.f32 v8, v59;
	v62 =	vmov s4  }
0xbe: {  	v8 =	vmax.f32 v8, v60;
	v63 =	vand.u32 s4, v48;
	v7 =	vandn.u32 v7, v62  }
0xbf: {  	(v2sf) =	vpush v8, $0x7;
	v7 =	vor.u32 v7, v63  }
0xc0: {  	(v2sf) =	vpush v7, $0x2  }
0xc1: {  	(v2sf) =	vpush v7, $0x3  }
0xc2: {  	(v2sf) =	vpush v7, $0x4  }
0xc3: {  	(v2sf) =	vpush v7, $0x5;
	_ =	sdelay $0xa  }
0xc4: {  	s4 =	spop (v2sf)  }
0xc5: {  	s29 =	spop (v2sf)  }
0xc6: {  	s7 =	spop (v2sf)  }
0xc7: {  	s19 =	sld [smem:$0x4];
	s31 =	spop (v2sf)  }
0xc8: {  	s20 =	spop (v2sf);
	s21 =	ssub.f32 s31, s29  }
0xc9: {  	s28 =	smov.u32 @p1 s18;
	s22 =	ssub.f32 s20, s7  }
0xca: {  	p2 =	sgt.f32 s28, $2.000000030e-01  }
0xcb: {  	s18 =	simm.f32 $2.000000030e-01;
	p6 =	sge.f32 s21, $1.000000000e+00;
	p0 =	sge.f32 s22, $1.000000000e+00  }
0xcc: {  	s6 =	sld [smem:$0x7FD];
	s19 =	sadd.s32 $0x1, s19;
	s18 =	simm.s32 @!p2 $0x0  }
0xcd: {  	[smem:$0x4] =	sst s19;
	p3 =	sgt.f32 s28, s18;
	(v2sf) =	vpush v7, $0x6;
	p6 =	por !p6, !p0  }
0xce: {  	[smem:$0x85] =	sst s18;
	p2 =	por !p6, !p6  }
0xcf: {  	s18 =	sld [smem:$0x0];
	p2 =	por !p3, !p2  }
0xd0: {  	s19 =	simm.s32 $0x1;
	p2 =	por !p2, !p2  }
0xd1: {  	s19 =	simm.s32 @!p2 $0x0  }
0xd2: {  	p5 =	seq.s32 s6, $0x1;
	s18 =	sadd.s32 s19, s18  }
0xd3: {  	p2 =	por !p2, p5;
	p0 =	slt.s32 s18, $0x5  }
0xd4: {  	s26 =	smov.u32 @p1 s3;
	s3 =	sld @!p2 [smem:$0x0];
	p6 =	por !p3, !p0  }
0xd5: {  	[smem:$0x0] =	sst s18;
	s18 =	simm.s32 $0x1;
	p1 =	por !p6, !p6  }
0xd6: {  	s28 =	scvt.f32.s32 s26;
	v8 =	vimm.s32 @!p2 $0x77705432;
	s18 =	simm.s32 @!p1 $0x0  }
0xd7: {  	v8 =	vunpack.c.l.s4.s8 @!p2 v8;
	[smem:$0x1] =	sst s18  }
0xd8: {  	[smem:$0x2] =	sst s28  }
0xd9: {  	v8 =	vunpack.c.0.s8.s32 @!p2 v8;
	[smem:$0x80] =	sst s29  }
.Ltmp3:
0xda: {  	vm7 =	vcmask @!p2 $0x1F00;
	[smem:$0x81] =	sst s7;
	(pc) =	sbr.rel .LBB2_4-.Ltmp3, $4  }
0xdb: {  	p1 =	sgt.f32 s4, $5.000000000e-01;
	v8 =	vnsel @!p2 vm7, $0x7, v8;
	s18 =	sshll.u32 @!p2 s3, $0x6;
	[smem:$0x82] =	sst s31  }
0xdc: {  	s3 =	simm.s32 $0x1;
	v7 =	vperm.xlane @!p2 v7, v8;
	s31 =	spop (v2sf);
	[smem:$0x83] =	sst s20  }
0xdd: {  	s18 =	sshra.s32 @!p2 s18, $0x2;
	s3 =	simm.s32 @!p1 $0x0;
	[smem:$0x84] =	sst s31  }
0xde: {  	s26 =	simm.s32 $0x0;
	s4 =	smov.u32 s3;
	[tilespmem:s18+$0x1180] =	vst @!p2 v7;
	[smem:$0x3] =	sst s3  }
.LBB2_13:
0xdf: {  	s26 =	sadd.s32 $0x1, s26  }
0xe0: {  	p0 =	sne.s32 s26, $0x50  }
.Ltmp4:
0xe1: {  	_ = 	snop;
	(pc) =	sbr.rel @!p0 .LBB2_14-.Ltmp4, $1  }
0xe2: {  	_ =	sdelay $0x3  }
.LBB2_4:
0xe3: {  	p1 =	sne.s32 s4, $0x1  }
.Ltmp5:
0xe4: {  	_ = 	snop;
	(pc) =	sbr.rel @p1 .LBB2_13-.Ltmp5, $4  }
.Ltmp6:
0xe5: {  	_ = 	snop;
	(pc) =	sbr.rel @!p1 .LBB2_5-.Ltmp6, $4  }
0xe6: {  	_ = 	snop  }
0xe7: {  	_ = 	snop  }
0xe8: {  	s28 =	simm.s32 $0x0;
	s4 =	simm.s32 $0x0  }
0xe9: {  	_ = 	snop  }
.LBB2_7:
0xea: {  	v7 =	vimm.s32 $0x40000000;
	v8 =	vimm.f32 $-1.000000020e+30;
	s3 =	simm.f32 $0.0e+00  }
.LBB2_11:
0xeb: {  	v9 =	vperm.xlane v8, v0;
	v10 =	vperm.xlane v7, v0;
	_ =	sdelay $0x1  }
0xec: {  	vm7 =	veq.f32 v9, v8;
	vm8 =	vlt.s32 v10, v7  }
0xed: {  	vm9 =	vgt.f32 v9, v8;
	vm7 =	vmand vm7, vm8  }
0xee: {  	vm7 =	vmor vm9, vm7  }
0xef: {  	v8 =	vsel vm7, v9, v8;
	v7 =	vsel vm7, v10, v7  }
0xf0: {  	v9 =	vperm.xlane v8, v2;
	v10 =	vperm.xlane v7, v2;
	_ =	sdelay $0x1  }
0xf1: {  	vm7 =	veq.f32 v9, v8;
	vm8 =	vlt.s32 v10, v7  }
0xf2: {  	vm13 =	vgt.f32 v9, v8;
	vm7 =	vmand vm7, vm8  }
0xf3: {  	vm7 =	vmor vm13, vm7  }
0xf4: {  	v8 =	vsel vm7, v9, v8;
	v7 =	vsel vm7, v10, v7  }
0xf5: {  	v9 =	vperm.xlane v8, v3;
	v10 =	vperm.xlane v7, v3;
	_ =	sdelay $0x1  }
0xf6: {  	vm7 =	veq.f32 v9, v8;
	vm8 =	vlt.s32 v10, v7  }
0xf7: {  	vm14 =	vgt.f32 v9, v8;
	vm7 =	vmand vm7, vm8  }
0xf8: {  	vm7 =	vmor vm14, vm7  }
0xf9: {  	v8 =	vsel vm7, v9, v8;
	v7 =	vsel vm7, v10, v7  }
0xfa: {  	v9 =	vperm.xlane v8, v4;
	v10 =	vperm.xlane v7, v4;
	_ =	sdelay $0x1  }
0xfb: {  	vm7 =	veq.f32 v9, v8;
	vm8 =	vlt.s32 v10, v7  }
0xfc: {  	vm15 =	vgt.f32 v9, v8;
	vm7 =	vmand vm7, vm8  }
0xfd: {  	vm7 =	vmor vm15, vm7  }
0xfe: {  	v8 =	vsel vm7, v9, v8  }
0xff: {  	v7 =	vsel vm7, v10, v7;
	(v2sf) =	vpush v8, $0x0  }
0x100: {  	(v2sf) =	vpush v7, $0x0;
	_ =	sdelay $0xd  }
0x101: {  	s4 =	spop (v2sf)  }
0x102: {  	s18 =	spop (v2sf);
	p1 =	sgt.f32 s4, $-5.000000080e+29  }
0x103: {  	s4 =	ssub.s32 s18, s0  }
0x104: {  	s4 =	simm.s32 @!p1 $0x0  }
0x105: {  	v7 =	vld.msk [tilespmem:s4+$0xE80 ss:$0x0], $0xffff  }
0x106: {  	v41 =	vld.msk [tilespmem:s4+$0x900 ss:$0x0], $0xffff  }
0x107: {  	v42 =	vld.msk [tilespmem:s4+$0x600 ss:$0x0], $0xffff  }
0x108: {  	v11 =	vmov s3;
	v12 =	vld.msk [tilespmem:s4+$0x300 ss:$0x0], $0xffff  }
0x109: {  	v11 =	vnsel vm0, $0x0, v11;
	v13 =	vld.msk [tilespmem:s4+$0x0 ss:$0x0], $0xffff  }
0x10a: {  	v7 =	vsel vm1, v7, v11  }
0x10b: {  	s29 =	sld [smem:$0x4];
	v7 =	vsel vm2, v7, v41  }
0x10c: {  	v7 =	vsel vm3, v7, v42  }
0x10d: {  	s30 =	scvt.s32.f32 s18;
	v7 =	vsel vm4, v7, v12  }
0x10e: {  	s3 =	sshll.u32 s29, $0x8;
	vm7 =	veq.s32 v1, $0x1;
	v7 =	vsel vm5, v7, v13  }
0x10f: {  	s3 =	sand.u32 $0x100, s3;
	v7 =	vsel vm7, s30, v7  }
0x110: {  	s3 =	sadd.s32 s3, s1;
	v7 =	vsel vm6, v8, v7  }
0x111: {  	s31 =	sadd.s32 s9, s3;
	[tilespmem:$0x1200] =	vst v7  }
0x112: {  	[spmem:s31] =	stream.linear.scatter [tilespmem:s23], [sflag:$0x1], $0x10, $0x38;
	[tilespmem:$0x13A0] =	vst v63  }
0x113: {  	_ =	swait.ge [sflag:s17], $0x10  }
0x114: {  	[sflag:s17] =	ssyncset.done $0x0  }
0x115: {  	[sflag:s17] =	ssyncadd.s32 $0xFFFFFFF0  }
0x116: {  	[bflag:$0x0] =	sbarrier.arrive $0xFFFF  }
0x117: {  	[tilespmem:s24], [sflag:$0x1] =	stream.linear.gather [spmem:s3], $0x100, $0x38;
	[tilespmem:$0x13A0] =	vst v63  }
0x118: {  	_ =	swait.ge [sflag:s17], $0x100  }
0x119: {  	[sflag:s17] =	ssyncset.done $0x0  }
0x11a: {  	[sflag:s17] =	ssyncadd.s32 $0xFFFFFF00  }
0x11b: {  	v7 =	vld [tilespmem:s12+$0x1280];
	_ =	sdelay $0x4  }
0x11c: {  	(v2sf) =	vpush v7, $0x0;
	_ =	sdelay $0x1  }
0x11d: {  	v8 =	vld [tilespmem:s12+$0x1290];
	(v2sf) =	vpush v7, $0x1;
	_ =	sdelay $0x4  }
0x11e: {  	(v2sf) =	vpush v8, $0x0  }
0x11f: {  	(v2sf) =	vpush v8, $0x1  }
0x120: {  	v43 =	vld [tilespmem:s12+$0x12A0];
	_ =	sdelay $0x4  }
0x121: {  	(v2sf) =	vpush v43, $0x0  }
0x122: {  	s30 =	spop (v2sf);
	(v2sf) =	vpush v43, $0x1  }
0x123: {  	v44 =	vld [tilespmem:s12+$0x12B0]  }
0x124: {  	s29 =	spop (v2sf)  }
0x125: {  	p0 =	seq.f32 s30, $-1.000000020e+30;
	p2 =	slt.f32 s29, $1.073741820e+09  }
0x126: {  	_ = 	snop  }
0x127: {  	p3 =	sgt.f32 s30, $-1.000000020e+30;
	p1 =	por !p0, !p2  }
0x128: {  	(v2sf) =	vpush v44, $0x0;
	p1 =	por !p1, !p1  }
0x129: {  	s3 =	spop (v2sf);
	(v2sf) =	vpush v44, $0x1;
	p1 =	por p3, p1  }
0x12a: {  	v45 =	vld [tilespmem:s12+$0x12C0];
	s4 =	spop (v2sf);
	s30 =	simm.s32 @!p1 $0xF149F2CA;
	s29 =	simm.s32 @!p1 $0x4E800000  }
0x12b: {  	p3 =	seq.f32 s3, s30;
	p5 =	slt.f32 s4, s29  }
0x12c: {  	_ = 	snop  }
0x12d: {  	p4 =	sgt.f32 s3, s30;
	p2 =	por !p3, !p5  }
0x12e: {  	p2 =	por !p2, !p2  }
0x12f: {  	(v2sf) =	vpush v45, $0x0;
	p4 =	por p4, p2  }
0x130: {  	s30 =	smov.u32 @p4 s3;
	s3 =	spop (v2sf);
	(v2sf) =	vpush v45, $0x1  }
0x131: {  	v46 =	vld [tilespmem:s12+$0x12D0];
	s29 =	smov.u32 @p4 s4;
	s4 =	spop (v2sf)  }
0x132: {  	p6 =	seq.f32 s3, s30;
	p0 =	slt.f32 s4, s29  }
0x133: {  	_ = 	snop  }
0x134: {  	p5 =	sgt.f32 s3, s30;
	p2 =	por !p6, !p0  }
0x135: {  	p2 =	por !p2, !p2  }
0x136: {  	(v2sf) =	vpush v46, $0x0;
	p3 =	por p5, p2  }
0x137: {  	s30 =	smov.u32 @p3 s3;
	s3 =	spop (v2sf)  }
0x138: {  	(v2sf) =	vpush v46, $0x1;
	s29 =	smov.u32 @p3 s4;
	s4 =	spop (v2sf)  }
0x139: {  	v47 =	vld [tilespmem:s12+$0x12E0];
	p5 =	seq.f32 s3, s30;
	p0 =	slt.f32 s4, s29  }
0x13a: {  	_ = 	snop  }
0x13b: {  	p6 =	sgt.f32 s3, s30;
	p2 =	por !p5, !p0  }
0x13c: {  	p2 =	por !p2, !p2  }
0x13d: {  	p2 =	por p6, p2  }
0x13e: {  	(v2sf) =	vpush v47, $0x0;
	s30 =	smov.u32 @p2 s3;
	s3 =	spop (v2sf)  }
0x13f: {  	v14 =	vld [tilespmem:s12+$0x12F0];
	(v2sf) =	vpush v47, $0x1;
	s29 =	smov.u32 @p2 s4;
	s4 =	spop (v2sf)  }
0x140: {  	p5 =	seq.f32 s3, s30;
	p6 =	slt.f32 s4, s29  }
0x141: {  	_ = 	snop  }
0x142: {  	p0 =	sgt.f32 s3, s30;
	p5 =	por !p5, !p6  }
0x143: {  	p5 =	por !p5, !p5  }
0x144: {  	(v2sf) =	vpush v14, $0x0;
	p5 =	por p0, p5  }
0x145: {  	s30 =	smov.u32 @p5 s3;
	s3 =	spop (v2sf);
	(v2sf) =	vpush v14, $0x1;
	_ =	sdelay $0x1  }
0x146: {  	s29 =	smov.u32 @p5 s4;
	s4 =	spop (v2sf)  }
0x147: {  	v15 =	vld [tilespmem:$0x1280];
	p0 =	seq.f32 s3, s30;
	p6 =	slt.f32 s4, s29  }
0x148: {  	v16 =	vld [tilespmem:$0x1290]  }
0x149: {  	v17 =	vld [tilespmem:$0x12A0];
	p0 =	por !p0, !p6;
	p6 =	sgt.f32 s3, s30  }
0x14a: {  	s18 =	simm.s32 $0xFFFFFFFF;
	v18 =	vld [tilespmem:$0x12B0];
	p0 =	por !p0, !p0  }
0x14b: {  	v19 =	vld [tilespmem:$0x12C0];
	s18 =	simm.s32 @!p1 $0x0;
	p1 =	por p6, p0  }
0x14c: {  	s19 =	simm.s32 $0xFFFFFFFF;
	v20 =	vld [tilespmem:$0x12D0];
	v15 =	vmax.f32 v15, $0.0e+00;
	s30 =	smov.u32 @p1 s3;
	s3 =	spop (v2sf)  }
0x14d: {  	v48 =	vld [tilespmem:$0x12E0];
	v15 =	vmax.f32 v15, v16;
	s19 =	simm.s32 @!p4 $0x0;
	s29 =	smov.u32 @p1 s4;
	s20 =	spop (v2sf)  }
0x14e: {  	v49 =	vld [tilespmem:$0x12F0];
	v15 =	vmax.f32 v15, v17;
	v7 =	vand.u32 s18, v7;
	v21 =	vmov s19;
	s4 =	simm.s32 $0xFFFFFFFF;
	p4 =	seq.f32 s3, s30;
	p6 =	slt.f32 s20, s29  }
0x14f: {  	v50 =	vld [tilespmem:$0x1300];
	v15 =	vmax.f32 v15, v18;
	v8 =	vand.u32 s19, v8;
	v7 =	vandn.u32 v7, v21;
	s4 =	simm.s32 @!p3 $0x0  }
0x150: {  	v51 =	vld [tilespmem:$0x1310];
	v15 =	vmax.f32 v15, v19;
	s18 =	simm.s32 $0xFFFFFFFF;
	v7 =	vor.u32 v7, v8;
	v8 =	vmov s4;
	p0 =	por !p4, !p6;
	p6 =	sgt.f32 s3, s30  }
0x151: {  	v53 =	vld [tilespmem:$0x1320];
	v52 =	vmax.f32 v15, v20;
	s19 =	simm.s32 $0xFFFFFFFF;
	s18 =	simm.s32 @!p2 $0x0;
	v7 =	vandn.u32 v7, v8;
	v8 =	vand.u32 s4, v43;
	p0 =	por !p0, !p0  }
0x152: {  	v54 =	vld [tilespmem:$0x1330];
	v9 =	vmax.f32 v52, v48;
	s19 =	simm.s32 @!p5 $0x0;
	s4 =	spop (v2sf);
	v7 =	vor.u32 v7, v8;
	v8 =	vmov s18;
	p2 =	por p6, p0  }
0x153: {  	v55 =	vld [tilespmem:$0x1340];
	v9 =	vmax.f32 v9, v49;
	v7 =	vandn.u32 v7, v8;
	v8 =	vand.u32 s18, v44;
	s30 =	smov.u32 @p2 s3;
	s29 =	smov.u32 @p2 s20;
	s3 =	spop (v2sf)  }
0x154: {  	v56 =	vld [tilespmem:$0x1350];
	v9 =	vmax.f32 v9, v50;
	s18 =	simm.s32 $0xFFFFFFFF;
	v7 =	vor.u32 v7, v8;
	v8 =	vmov s19;
	p4 =	seq.f32 s4, s30;
	p5 =	slt.f32 s3, s29  }
0x155: {  	v57 =	vld [tilespmem:$0x1360];
	v9 =	vmax.f32 v9, v51;
	s18 =	simm.s32 @!p1 $0x0;
	v7 =	vandn.u32 v7, v8;
	v8 =	vand.u32 s19, v45  }
0x156: {  	v58 =	vld [tilespmem:$0x1370];
	v9 =	vmax.f32 v9, v53;
	s19 =	simm.s32 $0xFFFFFFFF;
	v7 =	vor.u32 v7, v8;
	v8 =	vmov s18;
	p6 =	sgt.f32 s4, s30;
	p0 =	por !p4, !p5  }
0x157: {  	v59 =	vand.u32 s18, v46;
	s19 =	simm.s32 @!p2 $0x0;
	v7 =	vandn.u32 v7, v8;
	v8 =	vmax.f32 v9, v54;
	p0 =	por !p0, !p0  }
0x158: {  	s18 =	simm.s32 $0xFFFFFFFF;
	v60 =	vmov s19;
	v7 =	vor.u32 v7, v59;
	v8 =	vmax.f32 v8, v55;
	p1 =	por p6, p0  }
0x159: {  	v61 =	vand.u32 s19, v47;
	v7 =	vandn.u32 v7, v60;
	v8 =	vmax.f32 v8, v56;
	s18 =	simm.s32 @!p1 $0x0  }
0x15a: {  	v7 =	vor.u32 v7, v61;
	v8 =	vmax.f32 v8, v57;
	v62 =	vmov s18  }
0x15b: {  	v8 =	vmax.f32 v8, v58;
	v63 =	vand.u32 s18, v14;
	v7 =	vandn.u32 v7, v62  }
0x15c: {  	(v2sf) =	vpush v8, $0x7;
	v7 =	vor.u32 v7, v63  }
0x15d: {  	(v2sf) =	vpush v7, $0x2  }
0x15e: {  	(v2sf) =	vpush v7, $0x3  }
0x15f: {  	(v2sf) =	vpush v7, $0x4  }
0x160: {  	(v2sf) =	vpush v7, $0x5;
	_ =	sdelay $0x9  }
0x161: {  	s6 =	sld [smem:$0x4]  }
0x162: {  	s19 =	spop (v2sf)  }
0x163: {  	s20 =	spop (v2sf)  }
0x164: {  	s18 =	sadd.s32 $0x1, s6;
	s21 =	spop (v2sf)  }
0x165: {  	[smem:$0x4] =	sst s18;
	s31 =	spop (v2sf)  }
0x166: {  	s18 =	spop (v2sf);
	s22 =	ssub.f32 s31, s20  }
0x167: {  	s6 =	ssub.f32 s18, s21  }
0x168: {  	s7 =	sld [smem:$0x85]  }
0x169: {  	p2 =	sge.f32 s22, $1.000000000e+00;
	p3 =	sge.f32 s6, $1.000000000e+00  }
0x16a: {  	s30 =	smov.u32 @p1 s4  }
0x16b: {  	p4 =	sgt.f32 s30, s7;
	(v2sf) =	vpush v7, $0x6;
	p0 =	por !p2, !p3  }
0x16c: {  	s7 =	sld [smem:$0x0];
	p0 =	por !p0, !p0  }
0x16d: {  	s22 =	sld [smem:$0x7FD];
	p0 =	por !p4, !p0  }
0x16e: {  	s6 =	simm.s32 $0x1;
	p0 =	por !p0, !p0  }
0x16f: {  	s6 =	simm.s32 @!p0 $0x0  }
0x170: {  	p5 =	seq.s32 s22, $0x1;
	s4 =	sadd.s32 s6, s7  }
0x171: {  	p2 =	por !p0, p5;
	p6 =	slt.s32 s4, $0x5  }
0x172: {  	s29 =	smov.u32 @p1 s3;
	s3 =	sld @!p2 [smem:$0x0];
	p0 =	por !p4, !p6  }
0x173: {  	[smem:$0x0] =	sst s4;
	s4 =	simm.s32 $0x1;
	p0 =	por !p0, !p0  }
0x174: {  	s30 =	scvt.f32.s32 s29;
	v8 =	vimm.s32 @!p2 $0x77705432;
	s4 =	simm.s32 @!p0 $0x0  }
0x175: {  	v8 =	vunpack.c.l.s4.s8 @!p2 v8;
	[smem:$0x1] =	sst s4  }
0x176: {  	[smem:$0x2] =	sst s30  }
0x177: {  	v8 =	vunpack.c.0.s8.s32 @!p2 v8;
	[smem:$0x80] =	sst s20  }
0x178: {  	vm7 =	vcmask @!p2 $0x1F00;
	[smem:$0x81] =	sst s21  }
0x179: {  	p0 =	sgt.f32 s19, $5.000000000e-01;
	v8 =	vnsel @!p2 vm7, $0x7, v8;
	s4 =	sshll.u32 @!p2 s3, $0x6;
	[smem:$0x82] =	sst s31  }
0x17a: {  	s3 =	simm.s32 $0x1;
	v7 =	vperm.xlane @!p2 v7, v8;
	s31 =	spop (v2sf);
	[smem:$0x83] =	sst s18  }
0x17b: {  	s4 =	sshra.s32 @!p2 s4, $0x2;
	s3 =	simm.s32 @!p0 $0x0;
	[smem:$0x84] =	sst s31  }
0x17c: {  	[tilespmem:s4+$0x1180] =	vst @!p2 v7;
	[smem:$0x3] =	sst s3  }
.LBB2_12:
0x17d: {  	s28 =	sadd.s32 $0x1, s28  }
0x17e: {  	p0 =	sne.s32 s28, $0x40  }
.Ltmp7:
0x17f: {  	_ = 	snop;
	(pc) =	sbr.rel @!p0 .LBB2_13-.Ltmp7, $2  }
0x180: {  	_ =	sdelay $0x2  }
0x181: {  	s4 =	smov.u32 s3  }
.LBB2_5:
0x182: {  	p1 =	sne.s32 s3, $0x1  }
.Ltmp8:
0x183: {  	_ = 	snop;
	(pc) =	sbr.rel @p1 .LBB2_12-.Ltmp8, $2  }
0x184: {  	_ =	sdelay $0x2  }
0x185: {  	s3 =	simm.s32 $0x0  }
0x186: {  	s3 =	sld [smem:$0x1];
	_ =	sdelay $0x2  }
0x187: {  	p1 =	sne.s32 s3, $0x1  }
.Ltmp9:
0x188: {  	_ = 	snop;
	(pc) =	sbr.rel @p1 .LBB2_7-.Ltmp9, $1  }
0x189: {  	_ =	sdelay $0x3  }
0x18a: {  	s31 =	simm.s32 $0x0  }
0x18b: {  	v7 =	vld [tilespmem:s31+$0x0]  }
0x18c: {  	s3 =	sld [smem:$0x83];
	v10 =	vld [tilespmem:s31+$0x300]  }
0x18d: {  	s4 =	sld [smem:$0x81];
	v13 =	vld [tilespmem:s31+$0x600]  }
0x18e: {  	s18 =	sld [smem:$0x80];
	v14 =	vld [tilespmem:s31+$0x900]  }
0x18f: {  	s19 =	sld [smem:$0x82];
	_ =	sdelay $0x1  }
0x190: {  	v11 =	vmov s18;
	v12 =	vmov s4  }
0x191: {  	v15 =	vld [tilespmem:s31+$0xE80];
	v8 =	vmov s19;
	v9 =	vmov s3;
	v7 =	vmax.f32 v11, v7  }
0x192: {  	s21 =	sld [smem:$0x84];
	s3 =	simm.s32 $0x10;
	v10 =	vmax.f32 v12, v10;
	v13 =	vmin.f32 v8, v13;
	v14 =	vmin.f32 v9, v14  }
0x193: {  	v16 =	vld [tilespmem:s3+$0x300];
	v7 =	vsub.f32 v13, v7;
	v13 =	vsub.f32 v14, v10  }
0x194: {  	v17 =	vld [tilespmem:s3+$0x600]  }
0x195: {  	v14 =	vld [tilespmem:s3+$0x0];
	v10 =	vmov s21;
	v7 =	vmax.f32 v7, $0.0e+00;
	v13 =	vmax.f32 v13, $0.0e+00  }
0x196: {  	v22 =	vmul.f32 v13, v7;
	v7 =	vadd.f32 v15, v10;
	v13 =	vld [tilespmem:s3+$0x900];
	_ =	sdelay $0x1  }
0x197: {  	s30 =	simm.s32 $0x20;
	v7 =	vsub.f32 v7, v22  }
0x198: {  	v18 =	vld [tilespmem:s30+$0x0]  }
0x199: {  	v15 =	vmax.f32 v12, v16;
	v16 =	vld [tilespmem:s3+$0xE80];
	v7 =	vadd.f32 $9.999999710e-10, v7  }
0x19a: {  	v19 =	vld [tilespmem:s30+$0x300];
	v17 =	vmin.f32 v8, v17;
	v14 =	vmax.f32 v11, v14;
	v13 =	vmin.f32 v9, v13  }
0x19b: {  	v20 =	vld [tilespmem:s30+$0x900];
	(erf) = vrcp.f32 v7;
	v7 =	vsub.f32 v17, v14;
	v13 =	vsub.f32 v13, v15  }
0x19c: {  	v14 =	vld [tilespmem:s30+$0x600]  }
0x19d: {  	v7 =	vmax.f32 v7, $0.0e+00;
	v13 =	vmax.f32 v13, $0.0e+00  }
0x19e: {  	v15 =	vmul.f32 v13, v7;
	v7 =	vadd.f32 v16, v10  }
0x19f: {  	s29 =	simm.s32 $0x30  }
0x1a0: {  	v21 =	vmax.f32 v12, v19;
	v23 =	vmin.f32 v9, v20;
	v19 =	vld [tilespmem:s29+$0x300];
	v13 =	vsub.f32 v7, v15  }
0x1a1: {  	v20 =	vld [tilespmem:s29+$0x600];
	v25 =	vsub.f32 v23, v21;
	v16 =	vmax.f32 v11, v18;
	v14 =	vmin.f32 v8, v14  }
0x1a2: {  	s22 =	sld [smem:$0x2];
	v17 =	vld [tilespmem:s30+$0xE80];
	v16 =	vsub.f32 v14, v16;
	v24 =	vadd.f32 $9.999999710e-10, v13  }
0x1a3: {  	v18 =	vld [tilespmem:s29+$0x0]  }
0x1a4: {  	v21 =	vld [tilespmem:s31+$0xC00];
	v25 =	vmax.f32 v25, $0.0e+00;
	v23 =	vpop (erf);
	(erf) = vrcp.f32 v24  }
0x1a5: {  	v7 =	vmov s22;
	v14 =	vimm.s32 $0x40000000;
	v23 =	vmul.f32 v23, v22;
	v22 =	vld [tilespmem:s29+$0x900]  }
0x1a6: {  	s18 =	simm.s32 $0x100;
	s4 =	smov.u32 s0;
	vm7 =	veq.s32 v6, v7;
	v13 =	vimm.f32 $-1.000000020e+30;
	v24 =	vmax.f32 v16, $0.0e+00;
	v16 =	vmovc v6  }
.LBB2_9:
0x1a7: {  	p1 =	sne.s32 s18, $0x9C0;
	v24 =	vmul.f32 v25, v24;
	v25 =	vadd.f32 v17, v10;
	vm8 =	vgt.f32 v23, $4.000000060e-01  }
0x1a8: {  	v23 =	vmax.f32 v11, v18;
	v26 =	vmax.f32 v12, v19;
	vm7 =	vmor vm7, vm8  }
0x1a9: {  	s19 =	sshra.s32 s18, $0x2;
	v27 =	vmin.f32 v8, v20;
	v17 =	vld [tilespmem:s29+$0xE80];
	v20 =	vsub.f32 v25, v24;
	v25 =	vsel vm7, $0xF149F2CA, v21  }
0x1aa: {  	vm8 =	vlt.s32 v16, v14;
	v18 =	vld [tilespmem:s19+$0x0];
	v21 =	vmin.f32 v9, v22;
	[tilespmem:s31+$0xC00] =	vst v25;
	vm7 =	veq.f32 v25, v13;
	s31 =	smov.u32 s3;
	s3 =	smov.u32 s30;
	s30 =	smov.u32 s29  }
.Ltmp10:
0x1ab: {  	vm9 =	vgt.f32 v25, v13;
	s29 =	smov.u32 s19;
	v19 =	vld [tilespmem:s19+$0x300];
	v22 =	vadd.f32 $9.999999710e-10, v20;
	vm7 =	vmand vm8, vm7;
	(pc) =	sbr.rel @p1 .LBB2_9-.Ltmp10, $4  }
0x1ac: {  	v27 =	vsub.f32 v27, v23;
	v26 =	vsub.f32 v21, v26;
	v20 =	vld [tilespmem:s29+$0x600];
	vm7 =	vmor vm9, vm7  }
0x1ad: {  	s4 =	sadd.s32 $0x10, s4;
	(erf) = vrcp.f32 v22;
	v21 =	vld [tilespmem:s31+$0xC00];
	v23 =	vpop (erf);
	v13 =	vsel vm7, v25, v13;
	v14 =	vsel vm7, v16, v14  }
0x1ae: {  	v16 =	vor.u32 s4, v1;
	v22 =	vld [tilespmem:s29+$0x900];
	v23 =	vmul.f32 v23, v15;
	v15 =	vmov v24  }
0x1af: {  	s18 =	sadd.s32 $0x40, s18;
	v25 =	vmax.f32 v26, $0.0e+00;
	v24 =	vmax.f32 v27, $0.0e+00;
	vm7 =	veq.s32 v16, v7  }
0x1b0: {  	v24 =	vmul.f32 v25, v24;
	v17 =	vadd.f32 v17, v10  }
0x1b1: {  	vm8 =	vgt.f32 v23, $4.000000060e-01  }
0x1b2: {  	v11 =	vmax.f32 v11, v18;
	v56 =	vld [tilespmem:s29+$0xE80];
	v8 =	vmin.f32 v8, v20;
	v17 =	vsub.f32 v17, v24  }
0x1b3: {  	v12 =	vmax.f32 v12, v19;
	v8 =	vsub.f32 v8, v11;
	v9 =	vmin.f32 v9, v22  }
0x1b4: {  	vm7 =	vmor vm7, vm8;
	v17 =	vadd.f32 $9.999999710e-10, v17;
	v9 =	vsub.f32 v9, v12  }
0x1b5: {  	v11 =	vsel vm7, $0xF149F2CA, v21  }
0x1b6: {  	v8 =	vmax.f32 v8, $0.0e+00;
	(erf) = vrcp.f32 v17;
	v9 =	vmax.f32 v9, $0.0e+00  }
0x1b7: {  	[tilespmem:s31+$0xC00] =	vst v11;
	v8 =	vmul.f32 v9, v8;
	v9 =	vadd.f32 v56, v10  }
0x1b8: {  	v57 =	vpop (erf);
	v10 =	vld [tilespmem:s3+$0xC00]  }
0x1b9: {  	s4 =	sadd.s32 $0x10, s4;
	v12 =	vmul.f32 v57, v15;
	v9 =	vsub.f32 v9, v8  }
0x1ba: {  	v58 =	vor.u32 s4, v1  }
0x1bb: {  	vm7 =	veq.s32 v58, v7;
	vm8 =	vgt.f32 v12, $4.000000060e-01;
	v9 =	vadd.f32 $9.999999710e-10, v9  }
0x1bc: {  	vm7 =	vmor vm7, vm8  }
0x1bd: {  	v10 =	vsel vm7, $0xF149F2CA, v10;
	(erf) = vrcp.f32 v9  }
0x1be: {  	vm8 =	vlt.s32 v16, v14;
	vm7 =	veq.f32 v11, v13;
	[tilespmem:s3+$0xC00] =	vst v10  }
0x1bf: {  	vm9 =	vgt.f32 v11, v13;
	vm7 =	vmand vm8, vm7;
	v9 =	vld [tilespmem:s30+$0xC00];
	v59 =	vpop (erf)  }
0x1c0: {  	s31 =	sadd.s32 $0x10, s4;
	vm7 =	vmor vm9, vm7;
	v12 =	vmul.f32 v59, v24  }
0x1c1: {  	v60 =	vor.u32 s31, v1;
	v11 =	vsel vm7, v11, v13  }
0x1c2: {  	v61 =	vsel vm7, v16, v14;
	vm7 =	veq.s32 v60, v7;
	vm8 =	vgt.f32 v12, $4.000000060e-01  }
0x1c3: {  	vm12 =	veq.f32 v10, v11;
	vm10 =	vlt.s32 v58, v61;
	vm7 =	vmor vm7, vm8  }
0x1c4: {  	vm9 =	vmand vm10, vm12;
	vm8 =	vgt.f32 v10, v11;
	v9 =	vsel vm7, $0xF149F2CA, v9  }
0x1c5: {  	vm7 =	vmor vm8, vm9;
	[tilespmem:s30+$0xC00] =	vst v9  }
0x1c6: {  	s3 =	sadd.s32 $0x10, s31;
	v10 =	vsel vm7, v10, v11;
	v11 =	vld [tilespmem:s29+$0xC00];
	v62 =	vpop (erf)  }
0x1c7: {  	v63 =	vor.u32 s3, v1;
	v14 =	vsel vm7, v58, v61;
	v8 =	vmul.f32 v62, v8  }
0x1c8: {  	vm7 =	veq.f32 v9, v10;
	vm8 =	vlt.s32 v60, v14;
	vm13 =	vgt.f32 v9, v10  }
0x1c9: {  	vm7 =	vmand vm8, vm7;
	vm8 =	veq.s32 v63, v7;
	vm14 =	vgt.f32 v8, $4.000000060e-01  }
0x1ca: {  	vm7 =	vmor vm13, vm7;
	vm8 =	vmor vm8, vm14  }
.Ltmp11:
0x1cb: {  	v7 =	vsel vm7, v9, v10;
	v9 =	vsel vm7, v60, v14;
	v8 =	vsel vm8, $0xF149F2CA, v11;
	(pc) =	sbr.rel .LBB2_11-.Ltmp11, $4  }
0x1cc: {  	vm8 =	vlt.s32 v63, v9;
	vm7 =	veq.f32 v8, v7  }
0x1cd: {  	vm15 =	vgt.f32 v8, v7;
	vm7 =	vmand vm8, vm7  }
0x1ce: {  	vm7 =	vmor vm15, vm7  }
0x1cf: {  	s3 =	simm.f32 $1.000000000e+00;
	[tilespmem:s29+$0xC00] =	vst v8;
	v8 =	vsel vm7, v8, v7;
	v7 =	vsel vm7, v63, v9  }
.LBB2_15:
0x1d0: {  	_ =	sfence.sel $0x180000  }
0x1d1: {  	[bflag:$0x0] =	sbarrier.arrive $0xFFFF  }
0x1d2: {  	_ =	strace $0x90000047  }
0x1d3: {  	s0 =	stileid.u32;
	[bflag:$0x2] =	sbarrier.arrive $0xFFFF  }
0x1d4: {  	p0 =	sne.s32 s0, $0x0;
	s0 =	rddreg [dreg:$0x4]  }
0x1d5: {  	s0 =	sadd.s32 @!p0 $0x100000, s0  }
0x1d6: {  	[sflag:s0] =	ssyncadd.tile.s32 @!p0 $0x1;
	_ =	shalt  }
.Lfunc_end2:
_tile_overlayer_lowered:
.L_overlay_start_2:
0x1d7: {  	(tag) =	ssettag $0x2  }
0x1d8: {  	s0 =	rddreg [dreg:$0x0];
	s2 =	stileid.u32  }
0x1d9: {  	s1 =	rddreg [dreg:$0x1];
	p0 =	sne.s32 s2, $0x0  }
0x1da: {  	s3 =	rddreg [dreg:$0x2];
	[bflag:$0x3] =	sbarrier.arrive $0xFFFF;
	s2 =	simm.s32 @!p0 $0x1C01  }
0x1db: {  	[timem:s3], [sflag:s2] =	dma.local @!p0 [hbm:s0], s1  }
0x1dc: {  	s0 =	simm.s32 @!p0 $0x1  }
0x1dd: {  	_ =	swait.ge @!p0 [sflag:s0], s1  }
0x1de: {  	s1 =	ssub.s32 @!p0 $0x0, s1;
	[sflag:s0] =	ssyncset.done @!p0 $0x0  }
0x1df: {  	[sflag:s0] =	ssyncadd.s32 @!p0 s1  }
0x1e0: {  	[bflag:$0x3] =	sbarrier.arrive $0xFFFF  }
0x1e1: {  	_ =	shalt  }

</sc_bundles>
